<compile_context>
chip_gen: v7x
topology: tpu7x:2x2x1
jax: 0.10.2.dev20260603
libtpu: 0.0.44.dev20260713+nightly
codegen_flags: <defaults>
</compile_context>

<pallas_src>
import functools

import jax
import jax.numpy as jnp
from jax import lax
from jax.experimental import pallas as pl
from jax.experimental.pallas import tpu as pltpu
from jax.experimental.pallas import tpu_sc as plsc

NC = 2
NS = 16
NW = NC * NS
D = 32
LANES = 16
G = 128
NBUF = 8

_MESH = dict(core_axis_name="c", subcore_axis_name="s")
_CP = pltpu.CompilerParams(use_tc_tiling_on_sc=False)


def _worker_ids():
  c = lax.axis_index("c")
  s = lax.axis_index("s")
  return s * NC + c, s


def _shift_rowmap(sidx_v, ng, slab):
  @pl.loop(0, ng)
  def _(g):
    for j in range(0, G, LANES):
      sidx_v[g, pl.ds(j, LANES)] = sidx_v[g, pl.ds(j, LANES)] + slab


def _zero_slab(zeros_v, BW, acc_sh, slab):
  zero = jnp.zeros((LANES,), jnp.float32)

  @pl.loop(0, BW)
  def _(r):
    zeros_v[r, pl.ds(0, LANES)] = zero
    zeros_v[r, pl.ds(LANES, LANES)] = zero

  pltpu.sync_copy(zeros_v, acc_sh.at[pl.ds(slab, BW)])


def _bag_phase(tab_hbm, idx_v, sidx_v, ng, acc, bufs, gsems, ssems):
  for b in range(min(NBUF, ng)):
    pltpu.async_copy(tab_hbm.at[idx_v.at[b]], bufs[b], gsems[b])

  @pl.loop(0, (ng + NBUF - 1) // NBUF)
  def _(h):
    g0 = h * NBUF
    for b in range(NBUF):
      g = g0 + b

      @pl.when(g < ng)
      def _():
        pltpu.make_async_copy(
            tab_hbm.at[idx_v.at[g]], bufs[b], gsems[b]).wait()
        pltpu.async_copy(bufs[b], acc.at[sidx_v.at[g]], ssems[b], add=True)

        @pl.when(g + NBUF < ng)
        def _():
          pltpu.make_async_copy(
              bufs[b], acc.at[sidx_v.at[g]], ssems[b]).wait()
          pltpu.async_copy(tab_hbm.at[idx_v.at[g + NBUF]], bufs[b], gsems[b])

  for b in range(min(NBUF, ng)):
    pltpu.make_async_copy(bufs[b], acc.at[sidx_v.at[0]], ssems[b]).wait()


def _build_small_kernel(B, n_small):
  BW = B // NW

  @functools.partial(
      pl.kernel,
      out_type=jax.ShapeDtypeStruct((B, D), jnp.float32),
      mesh=plsc.VectorSubcoreMesh(**_MESH),
      compiler_params=_CP,
      scratch_types=[
          pltpu.VMEM((n_small, G), jnp.int32),
          pltpu.VMEM((n_small, G), jnp.int32),
          [pltpu.VMEM((G, D), jnp.float32)] * NBUF,
          [pltpu.SemaphoreType.DMA] * NBUF,
          [pltpu.SemaphoreType.DMA] * NBUF,
          pltpu.VMEM((BW, D), jnp.float32),
          pltpu.VMEM_SHARED((NS * BW, D), jnp.float32),
      ],
  )
  def k(small_idx, maps_small, s_tab, out_c,
        idx_v, sidx_v, bufs, gsems, ssems, zeros_v, acc_sh):
    wid, s = _worker_ids()
    base = wid * BW
    slab = s * BW
    pltpu.sync_copy(small_idx.at[wid], idx_v)
    pltpu.sync_copy(maps_small, sidx_v)
    _shift_rowmap(sidx_v, n_small, slab)
    _zero_slab(zeros_v, BW, acc_sh, slab)
    _bag_phase(s_tab, idx_v, sidx_v, n_small, acc_sh, bufs, gsems, ssems)
    pltpu.sync_copy(acc_sh.at[pl.ds(slab, BW)], out_c.at[pl.ds(base, BW)])

  return k


def _build_items_kernel(B, n_items):
  BW = B // NW

  @functools.partial(
      pl.kernel,
      out_type=(jax.ShapeDtypeStruct((B, D), jnp.float32),
                jax.ShapeDtypeStruct((B, D), jnp.float32)),
      mesh=plsc.VectorSubcoreMesh(**_MESH),
      compiler_params=_CP,
      scratch_types=[
          pltpu.VMEM((n_items, G), jnp.int32),
          pltpu.VMEM((n_items, G), jnp.int32),
          pltpu.VMEM((G,), jnp.int32),
          [pltpu.VMEM((G, D), jnp.float32)] * NBUF,
          [pltpu.SemaphoreType.DMA] * NBUF,
          [pltpu.SemaphoreType.DMA] * NBUF,
          pltpu.VMEM((BW, D), jnp.float32),
          pltpu.VMEM_SHARED((NS * BW, D), jnp.float32),
      ],
  )
  def k(items_idx, users_idx, maps_items, i_tab, u_tab, out_i, out_u,
        idx_v, sidx_v, idx_users_v, bufs, gsems, ssems, zeros_v, acc_sh):
    wid, s = _worker_ids()
    base = wid * BW
    slab = s * BW
    pltpu.sync_copy(items_idx.at[wid], idx_v)
    pltpu.sync_copy(users_idx.at[wid], idx_users_v)
    pltpu.sync_copy(maps_items, sidx_v)
    _shift_rowmap(sidx_v, n_items, slab)
    _zero_slab(zeros_v, BW, acc_sh, slab)
    _bag_phase(i_tab, idx_v, sidx_v, n_items, acc_sh, bufs, gsems, ssems)
    pltpu.sync_copy(acc_sh.at[pl.ds(slab, BW)], out_i.at[pl.ds(base, BW)])
    pltpu.async_copy(u_tab.at[idx_users_v], bufs[0], gsems[0]).wait()
    pltpu.sync_copy(bufs[0], out_u.at[pl.ds(base, BW)])

  return k


def _tr_body(x_ref, o_ref):
  y = x_ref[...].T
  pk = o_ref.shape[0]
  z = y.reshape(pk, 128 // y.shape[1], y.shape[1])
  o_ref[...] = jnp.concatenate(
      [z[:, q, :] for q in range(z.shape[1])], axis=1)


def _to_linear_rowmajor(w, blk=8192):
  n, d = w.shape
  t = jnp.swapaxes(w, 0, 1)
  grid = (n + blk - 1) // blk
  pk = blk * d // 128
  out = pl.pallas_call(
      _tr_body,
      grid=(grid,),
      in_specs=[pl.BlockSpec((d, blk), lambda i: (0, i))],
      out_specs=pl.BlockSpec((pk, 128), lambda i: (i, 0)),
      out_shape=jax.ShapeDtypeStruct((n * d // 128, 128), jnp.float32),
  )(t)
  return out.reshape(n, d)


def _dot_body(x_ref, y_ref, z_ref, o_ref):
  o_ref[...] = jnp.sum(x_ref[...] * (y_ref[...] + z_ref[...]), axis=1)


def _rowwise_dot(x, y, z):
  B = x.shape[0]
  return pl.pallas_call(
      _dot_body,
      out_shape=jax.ShapeDtypeStruct((B,), jnp.float32),
  )(x, y, z)


def kernel(cates, attrs, cate_context, attr_context, users, items,
           u_emb_w, i_emb_w, cate_w, attr_w, cate_c_w, attr_c_w):
  B = cates.shape[0]
  C = cate_w.shape[0]
  A = attr_w.shape[0]
  CC = cate_c_w.shape[0]
  BW = B // NW

  small_tab = jnp.concatenate([
      cate_w.at[-1].set(0.0),
      attr_w.at[-1].set(0.0),
      cate_c_w.at[-1].set(0.0),
      attr_c_w.at[-1].set(0.0),
  ], axis=0)
  small_idx = jnp.concatenate([
      cates,
      attrs + C,
      cate_context + C + A,
      attr_context + C + A + CC,
  ], axis=1)

  k_items = items.shape[1]
  k_small = small_idx.shape[1]
  n_items = (BW * k_items) // G
  n_small = (BW * k_small) // G

  items_b = items.astype(jnp.int32).reshape(NW, n_items, G)
  small_b = small_idx.astype(jnp.int32).reshape(NW, n_small, G)
  users_b = users.reshape(NW, G).astype(jnp.int32)

  maps_items = (jnp.arange(n_items * G, dtype=jnp.int32) // k_items
                ).reshape(n_items, G)
  maps_small = (jnp.arange(n_small * G, dtype=jnp.int32) // k_small
                ).reshape(n_small, G)

  small_b, maps_small, small_tab, i_emb_w, u_emb_w = (
      lax.optimization_barrier((small_b, maps_small, small_tab,
                                i_emb_w, u_emb_w)))

  acc_c = _build_small_kernel(B, n_small)(small_b, maps_small, small_tab)

  i_tab = _to_linear_rowmajor(i_emb_w)
  u_tab = _to_linear_rowmajor(u_emb_w)
  acc_i, u_acc = _build_items_kernel(B, n_items)(
      items_b, users_b, maps_items, i_tab, u_tab)
  return _rowwise_dot(acc_i, acc_c, u_acc)

# --- scband reference (transcript-rebuilt; emitter-appended) ---
"""Pipeline reference for scband-model-4200478016050 (READ-ONLY COPY).

The authoritative reference and input builder live on the scoring server;
editing this copy changes nothing except your own understanding.
"""

import jax, jax.numpy as jnp
import numpy as np

B = 4096
D = 32
USER = 100000
ITEM = 1000000
CATE = 1001  # cate_pad + 1
ATTR = 1001  # attr_pad + 1


def setup_inputs(seed: int = 0) -> dict:
    key = jax.random.key(seed)
    ks = jax.random.split(key, 12)
    cates = jax.random.randint(ks[0], (B, 20), 0, CATE)
    attrs = jax.random.randint(ks[1], (B, 20), 0, ATTR)
    cate_context = jax.random.randint(ks[2], (B, 50), 0, CATE)
    attr_context = jax.random.randint(ks[3], (B, 50), 0, ATTR)
    users = jax.random.randint(ks[4], (B, 1), 0, USER)
    items = jax.random.randint(ks[5], (B, 50), 0, ITEM)
    u_emb_w = jax.random.normal(ks[6], (USER, D), dtype=jnp.float32) * 0.01
    i_emb_w = jax.random.normal(ks[7], (ITEM, D), dtype=jnp.float32) * 0.01
    cate_w = jax.random.normal(ks[8], (CATE, D), dtype=jnp.float32) * 0.01
    attr_w = jax.random.normal(ks[9], (ATTR, D), dtype=jnp.float32) * 0.01
    cate_c_w = jax.random.normal(ks[10], (CATE, D), dtype=jnp.float32) * 0.01
    attr_c_w = jax.random.normal(ks[11], (ATTR, D), dtype=jnp.float32) * 0.01
    return {
        "cates": cates,
        "attrs": attrs,
        "cate_context": cate_context,
        "attr_context": attr_context,
        "users": users,
        "items": items,
        "u_emb_w": u_emb_w,
        "i_emb_w": i_emb_w,
        "cate_w": cate_w,
        "attr_w": attr_w,
        "cate_c_w": cate_c_w,
        "attr_c_w": attr_c_w,
    }


def reference(cates, attrs, cate_context, attr_context, users, items,
              u_emb_w, i_emb_w, cate_w, attr_w, cate_c_w, attr_c_w):
    # padding_idx = -1 (last row) behavior: last row is always zero
    cate_w = cate_w.at[-1].set(0.0)
    attr_w = attr_w.at[-1].set(0.0)
    cate_c_w = cate_c_w.at[-1].set(0.0)
    attr_c_w = attr_c_w.at[-1].set(0.0)

    u_emb = jnp.take(u_emb_w, users, axis=0)            # [B, 1, D]
    c_emb = jnp.take(cate_w, cates, axis=0)             # [B, 20, D]
    a_emb = jnp.take(attr_w, attrs, axis=0)             # [B, 20, D]
    c_emb_c = jnp.take(cate_c_w, cate_context, axis=0)  # [B, 50, D]
    a_emb_c = jnp.take(attr_c_w, attr_context, axis=0)  # [B, 50, D]

    cat_emb = jnp.concatenate((u_emb, c_emb, a_emb, c_emb_c, a_emb_c), axis=1)  # [B, 141, D]
    i_emb = jnp.take(i_emb_w, items, axis=0)            # [B, 50, D]
    # torch.bmm(i_emb, cat_emb.transpose(1, 2)).sum(-1).sum(-1)
    scores = jnp.matmul(i_emb, jnp.swapaxes(cat_emb, 1, 2))  # [B, 50, 141]
    return scores.sum(axis=-1).sum(axis=-1)             # [B]

if __name__ == "__main__":
    import jax
    _d = setup_inputs()
    print(jax.jit(kernel)(*tuple(_d.values())))

</pallas_src>

<mosaic_0001>
#map = affine_map<(d0, d1) -> (0, 0, 0)>
#map1 = affine_map<(d0, d1) -> (0, 0)>
module attributes {stable_mosaic.version = 14 : i64} {
  func.func @k(%arg0: i32, %arg1: i32, %arg2: memref<32x140x128xi32, #tpu.memory_space<hbm>>, %arg3: memref<140x128xi32, #tpu.memory_space<hbm>>, %arg4: memref<4004x32xf32, #tpu.memory_space<hbm>>, %arg5: memref<4096x32xf32, #tpu.memory_space<hbm>>, %arg6: memref<140x128xi32, #tpu.memory_space<vmem>>, %arg7: memref<140x128xi32, #tpu.memory_space<vmem>>, %arg8: memref<128x32xf32, #tpu.memory_space<vmem>>, %arg9: memref<128x32xf32, #tpu.memory_space<vmem>>, %arg10: memref<128x32xf32, #tpu.memory_space<vmem>>, %arg11: memref<128x32xf32, #tpu.memory_space<vmem>>, %arg12: memref<128x32xf32, #tpu.memory_space<vmem>>, %arg13: memref<128x32xf32, #tpu.memory_space<vmem>>, %arg14: memref<128x32xf32, #tpu.memory_space<vmem>>, %arg15: memref<128x32xf32, #tpu.memory_space<vmem>>, %arg16: memref<!tpu.dma_semaphore, #tpu.memory_space<semaphore_mem>>, %arg17: memref<!tpu.dma_semaphore, #tpu.memory_space<semaphore_mem>>, %arg18: memref<!tpu.dma_semaphore, #tpu.memory_space<semaphore_mem>>, %arg19: memref<!tpu.dma_semaphore, #tpu.memory_space<semaphore_mem>>, %arg20: memref<!tpu.dma_semaphore, #tpu.memory_space<semaphore_mem>>, %arg21: memref<!tpu.dma_semaphore, #tpu.memory_space<semaphore_mem>>, %arg22: memref<!tpu.dma_semaphore, #tpu.memory_space<semaphore_mem>>, %arg23: memref<!tpu.dma_semaphore, #tpu.memory_space<semaphore_mem>>, %arg24: memref<!tpu.dma_semaphore, #tpu.memory_space<semaphore_mem>>, %arg25: memref<!tpu.dma_semaphore, #tpu.memory_space<semaphore_mem>>, %arg26: memref<!tpu.dma_semaphore, #tpu.memory_space<semaphore_mem>>, %arg27: memref<!tpu.dma_semaphore, #tpu.memory_space<semaphore_mem>>, %arg28: memref<!tpu.dma_semaphore, #tpu.memory_space<semaphore_mem>>, %arg29: memref<!tpu.dma_semaphore, #tpu.memory_space<semaphore_mem>>, %arg30: memref<!tpu.dma_semaphore, #tpu.memory_space<semaphore_mem>>, %arg31: memref<!tpu.dma_semaphore, #tpu.memory_space<semaphore_mem>>, %arg32: memref<128x32xf32, #tpu.memory_space<vmem>>, %arg33: memref<2048x32xf32, #tpu.memory_space<vmem_shared>>) attributes {dimension_semantics = [#tpu.dimension_semantics<core_parallel>, #tpu.dimension_semantics<subcore_parallel>], iteration_bounds = array<i64: 2, 16>, scalar_prefetch = 0 : i64, scratch_operands = 28 : i64, tpu.core_type = #tpu.core_type<sc_vector_subcore>, window_params = [{transform_indices = #map}, {transform_indices = #map1}, {transform_indices = #map1}, {transform_indices = #map1}]} {
    %mul3A = arith.constant 2 : i32
    %mul3A_0 = arith.muli %arg1, %mul3A : i32
    %add3A = arith.addi %mul3A_0, %arg0 : i32
    %mul3A_1 = arith.constant 128 : i32
    %mul3A_2 = arith.muli %add3A, %mul3A_1 : i32
    %mul3A_3 = arith.constant 128 : i32
    %mul3A_4 = arith.muli %arg1, %mul3A_3 : i32
    "tpu.region"() ({
      %run_scoped3A = tpu.sem_alloc : memref<!tpu.dma_semaphore, #tpu.memory_space<semaphore_mem>>
      %dma_start3A_130 = arith.constant 0 : i32
      %dma_start3A_131 = arith.constant 0 : i32
      %dma_start3A_132 = tpu.memref_slice %arg2[%add3A, %dma_start3A_130, %dma_start3A_131] : memref<32x140x128xi32, #tpu.memory_space<hbm>> -> memref<1x140x128xi32, #tpu.memory_space<hbm>>
      %dma_start3A_133 = tpu.memref_squeeze %dma_start3A_132 : memref<1x140x128xi32, #tpu.memory_space<hbm>> -> memref<140x128xi32, #tpu.memory_space<hbm>>
      %dma_start3A_134 = arith.constant 0 : i32
      %dma_start3A_135 = arith.constant 0 : i32
      %dma_start3A_136 = tpu.memref_slice %arg2[%add3A, %dma_start3A_134, %dma_start3A_135] : memref<32x140x128xi32, #tpu.memory_space<hbm>> -> memref<1x140x128xi32, #tpu.memory_space<hbm>>
      %dma_start3A_137 = tpu.memref_squeeze %dma_start3A_136 : memref<1x140x128xi32, #tpu.memory_space<hbm>> -> memref<140x128xi32, #tpu.memory_space<hbm>>
      tpu.enqueue_dma source(%dma_start3A_137 : memref<140x128xi32, #tpu.memory_space<hbm>>) target(%arg6 : memref<140x128xi32, #tpu.memory_space<vmem>>) target_semaphore(%run_scoped3A : memref<!tpu.dma_semaphore, #tpu.memory_space<semaphore_mem>>)
      %dma_wait3A_138 = arith.constant 0 : i32
      %dma_wait3A_139 = arith.constant 0 : i32
      %dma_wait3A_140 = tpu.memref_slice %arg2[%add3A, %dma_wait3A_138, %dma_wait3A_139] : memref<32x140x128xi32, #tpu.memory_space<hbm>> -> memref<1x140x128xi32, #tpu.memory_space<hbm>>
      %dma_wait3A_141 = tpu.memref_squeeze %dma_wait3A_140 : memref<1x140x128xi32, #tpu.memory_space<hbm>> -> memref<140x128xi32, #tpu.memory_space<hbm>>
      %dma_wait3A_142 = arith.constant 0 : i32
      %dma_wait3A_143 = arith.constant 0 : i32
      %dma_wait3A_144 = tpu.memref_slice %arg2[%add3A, %dma_wait3A_142, %dma_wait3A_143] : memref<32x140x128xi32, #tpu.memory_space<hbm>> -> memref<1x140x128xi32, #tpu.memory_space<hbm>>
      %dma_wait3A_145 = tpu.memref_squeeze %dma_wait3A_144 : memref<1x140x128xi32, #tpu.memory_space<hbm>> -> memref<140x128xi32, #tpu.memory_space<hbm>>
      tpu.wait_dma2 semaphore(%run_scoped3A : memref<!tpu.dma_semaphore, #tpu.memory_space<semaphore_mem>>) src(%dma_wait3A_145 : memref<140x128xi32, #tpu.memory_space<hbm>>) dst(%arg6 : memref<140x128xi32, #tpu.memory_space<vmem>>)
      tpu.yield
    }) : () -> ()
    "tpu.region"() ({
      %run_scoped3A = tpu.sem_alloc : memref<!tpu.dma_semaphore, #tpu.memory_space<semaphore_mem>>
      tpu.enqueue_dma source(%arg3 : memref<140x128xi32, #tpu.memory_space<hbm>>) target(%arg7 : memref<140x128xi32, #tpu.memory_space<vmem>>) target_semaphore(%run_scoped3A : memref<!tpu.dma_semaphore, #tpu.memory_space<semaphore_mem>>)
      tpu.wait_dma2 semaphore(%run_scoped3A : memref<!tpu.dma_semaphore, #tpu.memory_space<semaphore_mem>>) src(%arg3 : memref<140x128xi32, #tpu.memory_space<hbm>>) dst(%arg7 : memref<140x128xi32, #tpu.memory_space<vmem>>)
      tpu.yield
    }) : () -> ()
    %scan3A = arith.constant 0 : i32
    %scan3A_5 = arith.constant 140 : i32
    %scan3A_6 = arith.addi %scan3A, %scan3A_5 : i32
    %scan3A_7 = arith.constant 1 : i32
    scf.for %scan3A_130 = %scan3A to %scan3A_6 step %scan3A_7  : i32 {
      %mul3A_131 = arith.constant 1 : i32
      %mul3A_132 = arith.muli %scan3A_130, %mul3A_131 : i32
      %add3A_133 = arith.constant 0 : i32
      %add3A_134 = arith.addi %add3A_133, %mul3A_132 : i32
      %get3A = arith.index_cast %add3A_134 : i32 to index
      %get3A_135 = arith.constant 0 : index
      %get3A_136 = tpu.vector_load %arg7[%get3A, %get3A_135] {strides = array<i32>} : memref<140x128xi32, #tpu.memory_space<vmem>>, vector<1x16xi32>,
      %get3A_137 = vector.shape_cast %get3A_136 : vector<1x16xi32> to vector<16xi32>
      %add3A_138 = vector.broadcast %mul3A_4 : i32 to vector<16xi32>
      %add3A_139 = arith.addi %get3A_137, %add3A_138 : vector<16xi32>
      %swap3A = arith.index_cast %add3A_134 : i32 to index
      %swap3A_140 = arith.constant 0 : index
      %swap3A_141 = tpu.vector_load %arg7[%swap3A, %swap3A_140] {strides = array<i32>} : memref<140x128xi32, #tpu.memory_space<vmem>>, vector<1x16xi32>,
      %swap3A_142 = vector.shape_cast %swap3A_141 : vector<1x16xi32> to vector<16xi32>
      %swap3A_143 = vector.shape_cast %add3A_139 : vector<16xi32> to vector<1x16xi32>
      tpu.vector_store %arg7[%swap3A, %swap3A_140], %swap3A_143 {strides = array<i32>} : memref<140x128xi32, #tpu.memory_space<vmem>>, vector<1x16xi32>,
      %get3A_144 = arith.index_cast %add3A_134 : i32 to index
      %get3A_145 = arith.constant 16 : index
      %get3A_146 = tpu.vector_load %arg7[%get3A_144, %get3A_145] {strides = array<i32>} : memref<140x128xi32, #tpu.memory_space<vmem>>, vector<1x16xi32>,
      %get3A_147 = vector.shape_cast %get3A_146 : vector<1x16xi32> to vector<16xi32>
      %add3A_148 = vector.broadcast %mul3A_4 : i32 to vector<16xi32>
      %add3A_149 = arith.addi %get3A_147, %add3A_148 : vector<16xi32>
      %swap3A_150 = arith.index_cast %add3A_134 : i32 to index
      %swap3A_151 = arith.constant 16 : index
      %swap3A_152 = tpu.vector_load %arg7[%swap3A_150, %swap3A_151] {strides = array<i32>} : memref<140x128xi32, #tpu.memory_space<vmem>>, vector<1x16xi32>,
      %swap3A_153 = vector.shape_cast %swap3A_152 : vector<1x16xi32> to vector<16xi32>
      %swap3A_154 = vector.shape_cast %add3A_149 : vector<16xi32> to vector<1x16xi32>
      tpu.vector_store %arg7[%swap3A_150, %swap3A_151], %swap3A_154 {strides = array<i32>} : memref<140x128xi32, #tpu.memory_space<vmem>>, vector<1x16xi32>,
      %get3A_155 = arith.index_cast %add3A_134 : i32 to index
      %get3A_156 = arith.constant 32 : index
      %get3A_157 = tpu.vector_load %arg7[%get3A_155, %get3A_156] {strides = array<i32>} : memref<140x128xi32, #tpu.memory_space<vmem>>, vector<1x16xi32>,
      %get3A_158 = vector.shape_cast %get3A_157 : vector<1x16xi32> to vector<16xi32>
      %add3A_159 = vector.broadcast %mul3A_4 : i32 to vector<16xi32>
      %add3A_160 = arith.addi %get3A_158, %add3A_159 : vector<16xi32>
      %swap3A_161 = arith.index_cast %add3A_134 : i32 to index
      %swap3A_162 = arith.constant 32 : index
      %swap3A_163 = tpu.vector_load %arg7[%swap3A_161, %swap3A_162] {strides = array<i32>} : memref<140x128xi32, #tpu.memory_space<vmem>>, vector<1x16xi32>,
      %swap3A_164 = vector.shape_cast %swap3A_163 : vector<1x16xi32> to vector<16xi32>
      %swap3A_165 = vector.shape_cast %add3A_160 : vector<16xi32> to vector<1x16xi32>
      tpu.vector_store %arg7[%swap3A_161, %swap3A_162], %swap3A_165 {strides = array<i32>} : memref<140x128xi32, #tpu.memory_space<vmem>>, vector<1x16xi32>,
      %get3A_166 = arith.index_cast %add3A_134 : i32 to index
      %get3A_167 = arith.constant 48 : index
      %get3A_168 = tpu.vector_load %arg7[%get3A_166, %get3A_167] {strides = array<i32>} : memref<140x128xi32, #tpu.memory_space<vmem>>, vector<1x16xi32>,
      %get3A_169 = vector.shape_cast %get3A_168 : vector<1x16xi32> to vector<16xi32>
      %add3A_170 = vector.broadcast %mul3A_4 : i32 to vector<16xi32>
      %add3A_171 = arith.addi %get3A_169, %add3A_170 : vector<16xi32>
      %swap3A_172 = arith.index_cast %add3A_134 : i32 to index
      %swap3A_173 = arith.constant 48 : index
      %swap3A_174 = tpu.vector_load %arg7[%swap3A_172, %swap3A_173] {strides = array<i32>} : memref<140x128xi32, #tpu.memory_space<vmem>>, vector<1x16xi32>,
      %swap3A_175 = vector.shape_cast %swap3A_174 : vector<1x16xi32> to vector<16xi32>
      %swap3A_176 = vector.shape_cast %add3A_171 : vector<16xi32> to vector<1x16xi32>
      tpu.vector_store %arg7[%swap3A_172, %swap3A_173], %swap3A_176 {strides = array<i32>} : memref<140x128xi32, #tpu.memory_space<vmem>>, vector<1x16xi32>,
      %get3A_177 = arith.index_cast %add3A_134 : i32 to index
      %get3A_178 = arith.constant 64 : index
      %get3A_179 = tpu.vector_load %arg7[%get3A_177, %get3A_178] {strides = array<i32>} : memref<140x128xi32, #tpu.memory_space<vmem>>, vector<1x16xi32>,
      %get3A_180 = vector.shape_cast %get3A_179 : vector<1x16xi32> to vector<16xi32>
      %add3A_181 = vector.broadcast %mul3A_4 : i32 to vector<16xi32>
      %add3A_182 = arith.addi %get3A_180, %add3A_181 : vector<16xi32>
      %swap3A_183 = arith.index_cast %add3A_134 : i32 to index
      %swap3A_184 = arith.constant 64 : index
      %swap3A_185 = tpu.vector_load %arg7[%swap3A_183, %swap3A_184] {strides = array<i32>} : memref<140x128xi32, #tpu.memory_space<vmem>>, vector<1x16xi32>,
      %swap3A_186 = vector.shape_cast %swap3A_185 : vector<1x16xi32> to vector<16xi32>
      %swap3A_187 = vector.shape_cast %add3A_182 : vector<16xi32> to vector<1x16xi32>
      tpu.vector_store %arg7[%swap3A_183, %swap3A_184], %swap3A_187 {strides = array<i32>} : memref<140x128xi32, #tpu.memory_space<vmem>>, vector<1x16xi32>,
      %get3A_188 = arith.index_cast %add3A_134 : i32 to index
      %get3A_189 = arith.constant 80 : index
      %get3A_190 = tpu.vector_load %arg7[%get3A_188, %get3A_189] {strides = array<i32>} : memref<140x128xi32, #tpu.memory_space<vmem>>, vector<1x16xi32>,
      %get3A_191 = vector.shape_cast %get3A_190 : vector<1x16xi32> to vector<16xi32>
      %add3A_192 = vector.broadcast %mul3A_4 : i32 to vector<16xi32>
      %add3A_193 = arith.addi %get3A_191, %add3A_192 : vector<16xi32>
      %swap3A_194 = arith.index_cast %add3A_134 : i32 to index
      %swap3A_195 = arith.constant 80 : index
      %swap3A_196 = tpu.vector_load %arg7[%swap3A_194, %swap3A_195] {strides = array<i32>} : memref<140x128xi32, #tpu.memory_space<vmem>>, vector<1x16xi32>,
      %swap3A_197 = vector.shape_cast %swap3A_196 : vector<1x16xi32> to vector<16xi32>
      %swap3A_198 = vector.shape_cast %add3A_193 : vector<16xi32> to vector<1x16xi32>
      tpu.vector_store %arg7[%swap3A_194, %swap3A_195], %swap3A_198 {strides = array<i32>} : memref<140x128xi32, #tpu.memory_space<vmem>>, vector<1x16xi32>,
      %get3A_199 = arith.index_cast %add3A_134 : i32 to index
      %get3A_200 = arith.constant 96 : index
      %get3A_201 = tpu.vector_load %arg7[%get3A_199, %get3A_200] {strides = array<i32>} : memref<140x128xi32, #tpu.memory_space<vmem>>, vector<1x16xi32>,
      %get3A_202 = vector.shape_cast %get3A_201 : vector<1x16xi32> to vector<16xi32>
      %add3A_203 = vector.broadcast %mul3A_4 : i32 to vector<16xi32>
      %add3A_204 = arith.addi %get3A_202, %add3A_203 : vector<16xi32>
      %swap3A_205 = arith.index_cast %add3A_134 : i32 to index
      %swap3A_206 = arith.constant 96 : index
      %swap3A_207 = tpu.vector_load %arg7[%swap3A_205, %swap3A_206] {strides = array<i32>} : memref<140x128xi32, #tpu.memory_space<vmem>>, vector<1x16xi32>,
      %swap3A_208 = vector.shape_cast %swap3A_207 : vector<1x16xi32> to vector<16xi32>
      %swap3A_209 = vector.shape_cast %add3A_204 : vector<16xi32> to vector<1x16xi32>
      tpu.vector_store %arg7[%swap3A_205, %swap3A_206], %swap3A_209 {strides = array<i32>} : memref<140x128xi32, #tpu.memory_space<vmem>>, vector<1x16xi32>,
      %get3A_210 = arith.index_cast %add3A_134 : i32 to index
      %get3A_211 = arith.constant 112 : index
      %get3A_212 = tpu.vector_load %arg7[%get3A_210, %get3A_211] {strides = array<i32>} : memref<140x128xi32, #tpu.memory_space<vmem>>, vector<1x16xi32>,
      %get3A_213 = vector.shape_cast %get3A_212 : vector<1x16xi32> to vector<16xi32>
      %add3A_214 = vector.broadcast %mul3A_4 : i32 to vector<16xi32>
      %add3A_215 = arith.addi %get3A_213, %add3A_214 : vector<16xi32>
      %swap3A_216 = arith.index_cast %add3A_134 : i32 to index
      %swap3A_217 = arith.constant 112 : index
      %swap3A_218 = tpu.vector_load %arg7[%swap3A_216, %swap3A_217] {strides = array<i32>} : memref<140x128xi32, #tpu.memory_space<vmem>>, vector<1x16xi32>,
      %swap3A_219 = vector.shape_cast %swap3A_218 : vector<1x16xi32> to vector<16xi32>
      %swap3A_220 = vector.shape_cast %add3A_215 : vector<16xi32> to vector<1x16xi32>
      tpu.vector_store %arg7[%swap3A_216, %swap3A_217], %swap3A_220 {strides = array<i32>} : memref<140x128xi32, #tpu.memory_space<vmem>>, vector<1x16xi32>,
    }
    %scan3A_8 = arith.constant 140 : i32
    %broadcast_in_dim3A = arith.constant 0.000000e+00 : f32
    %broadcast_in_dim3A_9 = vector.broadcast %broadcast_in_dim3A : f32 to vector<16xf32>
    %scan3A_10 = arith.constant 0 : i32
    %scan3A_11 = arith.constant 128 : i32
    %scan3A_12 = arith.addi %scan3A_10, %scan3A_11 : i32
    %scan3A_13 = arith.constant 1 : i32
    scf.for %scan3A_130 = %scan3A_10 to %scan3A_12 step %scan3A_13  : i32 {
      %mul3A_131 = arith.constant 1 : i32
      %mul3A_132 = arith.muli %scan3A_130, %mul3A_131 : i32
      %add3A_133 = arith.constant 0 : i32
      %add3A_134 = arith.addi %add3A_133, %mul3A_132 : i32
      %swap3A = arith.index_cast %add3A_134 : i32 to index
      %swap3A_135 = arith.constant 0 : index
      %swap3A_136 = tpu.vector_load %arg32[%swap3A, %swap3A_135] {strides = array<i32>} : memref<128x32xf32, #tpu.memory_space<vmem>>, vector<1x16xf32>,
      %swap3A_137 = vector.shape_cast %swap3A_136 : vector<1x16xf32> to vector<16xf32>
      %swap3A_138 = vector.shape_cast %broadcast_in_dim3A_9 : vector<16xf32> to vector<1x16xf32>
      tpu.vector_store %arg32[%swap3A, %swap3A_135], %swap3A_138 {strides = array<i32>} : memref<128x32xf32, #tpu.memory_space<vmem>>, vector<1x16xf32>,
      %swap3A_139 = arith.index_cast %add3A_134 : i32 to index
      %swap3A_140 = arith.constant 16 : index
      %swap3A_141 = tpu.vector_load %arg32[%swap3A_139, %swap3A_140] {strides = array<i32>} : memref<128x32xf32, #tpu.memory_space<vmem>>, vector<1x16xf32>,
      %swap3A_142 = vector.shape_cast %swap3A_141 : vector<1x16xf32> to vector<16xf32>
      %swap3A_143 = vector.shape_cast %broadcast_in_dim3A_9 : vector<16xf32> to vector<1x16xf32>
      tpu.vector_store %arg32[%swap3A_139, %swap3A_140], %swap3A_143 {strides = array<i32>} : memref<128x32xf32, #tpu.memory_space<vmem>>, vector<1x16xf32>,
    }
    %scan3A_14 = arith.constant 128 : i32
    "tpu.region"() ({
      %run_scoped3A = tpu.sem_alloc : memref<!tpu.dma_semaphore, #tpu.memory_space<semaphore_mem>>
      %dma_start3A_130 = arith.constant 0 : i32
      %dma_start3A_131 = tpu.memref_slice %arg33[%mul3A_4, %dma_start3A_130] : memref<2048x32xf32, #tpu.memory_space<vmem_shared>> -> memref<128x32xf32, #tpu.memory_space<vmem_shared>>
      %dma_start3A_132 = arith.constant 0 : i32
      %dma_start3A_133 = tpu.memref_slice %arg33[%mul3A_4, %dma_start3A_132] : memref<2048x32xf32, #tpu.memory_space<vmem_shared>> -> memref<128x32xf32, #tpu.memory_space<vmem_shared>>
      tpu.enqueue_dma source(%arg32 : memref<128x32xf32, #tpu.memory_space<vmem>>) target(%dma_start3A_133 : memref<128x32xf32, #tpu.memory_space<vmem_shared>>) target_semaphore(%run_scoped3A : memref<!tpu.dma_semaphore, #tpu.memory_space<semaphore_mem>>)
      %dma_wait3A_134 = arith.constant 0 : i32
      %dma_wait3A_135 = tpu.memref_slice %arg33[%mul3A_4, %dma_wait3A_134] : memref<2048x32xf32, #tpu.memory_space<vmem_shared>> -> memref<128x32xf32, #tpu.memory_space<vmem_shared>>
      %dma_wait3A_136 = arith.constant 0 : i32
      %dma_wait3A_137 = tpu.memref_slice %arg33[%mul3A_4, %dma_wait3A_136] : memref<2048x32xf32, #tpu.memory_space<vmem_shared>> -> memref<128x32xf32, #tpu.memory_space<vmem_shared>>
      tpu.wait_dma2 semaphore(%run_scoped3A : memref<!tpu.dma_semaphore, #tpu.memory_space<semaphore_mem>>) src(%arg32 : memref<128x32xf32, #tpu.memory_space<vmem>>) dst(%dma_wait3A_137 : memref<128x32xf32, #tpu.memory_space<vmem_shared>>)
      tpu.yield
    }) : () -> ()
    %dma_start3A = arith.constant 0 : i32
    %dma_start3A_15 = arith.constant 0 : i32
    %dma_start3A_16 = tpu.memref_slice %arg6[%dma_start3A, %dma_start3A_15] : memref<140x128xi32, #tpu.memory_space<vmem>> -> memref<1x128xi32, #tpu.memory_space<vmem>>
    %dma_start3A_17 = tpu.memref_squeeze %dma_start3A_16 : memref<1x128xi32, #tpu.memory_space<vmem>> -> memref<128xi32, #tpu.memory_space<vmem>>
    %dma_start3A_18 = arith.constant 0 : i32
    %dma_start3A_19 = arith.constant 0 : i32
    %dma_start3A_20 = tpu.memref_slice %arg4[%dma_start3A_18, %dma_start3A_19] : memref<4004x32xf32, #tpu.memory_space<hbm>> -> memref<4004x32xf32, #tpu.memory_space<hbm>>
    tpu.enqueue_indirect_dma source(%dma_start3A_20 : memref<4004x32xf32, #tpu.memory_space<hbm>>) target(%arg8 : memref<128x32xf32, #tpu.memory_space<vmem>>) offsets(%dma_start3A_17 : memref<128xi32, #tpu.memory_space<vmem>>) semaphore(%arg16 : memref<!tpu.dma_semaphore, #tpu.memory_space<semaphore_mem>>)
    %dma_start3A_21 = arith.constant 1 : i32
    %dma_start3A_22 = arith.constant 0 : i32
    %dma_start3A_23 = tpu.memref_slice %arg6[%dma_start3A_21, %dma_start3A_22] : memref<140x128xi32, #tpu.memory_space<vmem>> -> memref<1x128xi32, #tpu.memory_space<vmem>>
    %dma_start3A_24 = tpu.memref_squeeze %dma_start3A_23 : memref<1x128xi32, #tpu.memory_space<vmem>> -> memref<128xi32, #tpu.memory_space<vmem>>
    %dma_start3A_25 = arith.constant 0 : i32
    %dma_start3A_26 = arith.constant 0 : i32
    %dma_start3A_27 = tpu.memref_slice %arg4[%dma_start3A_25, %dma_start3A_26] : memref<4004x32xf32, #tpu.memory_space<hbm>> -> memref<4004x32xf32, #tpu.memory_space<hbm>>
    tpu.enqueue_indirect_dma source(%dma_start3A_27 : memref<4004x32xf32, #tpu.memory_space<hbm>>) target(%arg9 : memref<128x32xf32, #tpu.memory_space<vmem>>) offsets(%dma_start3A_24 : memref<128xi32, #tpu.memory_space<vmem>>) semaphore(%arg17 : memref<!tpu.dma_semaphore, #tpu.memory_space<semaphore_mem>>)
    %dma_start3A_28 = arith.constant 2 : i32
    %dma_start3A_29 = arith.constant 0 : i32
    %dma_start3A_30 = tpu.memref_slice %arg6[%dma_start3A_28, %dma_start3A_29] : memref<140x128xi32, #tpu.memory_space<vmem>> -> memref<1x128xi32, #tpu.memory_space<vmem>>
    %dma_start3A_31 = tpu.memref_squeeze %dma_start3A_30 : memref<1x128xi32, #tpu.memory_space<vmem>> -> memref<128xi32, #tpu.memory_space<vmem>>
    %dma_start3A_32 = arith.constant 0 : i32
    %dma_start3A_33 = arith.constant 0 : i32
    %dma_start3A_34 = tpu.memref_slice %arg4[%dma_start3A_32, %dma_start3A_33] : memref<4004x32xf32, #tpu.memory_space<hbm>> -> memref<4004x32xf32, #tpu.memory_space<hbm>>
    tpu.enqueue_indirect_dma source(%dma_start3A_34 : memref<4004x32xf32, #tpu.memory_space<hbm>>) target(%arg10 : memref<128x32xf32, #tpu.memory_space<vmem>>) offsets(%dma_start3A_31 : memref<128xi32, #tpu.memory_space<vmem>>) semaphore(%arg18 : memref<!tpu.dma_semaphore, #tpu.memory_space<semaphore_mem>>)
    %dma_start3A_35 = arith.constant 3 : i32
    %dma_start3A_36 = arith.constant 0 : i32
    %dma_start3A_37 = tpu.memref_slice %arg6[%dma_start3A_35, %dma_start3A_36] : memref<140x128xi32, #tpu.memory_space<vmem>> -> memref<1x128xi32, #tpu.memory_space<vmem>>
    %dma_start3A_38 = tpu.memref_squeeze %dma_start3A_37 : memref<1x128xi32, #tpu.memory_space<vmem>> -> memref<128xi32, #tpu.memory_space<vmem>>
    %dma_start3A_39 = arith.constant 0 : i32
    %dma_start3A_40 = arith.constant 0 : i32
    %dma_start3A_41 = tpu.memref_slice %arg4[%dma_start3A_39, %dma_start3A_40] : memref<4004x32xf32, #tpu.memory_space<hbm>> -> memref<4004x32xf32, #tpu.memory_space<hbm>>
    tpu.enqueue_indirect_dma source(%dma_start3A_41 : memref<4004x32xf32, #tpu.memory_space<hbm>>) target(%arg11 : memref<128x32xf32, #tpu.memory_space<vmem>>) offsets(%dma_start3A_38 : memref<128xi32, #tpu.memory_space<vmem>>) semaphore(%arg19 : memref<!tpu.dma_semaphore, #tpu.memory_space<semaphore_mem>>)
    %dma_start3A_42 = arith.constant 4 : i32
    %dma_start3A_43 = arith.constant 0 : i32
    %dma_start3A_44 = tpu.memref_slice %arg6[%dma_start3A_42, %dma_start3A_43] : memref<140x128xi32, #tpu.memory_space<vmem>> -> memref<1x128xi32, #tpu.memory_space<vmem>>
    %dma_start3A_45 = tpu.memref_squeeze %dma_start3A_44 : memref<1x128xi32, #tpu.memory_space<vmem>> -> memref<128xi32, #tpu.memory_space<vmem>>
    %dma_start3A_46 = arith.constant 0 : i32
    %dma_start3A_47 = arith.constant 0 : i32
    %dma_start3A_48 = tpu.memref_slice %arg4[%dma_start3A_46, %dma_start3A_47] : memref<4004x32xf32, #tpu.memory_space<hbm>> -> memref<4004x32xf32, #tpu.memory_space<hbm>>
    tpu.enqueue_indirect_dma source(%dma_start3A_48 : memref<4004x32xf32, #tpu.memory_space<hbm>>) target(%arg12 : memref<128x32xf32, #tpu.memory_space<vmem>>) offsets(%dma_start3A_45 : memref<128xi32, #tpu.memory_space<vmem>>) semaphore(%arg20 : memref<!tpu.dma_semaphore, #tpu.memory_space<semaphore_mem>>)
    %dma_start3A_49 = arith.constant 5 : i32
    %dma_start3A_50 = arith.constant 0 : i32
    %dma_start3A_51 = tpu.memref_slice %arg6[%dma_start3A_49, %dma_start3A_50] : memref<140x128xi32, #tpu.memory_space<vmem>> -> memref<1x128xi32, #tpu.memory_space<vmem>>
    %dma_start3A_52 = tpu.memref_squeeze %dma_start3A_51 : memref<1x128xi32, #tpu.memory_space<vmem>> -> memref<128xi32, #tpu.memory_space<vmem>>
    %dma_start3A_53 = arith.constant 0 : i32
    %dma_start3A_54 = arith.constant 0 : i32
    %dma_start3A_55 = tpu.memref_slice %arg4[%dma_start3A_53, %dma_start3A_54] : memref<4004x32xf32, #tpu.memory_space<hbm>> -> memref<4004x32xf32, #tpu.memory_space<hbm>>
    tpu.enqueue_indirect_dma source(%dma_start3A_55 : memref<4004x32xf32, #tpu.memory_space<hbm>>) target(%arg13 : memref<128x32xf32, #tpu.memory_space<vmem>>) offsets(%dma_start3A_52 : memref<128xi32, #tpu.memory_space<vmem>>) semaphore(%arg21 : memref<!tpu.dma_semaphore, #tpu.memory_space<semaphore_mem>>)
    %dma_start3A_56 = arith.constant 6 : i32
    %dma_start3A_57 = arith.constant 0 : i32
    %dma_start3A_58 = tpu.memref_slice %arg6[%dma_start3A_56, %dma_start3A_57] : memref<140x128xi32, #tpu.memory_space<vmem>> -> memref<1x128xi32, #tpu.memory_space<vmem>>
    %dma_start3A_59 = tpu.memref_squeeze %dma_start3A_58 : memref<1x128xi32, #tpu.memory_space<vmem>> -> memref<128xi32, #tpu.memory_space<vmem>>
    %dma_start3A_60 = arith.constant 0 : i32
    %dma_start3A_61 = arith.constant 0 : i32
    %dma_start3A_62 = tpu.memref_slice %arg4[%dma_start3A_60, %dma_start3A_61] : memref<4004x32xf32, #tpu.memory_space<hbm>> -> memref<4004x32xf32, #tpu.memory_space<hbm>>
    tpu.enqueue_indirect_dma source(%dma_start3A_62 : memref<4004x32xf32, #tpu.memory_space<hbm>>) target(%arg14 : memref<128x32xf32, #tpu.memory_space<vmem>>) offsets(%dma_start3A_59 : memref<128xi32, #tpu.memory_space<vmem>>) semaphore(%arg22 : memref<!tpu.dma_semaphore, #tpu.memory_space<semaphore_mem>>)
    %dma_start3A_63 = arith.constant 7 : i32
    %dma_start3A_64 = arith.constant 0 : i32
    %dma_start3A_65 = tpu.memref_slice %arg6[%dma_start3A_63, %dma_start3A_64] : memref<140x128xi32, #tpu.memory_space<vmem>> -> memref<1x128xi32, #tpu.memory_space<vmem>>
    %dma_start3A_66 = tpu.memref_squeeze %dma_start3A_65 : memref<1x128xi32, #tpu.memory_space<vmem>> -> memref<128xi32, #tpu.memory_space<vmem>>
    %dma_start3A_67 = arith.constant 0 : i32
    %dma_start3A_68 = arith.constant 0 : i32
    %dma_start3A_69 = tpu.memref_slice %arg4[%dma_start3A_67, %dma_start3A_68] : memref<4004x32xf32, #tpu.memory_space<hbm>> -> memref<4004x32xf32, #tpu.memory_space<hbm>>
    tpu.enqueue_indirect_dma source(%dma_start3A_69 : memref<4004x32xf32, #tpu.memory_space<hbm>>) target(%arg15 : memref<128x32xf32, #tpu.memory_space<vmem>>) offsets(%dma_start3A_66 : memref<128xi32, #tpu.memory_space<vmem>>) semaphore(%arg23 : memref<!tpu.dma_semaphore, #tpu.memory_space<semaphore_mem>>)
    %scan3A_70 = arith.constant 0 : i32
    %scan3A_71 = arith.constant 18 : i32
    %scan3A_72 = arith.addi %scan3A_70, %scan3A_71 : i32
    %scan3A_73 = arith.constant 1 : i32
    scf.for %scan3A_130 = %scan3A_70 to %scan3A_72 step %scan3A_73  : i32 {
      %mul3A_131 = arith.constant 1 : i32
      %mul3A_132 = arith.muli %scan3A_130, %mul3A_131 : i32
      %add3A_133 = arith.constant 0 : i32
      %add3A_134 = arith.addi %add3A_133, %mul3A_132 : i32
      %mul3A_135 = arith.constant 8 : i32
      %mul3A_136 = arith.muli %add3A_134, %mul3A_135 : i32
      %add3A_137 = arith.constant 0 : i32
      %add3A_138 = arith.addi %mul3A_136, %add3A_137 : i32
      %lt3A = arith.constant 140 : i32
      %lt3A_139 = arith.cmpi slt, %add3A_138, %lt3A : i32
      %convert_element_type3A = arith.extui %lt3A_139 : i1 to i32
      %cond3A = arith.constant 0 : i32
      %cond3A_140 = arith.cmpi ne, %convert_element_type3A, %cond3A : i32
      scf.if %cond3A_140 {
        %dma_wait3A_190 = arith.constant 0 : i32
        %dma_wait3A_191 = tpu.memref_slice %arg6[%add3A_138, %dma_wait3A_190] : memref<140x128xi32, #tpu.memory_space<vmem>> -> memref<1x128xi32, #tpu.memory_space<vmem>>
        %dma_wait3A_192 = tpu.memref_squeeze %dma_wait3A_191 : memref<1x128xi32, #tpu.memory_space<vmem>> -> memref<128xi32, #tpu.memory_space<vmem>>
        %dma_wait3A_193 = arith.constant 0 : i32
        %dma_wait3A_194 = arith.constant 0 : i32
        %dma_wait3A_195 = tpu.memref_slice %arg4[%dma_wait3A_193, %dma_wait3A_194] : memref<4004x32xf32, #tpu.memory_space<hbm>> -> memref<4004x32xf32, #tpu.memory_space<hbm>>
        tpu.wait_indirect_dma semaphore(%arg16 : memref<!tpu.dma_semaphore, #tpu.memory_space<semaphore_mem>>) src(%dma_wait3A_195 : memref<4004x32xf32, #tpu.memory_space<hbm>>) dst(%arg8 : memref<128x32xf32, #tpu.memory_space<vmem>>)
        %dma_start3A_196 = arith.constant 0 : i32
        %dma_start3A_197 = tpu.memref_slice %arg7[%add3A_138, %dma_start3A_196] : memref<140x128xi32, #tpu.memory_space<vmem>> -> memref<1x128xi32, #tpu.memory_space<vmem>>
        %dma_start3A_198 = tpu.memref_squeeze %dma_start3A_197 : memref<1x128xi32, #tpu.memory_space<vmem>> -> memref<128xi32, #tpu.memory_space<vmem>>
        %dma_start3A_199 = arith.constant 0 : i32
        %dma_start3A_200 = arith.constant 0 : i32
        %dma_start3A_201 = tpu.memref_slice %arg33[%dma_start3A_199, %dma_start3A_200] : memref<2048x32xf32, #tpu.memory_space<vmem_shared>> -> memref<2048x32xf32, #tpu.memory_space<vmem_shared>>
        tpu.enqueue_indirect_dma source(%arg8 : memref<128x32xf32, #tpu.memory_space<vmem>>) target(%dma_start3A_201 : memref<2048x32xf32, #tpu.memory_space<vmem_shared>>) offsets(%dma_start3A_198 : memref<128xi32, #tpu.memory_space<vmem>>) semaphore(%arg24 : memref<!tpu.dma_semaphore, #tpu.memory_space<semaphore_mem>>) {add = true}
        %add3A_202 = arith.constant 8 : i32
        %add3A_203 = arith.addi %add3A_138, %add3A_202 : i32
        %lt3A_204 = arith.constant 140 : i32
        %lt3A_205 = arith.cmpi slt, %add3A_203, %lt3A_204 : i32
        %convert_element_type3A_206 = arith.extui %lt3A_205 : i1 to i32
        %cond3A_207 = arith.constant 0 : i32
        %cond3A_208 = arith.cmpi ne, %convert_element_type3A_206, %cond3A_207 : i32
        scf.if %cond3A_208 {
          %dma_wait3A_209 = arith.constant 0 : i32
          %dma_wait3A_210 = tpu.memref_slice %arg7[%add3A_138, %dma_wait3A_209] : memref<140x128xi32, #tpu.memory_space<vmem>> -> memref<1x128xi32, #tpu.memory_space<vmem>>
          %dma_wait3A_211 = tpu.memref_squeeze %dma_wait3A_210 : memref<1x128xi32, #tpu.memory_space<vmem>> -> memref<128xi32, #tpu.memory_space<vmem>>
          %dma_wait3A_212 = arith.constant 0 : i32
          %dma_wait3A_213 = arith.constant 0 : i32
          %dma_wait3A_214 = tpu.memref_slice %arg33[%dma_wait3A_212, %dma_wait3A_213] : memref<2048x32xf32, #tpu.memory_space<vmem_shared>> -> memref<2048x32xf32, #tpu.memory_space<vmem_shared>>
          tpu.wait_indirect_dma semaphore(%arg24 : memref<!tpu.dma_semaphore, #tpu.memory_space<semaphore_mem>>) src(%arg8 : memref<128x32xf32, #tpu.memory_space<vmem>>) dst(%dma_wait3A_214 : memref<2048x32xf32, #tpu.memory_space<vmem_shared>>)
          %add3A_215 = arith.constant 8 : i32
          %add3A_216 = arith.addi %add3A_138, %add3A_215 : i32
          %dma_start3A_217 = arith.constant 0 : i32
          %dma_start3A_218 = tpu.memref_slice %arg6[%add3A_216, %dma_start3A_217] : memref<140x128xi32, #tpu.memory_space<vmem>> -> memref<1x128xi32, #tpu.memory_space<vmem>>
          %dma_start3A_219 = tpu.memref_squeeze %dma_start3A_218 : memref<1x128xi32, #tpu.memory_space<vmem>> -> memref<128xi32, #tpu.memory_space<vmem>>
          %dma_start3A_220 = arith.constant 0 : i32
          %dma_start3A_221 = arith.constant 0 : i32
          %dma_start3A_222 = tpu.memref_slice %arg4[%dma_start3A_220, %dma_start3A_221] : memref<4004x32xf32, #tpu.memory_space<hbm>> -> memref<4004x32xf32, #tpu.memory_space<hbm>>
          tpu.enqueue_indirect_dma source(%dma_start3A_222 : memref<4004x32xf32, #tpu.memory_space<hbm>>) target(%arg8 : memref<128x32xf32, #tpu.memory_space<vmem>>) offsets(%dma_start3A_219 : memref<128xi32, #tpu.memory_space<vmem>>) semaphore(%arg16 : memref<!tpu.dma_semaphore, #tpu.memory_space<semaphore_mem>>)
        } else {
        }
      } else {
      }
      %add3A_141 = arith.constant 1 : i32
      %add3A_142 = arith.addi %mul3A_136, %add3A_141 : i32
      %lt3A_143 = arith.constant 140 : i32
      %lt3A_144 = arith.cmpi slt, %add3A_142, %lt3A_143 : i32
      %convert_element_type3A_145 = arith.extui %lt3A_144 : i1 to i32
      %cond3A_146 = arith.constant 0 : i32
      %cond3A_147 = arith.cmpi ne, %convert_element_type3A_145, %cond3A_146 : i32
      scf.if %cond3A_147 {
        %dma_wait3A_190 = arith.constant 0 : i32
        %dma_wait3A_191 = tpu.memref_slice %arg6[%add3A_142, %dma_wait3A_190] : memref<140x128xi32, #tpu.memory_space<vmem>> -> memref<1x128xi32, #tpu.memory_space<vmem>>
        %dma_wait3A_192 = tpu.memref_squeeze %dma_wait3A_191 : memref<1x128xi32, #tpu.memory_space<vmem>> -> memref<128xi32, #tpu.memory_space<vmem>>
        %dma_wait3A_193 = arith.constant 0 : i32
        %dma_wait3A_194 = arith.constant 0 : i32
        %dma_wait3A_195 = tpu.memref_slice %arg4[%dma_wait3A_193, %dma_wait3A_194] : memref<4004x32xf32, #tpu.memory_space<hbm>> -> memref<4004x32xf32, #tpu.memory_space<hbm>>
        tpu.wait_indirect_dma semaphore(%arg17 : memref<!tpu.dma_semaphore, #tpu.memory_space<semaphore_mem>>) src(%dma_wait3A_195 : memref<4004x32xf32, #tpu.memory_space<hbm>>) dst(%arg9 : memref<128x32xf32, #tpu.memory_space<vmem>>)
        %dma_start3A_196 = arith.constant 0 : i32
        %dma_start3A_197 = tpu.memref_slice %arg7[%add3A_142, %dma_start3A_196] : memref<140x128xi32, #tpu.memory_space<vmem>> -> memref<1x128xi32, #tpu.memory_space<vmem>>
        %dma_start3A_198 = tpu.memref_squeeze %dma_start3A_197 : memref<1x128xi32, #tpu.memory_space<vmem>> -> memref<128xi32, #tpu.memory_space<vmem>>
        %dma_start3A_199 = arith.constant 0 : i32
        %dma_start3A_200 = arith.constant 0 : i32
        %dma_start3A_201 = tpu.memref_slice %arg33[%dma_start3A_199, %dma_start3A_200] : memref<2048x32xf32, #tpu.memory_space<vmem_shared>> -> memref<2048x32xf32, #tpu.memory_space<vmem_shared>>
        tpu.enqueue_indirect_dma source(%arg9 : memref<128x32xf32, #tpu.memory_space<vmem>>) target(%dma_start3A_201 : memref<2048x32xf32, #tpu.memory_space<vmem_shared>>) offsets(%dma_start3A_198 : memref<128xi32, #tpu.memory_space<vmem>>) semaphore(%arg25 : memref<!tpu.dma_semaphore, #tpu.memory_space<semaphore_mem>>) {add = true}
        %add3A_202 = arith.constant 8 : i32
        %add3A_203 = arith.addi %add3A_142, %add3A_202 : i32
        %lt3A_204 = arith.constant 140 : i32
        %lt3A_205 = arith.cmpi slt, %add3A_203, %lt3A_204 : i32
        %convert_element_type3A_206 = arith.extui %lt3A_205 : i1 to i32
        %cond3A_207 = arith.constant 0 : i32
        %cond3A_208 = arith.cmpi ne, %convert_element_type3A_206, %cond3A_207 : i32
        scf.if %cond3A_208 {
          %dma_wait3A_209 = arith.constant 0 : i32
          %dma_wait3A_210 = tpu.memref_slice %arg7[%add3A_142, %dma_wait3A_209] : memref<140x128xi32, #tpu.memory_space<vmem>> -> memref<1x128xi32, #tpu.memory_space<vmem>>
          %dma_wait3A_211 = tpu.memref_squeeze %dma_wait3A_210 : memref<1x128xi32, #tpu.memory_space<vmem>> -> memref<128xi32, #tpu.memory_space<vmem>>
          %dma_wait3A_212 = arith.constant 0 : i32
          %dma_wait3A_213 = arith.constant 0 : i32
          %dma_wait3A_214 = tpu.memref_slice %arg33[%dma_wait3A_212, %dma_wait3A_213] : memref<2048x32xf32, #tpu.memory_space<vmem_shared>> -> memref<2048x32xf32, #tpu.memory_space<vmem_shared>>
          tpu.wait_indirect_dma semaphore(%arg25 : memref<!tpu.dma_semaphore, #tpu.memory_space<semaphore_mem>>) src(%arg9 : memref<128x32xf32, #tpu.memory_space<vmem>>) dst(%dma_wait3A_214 : memref<2048x32xf32, #tpu.memory_space<vmem_shared>>)
          %add3A_215 = arith.constant 8 : i32
          %add3A_216 = arith.addi %add3A_142, %add3A_215 : i32
          %dma_start3A_217 = arith.constant 0 : i32
          %dma_start3A_218 = tpu.memref_slice %arg6[%add3A_216, %dma_start3A_217] : memref<140x128xi32, #tpu.memory_space<vmem>> -> memref<1x128xi32, #tpu.memory_space<vmem>>
          %dma_start3A_219 = tpu.memref_squeeze %dma_start3A_218 : memref<1x128xi32, #tpu.memory_space<vmem>> -> memref<128xi32, #tpu.memory_space<vmem>>
          %dma_start3A_220 = arith.constant 0 : i32
          %dma_start3A_221 = arith.constant 0 : i32
          %dma_start3A_222 = tpu.memref_slice %arg4[%dma_start3A_220, %dma_start3A_221] : memref<4004x32xf32, #tpu.memory_space<hbm>> -> memref<4004x32xf32, #tpu.memory_space<hbm>>
          tpu.enqueue_indirect_dma source(%dma_start3A_222 : memref<4004x32xf32, #tpu.memory_space<hbm>>) target(%arg9 : memref<128x32xf32, #tpu.memory_space<vmem>>) offsets(%dma_start3A_219 : memref<128xi32, #tpu.memory_space<vmem>>) semaphore(%arg17 : memref<!tpu.dma_semaphore, #tpu.memory_space<semaphore_mem>>)
        } else {
        }
      } else {
      }
      %add3A_148 = arith.constant 2 : i32
      %add3A_149 = arith.addi %mul3A_136, %add3A_148 : i32
      %lt3A_150 = arith.constant 140 : i32
      %lt3A_151 = arith.cmpi slt, %add3A_149, %lt3A_150 : i32
      %convert_element_type3A_152 = arith.extui %lt3A_151 : i1 to i32
      %cond3A_153 = arith.constant 0 : i32
      %cond3A_154 = arith.cmpi ne, %convert_element_type3A_152, %cond3A_153 : i32
      scf.if %cond3A_154 {
        %dma_wait3A_190 = arith.constant 0 : i32
        %dma_wait3A_191 = tpu.memref_slice %arg6[%add3A_149, %dma_wait3A_190] : memref<140x128xi32, #tpu.memory_space<vmem>> -> memref<1x128xi32, #tpu.memory_space<vmem>>
        %dma_wait3A_192 = tpu.memref_squeeze %dma_wait3A_191 : memref<1x128xi32, #tpu.memory_space<vmem>> -> memref<128xi32, #tpu.memory_space<vmem>>
        %dma_wait3A_193 = arith.constant 0 : i32
        %dma_wait3A_194 = arith.constant 0 : i32
        %dma_wait3A_195 = tpu.memref_slice %arg4[%dma_wait3A_193, %dma_wait3A_194] : memref<4004x32xf32, #tpu.memory_space<hbm>> -> memref<4004x32xf32, #tpu.memory_space<hbm>>
        tpu.wait_indirect_dma semaphore(%arg18 : memref<!tpu.dma_semaphore, #tpu.memory_space<semaphore_mem>>) src(%dma_wait3A_195 : memref<4004x32xf32, #tpu.memory_space<hbm>>) dst(%arg10 : memref<128x32xf32, #tpu.memory_space<vmem>>)
        %dma_start3A_196 = arith.constant 0 : i32
        %dma_start3A_197 = tpu.memref_slice %arg7[%add3A_149, %dma_start3A_196] : memref<140x128xi32, #tpu.memory_space<vmem>> -> memref<1x128xi32, #tpu.memory_space<vmem>>
        %dma_start3A_198 = tpu.memref_squeeze %dma_start3A_197 : memref<1x128xi32, #tpu.memory_space<vmem>> -> memref<128xi32, #tpu.memory_space<vmem>>
        %dma_start3A_199 = arith.constant 0 : i32
        %dma_start3A_200 = arith.constant 0 : i32
        %dma_start3A_201 = tpu.memref_slice %arg33[%dma_start3A_199, %dma_start3A_200] : memref<2048x32xf32, #tpu.memory_space<vmem_shared>> -> memref<2048x32xf32, #tpu.memory_space<vmem_shared>>
        tpu.enqueue_indirect_dma source(%arg10 : memref<128x32xf32, #tpu.memory_space<vmem>>) target(%dma_start3A_201 : memref<2048x32xf32, #tpu.memory_space<vmem_shared>>) offsets(%dma_start3A_198 : memref<128xi32, #tpu.memory_space<vmem>>) semaphore(%arg26 : memref<!tpu.dma_semaphore, #tpu.memory_space<semaphore_mem>>) {add = true}
        %add3A_202 = arith.constant 8 : i32
        %add3A_203 = arith.addi %add3A_149, %add3A_202 : i32
        %lt3A_204 = arith.constant 140 : i32
        %lt3A_205 = arith.cmpi slt, %add3A_203, %lt3A_204 : i32
        %convert_element_type3A_206 = arith.extui %lt3A_205 : i1 to i32
        %cond3A_207 = arith.constant 0 : i32
        %cond3A_208 = arith.cmpi ne, %convert_element_type3A_206, %cond3A_207 : i32
        scf.if %cond3A_208 {
          %dma_wait3A_209 = arith.constant 0 : i32
          %dma_wait3A_210 = tpu.memref_slice %arg7[%add3A_149, %dma_wait3A_209] : memref<140x128xi32, #tpu.memory_space<vmem>> -> memref<1x128xi32, #tpu.memory_space<vmem>>
          %dma_wait3A_211 = tpu.memref_squeeze %dma_wait3A_210 : memref<1x128xi32, #tpu.memory_space<vmem>> -> memref<128xi32, #tpu.memory_space<vmem>>
          %dma_wait3A_212 = arith.constant 0 : i32
          %dma_wait3A_213 = arith.constant 0 : i32
          %dma_wait3A_214 = tpu.memref_slice %arg33[%dma_wait3A_212, %dma_wait3A_213] : memref<2048x32xf32, #tpu.memory_space<vmem_shared>> -> memref<2048x32xf32, #tpu.memory_space<vmem_shared>>
          tpu.wait_indirect_dma semaphore(%arg26 : memref<!tpu.dma_semaphore, #tpu.memory_space<semaphore_mem>>) src(%arg10 : memref<128x32xf32, #tpu.memory_space<vmem>>) dst(%dma_wait3A_214 : memref<2048x32xf32, #tpu.memory_space<vmem_shared>>)
          %add3A_215 = arith.constant 8 : i32
          %add3A_216 = arith.addi %add3A_149, %add3A_215 : i32
          %dma_start3A_217 = arith.constant 0 : i32
          %dma_start3A_218 = tpu.memref_slice %arg6[%add3A_216, %dma_start3A_217] : memref<140x128xi32, #tpu.memory_space<vmem>> -> memref<1x128xi32, #tpu.memory_space<vmem>>
          %dma_start3A_219 = tpu.memref_squeeze %dma_start3A_218 : memref<1x128xi32, #tpu.memory_space<vmem>> -> memref<128xi32, #tpu.memory_space<vmem>>
          %dma_start3A_220 = arith.constant 0 : i32
          %dma_start3A_221 = arith.constant 0 : i32
          %dma_start3A_222 = tpu.memref_slice %arg4[%dma_start3A_220, %dma_start3A_221] : memref<4004x32xf32, #tpu.memory_space<hbm>> -> memref<4004x32xf32, #tpu.memory_space<hbm>>
          tpu.enqueue_indirect_dma source(%dma_start3A_222 : memref<4004x32xf32, #tpu.memory_space<hbm>>) target(%arg10 : memref<128x32xf32, #tpu.memory_space<vmem>>) offsets(%dma_start3A_219 : memref<128xi32, #tpu.memory_space<vmem>>) semaphore(%arg18 : memref<!tpu.dma_semaphore, #tpu.memory_space<semaphore_mem>>)
        } else {
        }
      } else {
      }
      %add3A_155 = arith.constant 3 : i32
      %add3A_156 = arith.addi %mul3A_136, %add3A_155 : i32
      %lt3A_157 = arith.constant 140 : i32
      %lt3A_158 = arith.cmpi slt, %add3A_156, %lt3A_157 : i32
      %convert_element_type3A_159 = arith.extui %lt3A_158 : i1 to i32
      %cond3A_160 = arith.constant 0 : i32
      %cond3A_161 = arith.cmpi ne, %convert_element_type3A_159, %cond3A_160 : i32
      scf.if %cond3A_161 {
        %dma_wait3A_190 = arith.constant 0 : i32
        %dma_wait3A_191 = tpu.memref_slice %arg6[%add3A_156, %dma_wait3A_190] : memref<140x128xi32, #tpu.memory_space<vmem>> -> memref<1x128xi32, #tpu.memory_space<vmem>>
        %dma_wait3A_192 = tpu.memref_squeeze %dma_wait3A_191 : memref<1x128xi32, #tpu.memory_space<vmem>> -> memref<128xi32, #tpu.memory_space<vmem>>
        %dma_wait3A_193 = arith.constant 0 : i32
        %dma_wait3A_194 = arith.constant 0 : i32
        %dma_wait3A_195 = tpu.memref_slice %arg4[%dma_wait3A_193, %dma_wait3A_194] : memref<4004x32xf32, #tpu.memory_space<hbm>> -> memref<4004x32xf32, #tpu.memory_space<hbm>>
        tpu.wait_indirect_dma semaphore(%arg19 : memref<!tpu.dma_semaphore, #tpu.memory_space<semaphore_mem>>) src(%dma_wait3A_195 : memref<4004x32xf32, #tpu.memory_space<hbm>>) dst(%arg11 : memref<128x32xf32, #tpu.memory_space<vmem>>)
        %dma_start3A_196 = arith.constant 0 : i32
        %dma_start3A_197 = tpu.memref_slice %arg7[%add3A_156, %dma_start3A_196] : memref<140x128xi32, #tpu.memory_space<vmem>> -> memref<1x128xi32, #tpu.memory_space<vmem>>
        %dma_start3A_198 = tpu.memref_squeeze %dma_start3A_197 : memref<1x128xi32, #tpu.memory_space<vmem>> -> memref<128xi32, #tpu.memory_space<vmem>>
        %dma_start3A_199 = arith.constant 0 : i32
        %dma_start3A_200 = arith.constant 0 : i32
        %dma_start3A_201 = tpu.memref_slice %arg33[%dma_start3A_199, %dma_start3A_200] : memref<2048x32xf32, #tpu.memory_space<vmem_shared>> -> memref<2048x32xf32, #tpu.memory_space<vmem_shared>>
        tpu.enqueue_indirect_dma source(%arg11 : memref<128x32xf32, #tpu.memory_space<vmem>>) target(%dma_start3A_201 : memref<2048x32xf32, #tpu.memory_space<vmem_shared>>) offsets(%dma_start3A_198 : memref<128xi32, #tpu.memory_space<vmem>>) semaphore(%arg27 : memref<!tpu.dma_semaphore, #tpu.memory_space<semaphore_mem>>) {add = true}
        %add3A_202 = arith.constant 8 : i32
        %add3A_203 = arith.addi %add3A_156, %add3A_202 : i32
        %lt3A_204 = arith.constant 140 : i32
        %lt3A_205 = arith.cmpi slt, %add3A_203, %lt3A_204 : i32
        %convert_element_type3A_206 = arith.extui %lt3A_205 : i1 to i32
        %cond3A_207 = arith.constant 0 : i32
        %cond3A_208 = arith.cmpi ne, %convert_element_type3A_206, %cond3A_207 : i32
        scf.if %cond3A_208 {
          %dma_wait3A_209 = arith.constant 0 : i32
          %dma_wait3A_210 = tpu.memref_slice %arg7[%add3A_156, %dma_wait3A_209] : memref<140x128xi32, #tpu.memory_space<vmem>> -> memref<1x128xi32, #tpu.memory_space<vmem>>
          %dma_wait3A_211 = tpu.memref_squeeze %dma_wait3A_210 : memref<1x128xi32, #tpu.memory_space<vmem>> -> memref<128xi32, #tpu.memory_space<vmem>>
          %dma_wait3A_212 = arith.constant 0 : i32
          %dma_wait3A_213 = arith.constant 0 : i32
          %dma_wait3A_214 = tpu.memref_slice %arg33[%dma_wait3A_212, %dma_wait3A_213] : memref<2048x32xf32, #tpu.memory_space<vmem_shared>> -> memref<2048x32xf32, #tpu.memory_space<vmem_shared>>
          tpu.wait_indirect_dma semaphore(%arg27 : memref<!tpu.dma_semaphore, #tpu.memory_space<semaphore_mem>>) src(%arg11 : memref<128x32xf32, #tpu.memory_space<vmem>>) dst(%dma_wait3A_214 : memref<2048x32xf32, #tpu.memory_space<vmem_shared>>)
          %add3A_215 = arith.constant 8 : i32
          %add3A_216 = arith.addi %add3A_156, %add3A_215 : i32
          %dma_start3A_217 = arith.constant 0 : i32
          %dma_start3A_218 = tpu.memref_slice %arg6[%add3A_216, %dma_start3A_217] : memref<140x128xi32, #tpu.memory_space<vmem>> -> memref<1x128xi32, #tpu.memory_space<vmem>>
          %dma_start3A_219 = tpu.memref_squeeze %dma_start3A_218 : memref<1x128xi32, #tpu.memory_space<vmem>> -> memref<128xi32, #tpu.memory_space<vmem>>
          %dma_start3A_220 = arith.constant 0 : i32
          %dma_start3A_221 = arith.constant 0 : i32
          %dma_start3A_222 = tpu.memref_slice %arg4[%dma_start3A_220, %dma_start3A_221] : memref<4004x32xf32, #tpu.memory_space<hbm>> -> memref<4004x32xf32, #tpu.memory_space<hbm>>
          tpu.enqueue_indirect_dma source(%dma_start3A_222 : memref<4004x32xf32, #tpu.memory_space<hbm>>) target(%arg11 : memref<128x32xf32, #tpu.memory_space<vmem>>) offsets(%dma_start3A_219 : memref<128xi32, #tpu.memory_space<vmem>>) semaphore(%arg19 : memref<!tpu.dma_semaphore, #tpu.memory_space<semaphore_mem>>)
        } else {
        }
      } else {
      }
      %add3A_162 = arith.constant 4 : i32
      %add3A_163 = arith.addi %mul3A_136, %add3A_162 : i32
      %lt3A_164 = arith.constant 140 : i32
      %lt3A_165 = arith.cmpi slt, %add3A_163, %lt3A_164 : i32
      %convert_element_type3A_166 = arith.extui %lt3A_165 : i1 to i32
      %cond3A_167 = arith.constant 0 : i32
      %cond3A_168 = arith.cmpi ne, %convert_element_type3A_166, %cond3A_167 : i32
      scf.if %cond3A_168 {
        %dma_wait3A_190 = arith.constant 0 : i32
        %dma_wait3A_191 = tpu.memref_slice %arg6[%add3A_163, %dma_wait3A_190] : memref<140x128xi32, #tpu.memory_space<vmem>> -> memref<1x128xi32, #tpu.memory_space<vmem>>
        %dma_wait3A_192 = tpu.memref_squeeze %dma_wait3A_191 : memref<1x128xi32, #tpu.memory_space<vmem>> -> memref<128xi32, #tpu.memory_space<vmem>>
        %dma_wait3A_193 = arith.constant 0 : i32
        %dma_wait3A_194 = arith.constant 0 : i32
        %dma_wait3A_195 = tpu.memref_slice %arg4[%dma_wait3A_193, %dma_wait3A_194] : memref<4004x32xf32, #tpu.memory_space<hbm>> -> memref<4004x32xf32, #tpu.memory_space<hbm>>
        tpu.wait_indirect_dma semaphore(%arg20 : memref<!tpu.dma_semaphore, #tpu.memory_space<semaphore_mem>>) src(%dma_wait3A_195 : memref<4004x32xf32, #tpu.memory_space<hbm>>) dst(%arg12 : memref<128x32xf32, #tpu.memory_space<vmem>>)
        %dma_start3A_196 = arith.constant 0 : i32
        %dma_start3A_197 = tpu.memref_slice %arg7[%add3A_163, %dma_start3A_196] : memref<140x128xi32, #tpu.memory_space<vmem>> -> memref<1x128xi32, #tpu.memory_space<vmem>>
        %dma_start3A_198 = tpu.memref_squeeze %dma_start3A_197 : memref<1x128xi32, #tpu.memory_space<vmem>> -> memref<128xi32, #tpu.memory_space<vmem>>
        %dma_start3A_199 = arith.constant 0 : i32
        %dma_start3A_200 = arith.constant 0 : i32
        %dma_start3A_201 = tpu.memref_slice %arg33[%dma_start3A_199, %dma_start3A_200] : memref<2048x32xf32, #tpu.memory_space<vmem_shared>> -> memref<2048x32xf32, #tpu.memory_space<vmem_shared>>
        tpu.enqueue_indirect_dma source(%arg12 : memref<128x32xf32, #tpu.memory_space<vmem>>) target(%dma_start3A_201 : memref<2048x32xf32, #tpu.memory_space<vmem_shared>>) offsets(%dma_start3A_198 : memref<128xi32, #tpu.memory_space<vmem>>) semaphore(%arg28 : memref<!tpu.dma_semaphore, #tpu.memory_space<semaphore_mem>>) {add = true}
        %add3A_202 = arith.constant 8 : i32
        %add3A_203 = arith.addi %add3A_163, %add3A_202 : i32
        %lt3A_204 = arith.constant 140 : i32
        %lt3A_205 = arith.cmpi slt, %add3A_203, %lt3A_204 : i32
        %convert_element_type3A_206 = arith.extui %lt3A_205 : i1 to i32
        %cond3A_207 = arith.constant 0 : i32
        %cond3A_208 = arith.cmpi ne, %convert_element_type3A_206, %cond3A_207 : i32
        scf.if %cond3A_208 {
          %dma_wait3A_209 = arith.constant 0 : i32
          %dma_wait3A_210 = tpu.memref_slice %arg7[%add3A_163, %dma_wait3A_209] : memref<140x128xi32, #tpu.memory_space<vmem>> -> memref<1x128xi32, #tpu.memory_space<vmem>>
          %dma_wait3A_211 = tpu.memref_squeeze %dma_wait3A_210 : memref<1x128xi32, #tpu.memory_space<vmem>> -> memref<128xi32, #tpu.memory_space<vmem>>
          %dma_wait3A_212 = arith.constant 0 : i32
          %dma_wait3A_213 = arith.constant 0 : i32
          %dma_wait3A_214 = tpu.memref_slice %arg33[%dma_wait3A_212, %dma_wait3A_213] : memref<2048x32xf32, #tpu.memory_space<vmem_shared>> -> memref<2048x32xf32, #tpu.memory_space<vmem_shared>>
          tpu.wait_indirect_dma semaphore(%arg28 : memref<!tpu.dma_semaphore, #tpu.memory_space<semaphore_mem>>) src(%arg12 : memref<128x32xf32, #tpu.memory_space<vmem>>) dst(%dma_wait3A_214 : memref<2048x32xf32, #tpu.memory_space<vmem_shared>>)
          %add3A_215 = arith.constant 8 : i32
          %add3A_216 = arith.addi %add3A_163, %add3A_215 : i32
          %dma_start3A_217 = arith.constant 0 : i32
          %dma_start3A_218 = tpu.memref_slice %arg6[%add3A_216, %dma_start3A_217] : memref<140x128xi32, #tpu.memory_space<vmem>> -> memref<1x128xi32, #tpu.memory_space<vmem>>
          %dma_start3A_219 = tpu.memref_squeeze %dma_start3A_218 : memref<1x128xi32, #tpu.memory_space<vmem>> -> memref<128xi32, #tpu.memory_space<vmem>>
          %dma_start3A_220 = arith.constant 0 : i32
          %dma_start3A_221 = arith.constant 0 : i32
          %dma_start3A_222 = tpu.memref_slice %arg4[%dma_start3A_220, %dma_start3A_221] : memref<4004x32xf32, #tpu.memory_space<hbm>> -> memref<4004x32xf32, #tpu.memory_space<hbm>>
          tpu.enqueue_indirect_dma source(%dma_start3A_222 : memref<4004x32xf32, #tpu.memory_space<hbm>>) target(%arg12 : memref<128x32xf32, #tpu.memory_space<vmem>>) offsets(%dma_start3A_219 : memref<128xi32, #tpu.memory_space<vmem>>) semaphore(%arg20 : memref<!tpu.dma_semaphore, #tpu.memory_space<semaphore_mem>>)
        } else {
        }
      } else {
      }
      %add3A_169 = arith.constant 5 : i32
      %add3A_170 = arith.addi %mul3A_136, %add3A_169 : i32
      %lt3A_171 = arith.constant 140 : i32
      %lt3A_172 = arith.cmpi slt, %add3A_170, %lt3A_171 : i32
      %convert_element_type3A_173 = arith.extui %lt3A_172 : i1 to i32
      %cond3A_174 = arith.constant 0 : i32
      %cond3A_175 = arith.cmpi ne, %convert_element_type3A_173, %cond3A_174 : i32
      scf.if %cond3A_175 {
        %dma_wait3A_190 = arith.constant 0 : i32
        %dma_wait3A_191 = tpu.memref_slice %arg6[%add3A_170, %dma_wait3A_190] : memref<140x128xi32, #tpu.memory_space<vmem>> -> memref<1x128xi32, #tpu.memory_space<vmem>>
        %dma_wait3A_192 = tpu.memref_squeeze %dma_wait3A_191 : memref<1x128xi32, #tpu.memory_space<vmem>> -> memref<128xi32, #tpu.memory_space<vmem>>
        %dma_wait3A_193 = arith.constant 0 : i32
        %dma_wait3A_194 = arith.constant 0 : i32
        %dma_wait3A_195 = tpu.memref_slice %arg4[%dma_wait3A_193, %dma_wait3A_194] : memref<4004x32xf32, #tpu.memory_space<hbm>> -> memref<4004x32xf32, #tpu.memory_space<hbm>>
        tpu.wait_indirect_dma semaphore(%arg21 : memref<!tpu.dma_semaphore, #tpu.memory_space<semaphore_mem>>) src(%dma_wait3A_195 : memref<4004x32xf32, #tpu.memory_space<hbm>>) dst(%arg13 : memref<128x32xf32, #tpu.memory_space<vmem>>)
        %dma_start3A_196 = arith.constant 0 : i32
        %dma_start3A_197 = tpu.memref_slice %arg7[%add3A_170, %dma_start3A_196] : memref<140x128xi32, #tpu.memory_space<vmem>> -> memref<1x128xi32, #tpu.memory_space<vmem>>
        %dma_start3A_198 = tpu.memref_squeeze %dma_start3A_197 : memref<1x128xi32, #tpu.memory_space<vmem>> -> memref<128xi32, #tpu.memory_space<vmem>>
        %dma_start3A_199 = arith.constant 0 : i32
        %dma_start3A_200 = arith.constant 0 : i32
        %dma_start3A_201 = tpu.memref_slice %arg33[%dma_start3A_199, %dma_start3A_200] : memref<2048x32xf32, #tpu.memory_space<vmem_shared>> -> memref<2048x32xf32, #tpu.memory_space<vmem_shared>>
        tpu.enqueue_indirect_dma source(%arg13 : memref<128x32xf32, #tpu.memory_space<vmem>>) target(%dma_start3A_201 : memref<2048x32xf32, #tpu.memory_space<vmem_shared>>) offsets(%dma_start3A_198 : memref<128xi32, #tpu.memory_space<vmem>>) semaphore(%arg29 : memref<!tpu.dma_semaphore, #tpu.memory_space<semaphore_mem>>) {add = true}
        %add3A_202 = arith.constant 8 : i32
        %add3A_203 = arith.addi %add3A_170, %add3A_202 : i32
        %lt3A_204 = arith.constant 140 : i32
        %lt3A_205 = arith.cmpi slt, %add3A_203, %lt3A_204 : i32
        %convert_element_type3A_206 = arith.extui %lt3A_205 : i1 to i32
        %cond3A_207 = arith.constant 0 : i32
        %cond3A_208 = arith.cmpi ne, %convert_element_type3A_206, %cond3A_207 : i32
        scf.if %cond3A_208 {
          %dma_wait3A_209 = arith.constant 0 : i32
          %dma_wait3A_210 = tpu.memref_slice %arg7[%add3A_170, %dma_wait3A_209] : memref<140x128xi32, #tpu.memory_space<vmem>> -> memref<1x128xi32, #tpu.memory_space<vmem>>
          %dma_wait3A_211 = tpu.memref_squeeze %dma_wait3A_210 : memref<1x128xi32, #tpu.memory_space<vmem>> -> memref<128xi32, #tpu.memory_space<vmem>>
          %dma_wait3A_212 = arith.constant 0 : i32
          %dma_wait3A_213 = arith.constant 0 : i32
          %dma_wait3A_214 = tpu.memref_slice %arg33[%dma_wait3A_212, %dma_wait3A_213] : memref<2048x32xf32, #tpu.memory_space<vmem_shared>> -> memref<2048x32xf32, #tpu.memory_space<vmem_shared>>
          tpu.wait_indirect_dma semaphore(%arg29 : memref<!tpu.dma_semaphore, #tpu.memory_space<semaphore_mem>>) src(%arg13 : memref<128x32xf32, #tpu.memory_space<vmem>>) dst(%dma_wait3A_214 : memref<2048x32xf32, #tpu.memory_space<vmem_shared>>)
          %add3A_215 = arith.constant 8 : i32
          %add3A_216 = arith.addi %add3A_170, %add3A_215 : i32
          %dma_start3A_217 = arith.constant 0 : i32
          %dma_start3A_218 = tpu.memref_slice %arg6[%add3A_216, %dma_start3A_217] : memref<140x128xi32, #tpu.memory_space<vmem>> -> memref<1x128xi32, #tpu.memory_space<vmem>>
          %dma_start3A_219 = tpu.memref_squeeze %dma_start3A_218 : memref<1x128xi32, #tpu.memory_space<vmem>> -> memref<128xi32, #tpu.memory_space<vmem>>
          %dma_start3A_220 = arith.constant 0 : i32
          %dma_start3A_221 = arith.constant 0 : i32
          %dma_start3A_222 = tpu.memref_slice %arg4[%dma_start3A_220, %dma_start3A_221] : memref<4004x32xf32, #tpu.memory_space<hbm>> -> memref<4004x32xf32, #tpu.memory_space<hbm>>
          tpu.enqueue_indirect_dma source(%dma_start3A_222 : memref<4004x32xf32, #tpu.memory_space<hbm>>) target(%arg13 : memref<128x32xf32, #tpu.memory_space<vmem>>) offsets(%dma_start3A_219 : memref<128xi32, #tpu.memory_space<vmem>>) semaphore(%arg21 : memref<!tpu.dma_semaphore, #tpu.memory_space<semaphore_mem>>)
        } else {
        }
      } else {
      }
      %add3A_176 = arith.constant 6 : i32
      %add3A_177 = arith.addi %mul3A_136, %add3A_176 : i32
      %lt3A_178 = arith.constant 140 : i32
      %lt3A_179 = arith.cmpi slt, %add3A_177, %lt3A_178 : i32
      %convert_element_type3A_180 = arith.extui %lt3A_179 : i1 to i32
      %cond3A_181 = arith.constant 0 : i32
      %cond3A_182 = arith.cmpi ne, %convert_element_type3A_180, %cond3A_181 : i32
      scf.if %cond3A_182 {
        %dma_wait3A_190 = arith.constant 0 : i32
        %dma_wait3A_191 = tpu.memref_slice %arg6[%add3A_177, %dma_wait3A_190] : memref<140x128xi32, #tpu.memory_space<vmem>> -> memref<1x128xi32, #tpu.memory_space<vmem>>
        %dma_wait3A_192 = tpu.memref_squeeze %dma_wait3A_191 : memref<1x128xi32, #tpu.memory_space<vmem>> -> memref<128xi32, #tpu.memory_space<vmem>>
        %dma_wait3A_193 = arith.constant 0 : i32
        %dma_wait3A_194 = arith.constant 0 : i32
        %dma_wait3A_195 = tpu.memref_slice %arg4[%dma_wait3A_193, %dma_wait3A_194] : memref<4004x32xf32, #tpu.memory_space<hbm>> -> memref<4004x32xf32, #tpu.memory_space<hbm>>
        tpu.wait_indirect_dma semaphore(%arg22 : memref<!tpu.dma_semaphore, #tpu.memory_space<semaphore_mem>>) src(%dma_wait3A_195 : memref<4004x32xf32, #tpu.memory_space<hbm>>) dst(%arg14 : memref<128x32xf32, #tpu.memory_space<vmem>>)
        %dma_start3A_196 = arith.constant 0 : i32
        %dma_start3A_197 = tpu.memref_slice %arg7[%add3A_177, %dma_start3A_196] : memref<140x128xi32, #tpu.memory_space<vmem>> -> memref<1x128xi32, #tpu.memory_space<vmem>>
        %dma_start3A_198 = tpu.memref_squeeze %dma_start3A_197 : memref<1x128xi32, #tpu.memory_space<vmem>> -> memref<128xi32, #tpu.memory_space<vmem>>
        %dma_start3A_199 = arith.constant 0 : i32
        %dma_start3A_200 = arith.constant 0 : i32
        %dma_start3A_201 = tpu.memref_slice %arg33[%dma_start3A_199, %dma_start3A_200] : memref<2048x32xf32, #tpu.memory_space<vmem_shared>> -> memref<2048x32xf32, #tpu.memory_space<vmem_shared>>
        tpu.enqueue_indirect_dma source(%arg14 : memref<128x32xf32, #tpu.memory_space<vmem>>) target(%dma_start3A_201 : memref<2048x32xf32, #tpu.memory_space<vmem_shared>>) offsets(%dma_start3A_198 : memref<128xi32, #tpu.memory_space<vmem>>) semaphore(%arg30 : memref<!tpu.dma_semaphore, #tpu.memory_space<semaphore_mem>>) {add = true}
        %add3A_202 = arith.constant 8 : i32
        %add3A_203 = arith.addi %add3A_177, %add3A_202 : i32
        %lt3A_204 = arith.constant 140 : i32
        %lt3A_205 = arith.cmpi slt, %add3A_203, %lt3A_204 : i32
        %convert_element_type3A_206 = arith.extui %lt3A_205 : i1 to i32
        %cond3A_207 = arith.constant 0 : i32
        %cond3A_208 = arith.cmpi ne, %convert_element_type3A_206, %cond3A_207 : i32
        scf.if %cond3A_208 {
          %dma_wait3A_209 = arith.constant 0 : i32
          %dma_wait3A_210 = tpu.memref_slice %arg7[%add3A_177, %dma_wait3A_209] : memref<140x128xi32, #tpu.memory_space<vmem>> -> memref<1x128xi32, #tpu.memory_space<vmem>>
          %dma_wait3A_211 = tpu.memref_squeeze %dma_wait3A_210 : memref<1x128xi32, #tpu.memory_space<vmem>> -> memref<128xi32, #tpu.memory_space<vmem>>
          %dma_wait3A_212 = arith.constant 0 : i32
          %dma_wait3A_213 = arith.constant 0 : i32
          %dma_wait3A_214 = tpu.memref_slice %arg33[%dma_wait3A_212, %dma_wait3A_213] : memref<2048x32xf32, #tpu.memory_space<vmem_shared>> -> memref<2048x32xf32, #tpu.memory_space<vmem_shared>>
          tpu.wait_indirect_dma semaphore(%arg30 : memref<!tpu.dma_semaphore, #tpu.memory_space<semaphore_mem>>) src(%arg14 : memref<128x32xf32, #tpu.memory_space<vmem>>) dst(%dma_wait3A_214 : memref<2048x32xf32, #tpu.memory_space<vmem_shared>>)
          %add3A_215 = arith.constant 8 : i32
          %add3A_216 = arith.addi %add3A_177, %add3A_215 : i32
          %dma_start3A_217 = arith.constant 0 : i32
          %dma_start3A_218 = tpu.memref_slice %arg6[%add3A_216, %dma_start3A_217] : memref<140x128xi32, #tpu.memory_space<vmem>> -> memref<1x128xi32, #tpu.memory_space<vmem>>
          %dma_start3A_219 = tpu.memref_squeeze %dma_start3A_218 : memref<1x128xi32, #tpu.memory_space<vmem>> -> memref<128xi32, #tpu.memory_space<vmem>>
          %dma_start3A_220 = arith.constant 0 : i32
          %dma_start3A_221 = arith.constant 0 : i32
          %dma_start3A_222 = tpu.memref_slice %arg4[%dma_start3A_220, %dma_start3A_221] : memref<4004x32xf32, #tpu.memory_space<hbm>> -> memref<4004x32xf32, #tpu.memory_space<hbm>>
          tpu.enqueue_indirect_dma source(%dma_start3A_222 : memref<4004x32xf32, #tpu.memory_space<hbm>>) target(%arg14 : memref<128x32xf32, #tpu.memory_space<vmem>>) offsets(%dma_start3A_219 : memref<128xi32, #tpu.memory_space<vmem>>) semaphore(%arg22 : memref<!tpu.dma_semaphore, #tpu.memory_space<semaphore_mem>>)
        } else {
        }
      } else {
      }
      %add3A_183 = arith.constant 7 : i32
      %add3A_184 = arith.addi %mul3A_136, %add3A_183 : i32
      %lt3A_185 = arith.constant 140 : i32
      %lt3A_186 = arith.cmpi slt, %add3A_184, %lt3A_185 : i32
      %convert_element_type3A_187 = arith.extui %lt3A_186 : i1 to i32
      %cond3A_188 = arith.constant 0 : i32
      %cond3A_189 = arith.cmpi ne, %convert_element_type3A_187, %cond3A_188 : i32
      scf.if %cond3A_189 {
        %dma_wait3A_190 = arith.constant 0 : i32
        %dma_wait3A_191 = tpu.memref_slice %arg6[%add3A_184, %dma_wait3A_190] : memref<140x128xi32, #tpu.memory_space<vmem>> -> memref<1x128xi32, #tpu.memory_space<vmem>>
        %dma_wait3A_192 = tpu.memref_squeeze %dma_wait3A_191 : memref<1x128xi32, #tpu.memory_space<vmem>> -> memref<128xi32, #tpu.memory_space<vmem>>
        %dma_wait3A_193 = arith.constant 0 : i32
        %dma_wait3A_194 = arith.constant 0 : i32
        %dma_wait3A_195 = tpu.memref_slice %arg4[%dma_wait3A_193, %dma_wait3A_194] : memref<4004x32xf32, #tpu.memory_space<hbm>> -> memref<4004x32xf32, #tpu.memory_space<hbm>>
        tpu.wait_indirect_dma semaphore(%arg23 : memref<!tpu.dma_semaphore, #tpu.memory_space<semaphore_mem>>) src(%dma_wait3A_195 : memref<4004x32xf32, #tpu.memory_space<hbm>>) dst(%arg15 : memref<128x32xf32, #tpu.memory_space<vmem>>)
        %dma_start3A_196 = arith.constant 0 : i32
        %dma_start3A_197 = tpu.memref_slice %arg7[%add3A_184, %dma_start3A_196] : memref<140x128xi32, #tpu.memory_space<vmem>> -> memref<1x128xi32, #tpu.memory_space<vmem>>
        %dma_start3A_198 = tpu.memref_squeeze %dma_start3A_197 : memref<1x128xi32, #tpu.memory_space<vmem>> -> memref<128xi32, #tpu.memory_space<vmem>>
        %dma_start3A_199 = arith.constant 0 : i32
        %dma_start3A_200 = arith.constant 0 : i32
        %dma_start3A_201 = tpu.memref_slice %arg33[%dma_start3A_199, %dma_start3A_200] : memref<2048x32xf32, #tpu.memory_space<vmem_shared>> -> memref<2048x32xf32, #tpu.memory_space<vmem_shared>>
        tpu.enqueue_indirect_dma source(%arg15 : memref<128x32xf32, #tpu.memory_space<vmem>>) target(%dma_start3A_201 : memref<2048x32xf32, #tpu.memory_space<vmem_shared>>) offsets(%dma_start3A_198 : memref<128xi32, #tpu.memory_space<vmem>>) semaphore(%arg31 : memref<!tpu.dma_semaphore, #tpu.memory_space<semaphore_mem>>) {add = true}
        %add3A_202 = arith.constant 8 : i32
        %add3A_203 = arith.addi %add3A_184, %add3A_202 : i32
        %lt3A_204 = arith.constant 140 : i32
        %lt3A_205 = arith.cmpi slt, %add3A_203, %lt3A_204 : i32
        %convert_element_type3A_206 = arith.extui %lt3A_205 : i1 to i32
        %cond3A_207 = arith.constant 0 : i32
        %cond3A_208 = arith.cmpi ne, %convert_element_type3A_206, %cond3A_207 : i32
        scf.if %cond3A_208 {
          %dma_wait3A_209 = arith.constant 0 : i32
          %dma_wait3A_210 = tpu.memref_slice %arg7[%add3A_184, %dma_wait3A_209] : memref<140x128xi32, #tpu.memory_space<vmem>> -> memref<1x128xi32, #tpu.memory_space<vmem>>
          %dma_wait3A_211 = tpu.memref_squeeze %dma_wait3A_210 : memref<1x128xi32, #tpu.memory_space<vmem>> -> memref<128xi32, #tpu.memory_space<vmem>>
          %dma_wait3A_212 = arith.constant 0 : i32
          %dma_wait3A_213 = arith.constant 0 : i32
          %dma_wait3A_214 = tpu.memref_slice %arg33[%dma_wait3A_212, %dma_wait3A_213] : memref<2048x32xf32, #tpu.memory_space<vmem_shared>> -> memref<2048x32xf32, #tpu.memory_space<vmem_shared>>
          tpu.wait_indirect_dma semaphore(%arg31 : memref<!tpu.dma_semaphore, #tpu.memory_space<semaphore_mem>>) src(%arg15 : memref<128x32xf32, #tpu.memory_space<vmem>>) dst(%dma_wait3A_214 : memref<2048x32xf32, #tpu.memory_space<vmem_shared>>)
          %add3A_215 = arith.constant 8 : i32
          %add3A_216 = arith.addi %add3A_184, %add3A_215 : i32
          %dma_start3A_217 = arith.constant 0 : i32
          %dma_start3A_218 = tpu.memref_slice %arg6[%add3A_216, %dma_start3A_217] : memref<140x128xi32, #tpu.memory_space<vmem>> -> memref<1x128xi32, #tpu.memory_space<vmem>>
          %dma_start3A_219 = tpu.memref_squeeze %dma_start3A_218 : memref<1x128xi32, #tpu.memory_space<vmem>> -> memref<128xi32, #tpu.memory_space<vmem>>
          %dma_start3A_220 = arith.constant 0 : i32
          %dma_start3A_221 = arith.constant 0 : i32
          %dma_start3A_222 = tpu.memref_slice %arg4[%dma_start3A_220, %dma_start3A_221] : memref<4004x32xf32, #tpu.memory_space<hbm>> -> memref<4004x32xf32, #tpu.memory_space<hbm>>
          tpu.enqueue_indirect_dma source(%dma_start3A_222 : memref<4004x32xf32, #tpu.memory_space<hbm>>) target(%arg15 : memref<128x32xf32, #tpu.memory_space<vmem>>) offsets(%dma_start3A_219 : memref<128xi32, #tpu.memory_space<vmem>>) semaphore(%arg23 : memref<!tpu.dma_semaphore, #tpu.memory_space<semaphore_mem>>)
        } else {
        }
      } else {
      }
    }
    %scan3A_74 = arith.constant 18 : i32
    %dma_wait3A = arith.constant 0 : i32
    %dma_wait3A_75 = arith.constant 0 : i32
    %dma_wait3A_76 = tpu.memref_slice %arg7[%dma_wait3A, %dma_wait3A_75] : memref<140x128xi32, #tpu.memory_space<vmem>> -> memref<1x128xi32, #tpu.memory_space<vmem>>
    %dma_wait3A_77 = tpu.memref_squeeze %dma_wait3A_76 : memref<1x128xi32, #tpu.memory_space<vmem>> -> memref<128xi32, #tpu.memory_space<vmem>>
    %dma_wait3A_78 = arith.constant 0 : i32
    %dma_wait3A_79 = arith.constant 0 : i32
    %dma_wait3A_80 = tpu.memref_slice %arg33[%dma_wait3A_78, %dma_wait3A_79] : memref<2048x32xf32, #tpu.memory_space<vmem_shared>> -> memref<2048x32xf32, #tpu.memory_space<vmem_shared>>
    tpu.wait_indirect_dma semaphore(%arg24 : memref<!tpu.dma_semaphore, #tpu.memory_space<semaphore_mem>>) src(%arg8 : memref<128x32xf32, #tpu.memory_space<vmem>>) dst(%dma_wait3A_80 : memref<2048x32xf32, #tpu.memory_space<vmem_shared>>)
    %dma_wait3A_81 = arith.constant 0 : i32
    %dma_wait3A_82 = arith.constant 0 : i32
    %dma_wait3A_83 = tpu.memref_slice %arg7[%dma_wait3A_81, %dma_wait3A_82] : memref<140x128xi32, #tpu.memory_space<vmem>> -> memref<1x128xi32, #tpu.memory_space<vmem>>
    %dma_wait3A_84 = tpu.memref_squeeze %dma_wait3A_83 : memref<1x128xi32, #tpu.memory_space<vmem>> -> memref<128xi32, #tpu.memory_space<vmem>>
    %dma_wait3A_85 = arith.constant 0 : i32
    %dma_wait3A_86 = arith.constant 0 : i32
    %dma_wait3A_87 = tpu.memref_slice %arg33[%dma_wait3A_85, %dma_wait3A_86] : memref<2048x32xf32, #tpu.memory_space<vmem_shared>> -> memref<2048x32xf32, #tpu.memory_space<vmem_shared>>
    tpu.wait_indirect_dma semaphore(%arg25 : memref<!tpu.dma_semaphore, #tpu.memory_space<semaphore_mem>>) src(%arg9 : memref<128x32xf32, #tpu.memory_space<vmem>>) dst(%dma_wait3A_87 : memref<2048x32xf32, #tpu.memory_space<vmem_shared>>)
    %dma_wait3A_88 = arith.constant 0 : i32
    %dma_wait3A_89 = arith.constant 0 : i32
    %dma_wait3A_90 = tpu.memref_slice %arg7[%dma_wait3A_88, %dma_wait3A_89] : memref<140x128xi32, #tpu.memory_space<vmem>> -> memref<1x128xi32, #tpu.memory_space<vmem>>
    %dma_wait3A_91 = tpu.memref_squeeze %dma_wait3A_90 : memref<1x128xi32, #tpu.memory_space<vmem>> -> memref<128xi32, #tpu.memory_space<vmem>>
    %dma_wait3A_92 = arith.constant 0 : i32
    %dma_wait3A_93 = arith.constant 0 : i32
    %dma_wait3A_94 = tpu.memref_slice %arg33[%dma_wait3A_92, %dma_wait3A_93] : memref<2048x32xf32, #tpu.memory_space<vmem_shared>> -> memref<2048x32xf32, #tpu.memory_space<vmem_shared>>
    tpu.wait_indirect_dma semaphore(%arg26 : memref<!tpu.dma_semaphore, #tpu.memory_space<semaphore_mem>>) src(%arg10 : memref<128x32xf32, #tpu.memory_space<vmem>>) dst(%dma_wait3A_94 : memref<2048x32xf32, #tpu.memory_space<vmem_shared>>)
    %dma_wait3A_95 = arith.constant 0 : i32
    %dma_wait3A_96 = arith.constant 0 : i32
    %dma_wait3A_97 = tpu.memref_slice %arg7[%dma_wait3A_95, %dma_wait3A_96] : memref<140x128xi32, #tpu.memory_space<vmem>> -> memref<1x128xi32, #tpu.memory_space<vmem>>
    %dma_wait3A_98 = tpu.memref_squeeze %dma_wait3A_97 : memref<1x128xi32, #tpu.memory_space<vmem>> -> memref<128xi32, #tpu.memory_space<vmem>>
    %dma_wait3A_99 = arith.constant 0 : i32
    %dma_wait3A_100 = arith.constant 0 : i32
    %dma_wait3A_101 = tpu.memref_slice %arg33[%dma_wait3A_99, %dma_wait3A_100] : memref<2048x32xf32, #tpu.memory_space<vmem_shared>> -> memref<2048x32xf32, #tpu.memory_space<vmem_shared>>
    tpu.wait_indirect_dma semaphore(%arg27 : memref<!tpu.dma_semaphore, #tpu.memory_space<semaphore_mem>>) src(%arg11 : memref<128x32xf32, #tpu.memory_space<vmem>>) dst(%dma_wait3A_101 : memref<2048x32xf32, #tpu.memory_space<vmem_shared>>)
    %dma_wait3A_102 = arith.constant 0 : i32
    %dma_wait3A_103 = arith.constant 0 : i32
    %dma_wait3A_104 = tpu.memref_slice %arg7[%dma_wait3A_102, %dma_wait3A_103] : memref<140x128xi32, #tpu.memory_space<vmem>> -> memref<1x128xi32, #tpu.memory_space<vmem>>
    %dma_wait3A_105 = tpu.memref_squeeze %dma_wait3A_104 : memref<1x128xi32, #tpu.memory_space<vmem>> -> memref<128xi32, #tpu.memory_space<vmem>>
    %dma_wait3A_106 = arith.constant 0 : i32
    %dma_wait3A_107 = arith.constant 0 : i32
    %dma_wait3A_108 = tpu.memref_slice %arg33[%dma_wait3A_106, %dma_wait3A_107] : memref<2048x32xf32, #tpu.memory_space<vmem_shared>> -> memref<2048x32xf32, #tpu.memory_space<vmem_shared>>
    tpu.wait_indirect_dma semaphore(%arg28 : memref<!tpu.dma_semaphore, #tpu.memory_space<semaphore_mem>>) src(%arg12 : memref<128x32xf32, #tpu.memory_space<vmem>>) dst(%dma_wait3A_108 : memref<2048x32xf32, #tpu.memory_space<vmem_shared>>)
    %dma_wait3A_109 = arith.constant 0 : i32
    %dma_wait3A_110 = arith.constant 0 : i32
    %dma_wait3A_111 = tpu.memref_slice %arg7[%dma_wait3A_109, %dma_wait3A_110] : memref<140x128xi32, #tpu.memory_space<vmem>> -> memref<1x128xi32, #tpu.memory_space<vmem>>
    %dma_wait3A_112 = tpu.memref_squeeze %dma_wait3A_111 : memref<1x128xi32, #tpu.memory_space<vmem>> -> memref<128xi32, #tpu.memory_space<vmem>>
    %dma_wait3A_113 = arith.constant 0 : i32
    %dma_wait3A_114 = arith.constant 0 : i32
    %dma_wait3A_115 = tpu.memref_slice %arg33[%dma_wait3A_113, %dma_wait3A_114] : memref<2048x32xf32, #tpu.memory_space<vmem_shared>> -> memref<2048x32xf32, #tpu.memory_space<vmem_shared>>
    tpu.wait_indirect_dma semaphore(%arg29 : memref<!tpu.dma_semaphore, #tpu.memory_space<semaphore_mem>>) src(%arg13 : memref<128x32xf32, #tpu.memory_space<vmem>>) dst(%dma_wait3A_115 : memref<2048x32xf32, #tpu.memory_space<vmem_shared>>)
    %dma_wait3A_116 = arith.constant 0 : i32
    %dma_wait3A_117 = arith.constant 0 : i32
    %dma_wait3A_118 = tpu.memref_slice %arg7[%dma_wait3A_116, %dma_wait3A_117] : memref<140x128xi32, #tpu.memory_space<vmem>> -> memref<1x128xi32, #tpu.memory_space<vmem>>
    %dma_wait3A_119 = tpu.memref_squeeze %dma_wait3A_118 : memref<1x128xi32, #tpu.memory_space<vmem>> -> memref<128xi32, #tpu.memory_space<vmem>>
    %dma_wait3A_120 = arith.constant 0 : i32
    %dma_wait3A_121 = arith.constant 0 : i32
    %dma_wait3A_122 = tpu.memref_slice %arg33[%dma_wait3A_120, %dma_wait3A_121] : memref<2048x32xf32, #tpu.memory_space<vmem_shared>> -> memref<2048x32xf32, #tpu.memory_space<vmem_shared>>
    tpu.wait_indirect_dma semaphore(%arg30 : memref<!tpu.dma_semaphore, #tpu.memory_space<semaphore_mem>>) src(%arg14 : memref<128x32xf32, #tpu.memory_space<vmem>>) dst(%dma_wait3A_122 : memref<2048x32xf32, #tpu.memory_space<vmem_shared>>)
    %dma_wait3A_123 = arith.constant 0 : i32
    %dma_wait3A_124 = arith.constant 0 : i32
    %dma_wait3A_125 = tpu.memref_slice %arg7[%dma_wait3A_123, %dma_wait3A_124] : memref<140x128xi32, #tpu.memory_space<vmem>> -> memref<1x128xi32, #tpu.memory_space<vmem>>
    %dma_wait3A_126 = tpu.memref_squeeze %dma_wait3A_125 : memref<1x128xi32, #tpu.memory_space<vmem>> -> memref<128xi32, #tpu.memory_space<vmem>>
    %dma_wait3A_127 = arith.constant 0 : i32
    %dma_wait3A_128 = arith.constant 0 : i32
    %dma_wait3A_129 = tpu.memref_slice %arg33[%dma_wait3A_127, %dma_wait3A_128] : memref<2048x32xf32, #tpu.memory_space<vmem_shared>> -> memref<2048x32xf32, #tpu.memory_space<vmem_shared>>
    tpu.wait_indirect_dma semaphore(%arg31 : memref<!tpu.dma_semaphore, #tpu.memory_space<semaphore_mem>>) src(%arg15 : memref<128x32xf32, #tpu.memory_space<vmem>>) dst(%dma_wait3A_129 : memref<2048x32xf32, #tpu.memory_space<vmem_shared>>)
    "tpu.region"() ({
      %run_scoped3A = tpu.sem_alloc : memref<!tpu.dma_semaphore, #tpu.memory_space<semaphore_mem>>
      %dma_start3A_130 = arith.constant 0 : i32
      %dma_start3A_131 = tpu.memref_slice %arg5[%mul3A_2, %dma_start3A_130] : memref<4096x32xf32, #tpu.memory_space<hbm>> -> memref<128x32xf32, #tpu.memory_space<hbm>>
      %dma_start3A_132 = arith.constant 0 : i32
      %dma_start3A_133 = tpu.memref_slice %arg33[%mul3A_4, %dma_start3A_132] : memref<2048x32xf32, #tpu.memory_space<vmem_shared>> -> memref<128x32xf32, #tpu.memory_space<vmem_shared>>
      tpu.enqueue_dma source(%dma_start3A_133 : memref<128x32xf32, #tpu.memory_space<vmem_shared>>) target(%dma_start3A_131 : memref<128x32xf32, #tpu.memory_space<hbm>>) target_semaphore(%run_scoped3A : memref<!tpu.dma_semaphore, #tpu.memory_space<semaphore_mem>>)
      %dma_wait3A_134 = arith.constant 0 : i32
      %dma_wait3A_135 = tpu.memref_slice %arg5[%mul3A_2, %dma_wait3A_134] : memref<4096x32xf32, #tpu.memory_space<hbm>> -> memref<128x32xf32, #tpu.memory_space<hbm>>
      %dma_wait3A_136 = arith.constant 0 : i32
      %dma_wait3A_137 = tpu.memref_slice %arg33[%mul3A_4, %dma_wait3A_136] : memref<2048x32xf32, #tpu.memory_space<vmem_shared>> -> memref<128x32xf32, #tpu.memory_space<vmem_shared>>
      tpu.wait_dma2 semaphore(%run_scoped3A : memref<!tpu.dma_semaphore, #tpu.memory_space<semaphore_mem>>) src(%dma_wait3A_137 : memref<128x32xf32, #tpu.memory_space<vmem_shared>>) dst(%dma_wait3A_135 : memref<128x32xf32, #tpu.memory_space<hbm>>)
      tpu.yield
    }) : () -> ()
    return
  }
}

#map = affine_map<(d0, d1) -> (0, 0, 0)>
#map1 = affine_map<(d0, d1) -> (0, 0)>
module attributes {stable_mosaic.version = 14 : i64} {
  func.func @k(%arg0: i32, %arg1: i32, %arg2: memref<32x50x128xi32, #tpu.memory_space<hbm>>, %arg3: memref<32x128xi32, #tpu.memory_space<hbm>>, %arg4: memref<50x128xi32, #tpu.memory_space<hbm>>, %arg5: memref<1000000x32xf32, #tpu.memory_space<hbm>>, %arg6: memref<100000x32xf32, #tpu.memory_space<hbm>>, %arg7: memref<4096x32xf32, #tpu.memory_space<hbm>>, %arg8: memref<4096x32xf32, #tpu.memory_space<hbm>>, %arg9: memref<50x128xi32, #tpu.memory_space<vmem>>, %arg10: memref<50x128xi32, #tpu.memory_space<vmem>>, %arg11: memref<128xi32, #tpu.memory_space<vmem>>, %arg12: memref<128x32xf32, #tpu.memory_space<vmem>>, %arg13: memref<128x32xf32, #tpu.memory_space<vmem>>, %arg14: memref<128x32xf32, #tpu.memory_space<vmem>>, %arg15: memref<128x32xf32, #tpu.memory_space<vmem>>, %arg16: memref<128x32xf32, #tpu.memory_space<vmem>>, %arg17: memref<128x32xf32, #tpu.memory_space<vmem>>, %arg18: memref<128x32xf32, #tpu.memory_space<vmem>>, %arg19: memref<128x32xf32, #tpu.memory_space<vmem>>, %arg20: memref<!tpu.dma_semaphore, #tpu.memory_space<semaphore_mem>>, %arg21: memref<!tpu.dma_semaphore, #tpu.memory_space<semaphore_mem>>, %arg22: memref<!tpu.dma_semaphore, #tpu.memory_space<semaphore_mem>>, %arg23: memref<!tpu.dma_semaphore, #tpu.memory_space<semaphore_mem>>, %arg24: memref<!tpu.dma_semaphore, #tpu.memory_space<semaphore_mem>>, %arg25: memref<!tpu.dma_semaphore, #tpu.memory_space<semaphore_mem>>, %arg26: memref<!tpu.dma_semaphore, #tpu.memory_space<semaphore_mem>>, %arg27: memref<!tpu.dma_semaphore, #tpu.memory_space<semaphore_mem>>, %arg28: memref<!tpu.dma_semaphore, #tpu.memory_space<semaphore_mem>>, %arg29: memref<!tpu.dma_semaphore, #tpu.memory_space<semaphore_mem>>, %arg30: memref<!tpu.dma_semaphore, #tpu.memory_space<semaphore_mem>>, %arg31: memref<!tpu.dma_semaphore, #tpu.memory_space<semaphore_mem>>, %arg32: memref<!tpu.dma_semaphore, #tpu.memory_space<semaphore_mem>>, %arg33: memref<!tpu.dma_semaphore, #tpu.memory_space<semaphore_mem>>, %arg34: memref<!tpu.dma_semaphore, #tpu.memory_space<semaphore_mem>>, %arg35: memref<!tpu.dma_semaphore, #tpu.memory_space<semaphore_mem>>, %arg36: memref<128x32xf32, #tpu.memory_space<vmem>>, %arg37: memref<2048x32xf32, #tpu.memory_space<vmem_shared>>) attributes {dimension_semantics = [#tpu.dimension_semantics<core_parallel>, #tpu.dimension_semantics<subcore_parallel>], iteration_bounds = array<i64: 2, 16>, scalar_prefetch = 0 : i64, scratch_operands = 29 : i64, tpu.core_type = #tpu.core_type<sc_vector_subcore>, window_params = [{transform_indices = #map}, {transform_indices = #map1}, {transform_indices = #map1}, {transform_indices = #map1}, {transform_indices = #map1}, {transform_indices = #map1}, {transform_indices = #map1}]} {
    %mul3A = arith.constant 2 : i32
    %mul3A_0 = arith.muli %arg1, %mul3A : i32
    %add3A = arith.addi %mul3A_0, %arg0 : i32
    %mul3A_1 = arith.constant 128 : i32
    %mul3A_2 = arith.muli %add3A, %mul3A_1 : i32
    %mul3A_3 = arith.constant 128 : i32
    %mul3A_4 = arith.muli %arg1, %mul3A_3 : i32
    "tpu.region"() ({
      %run_scoped3A = tpu.sem_alloc : memref<!tpu.dma_semaphore, #tpu.memory_space<semaphore_mem>>
      %dma_start3A_136 = arith.constant 0 : i32
      %dma_start3A_137 = arith.constant 0 : i32
      %dma_start3A_138 = tpu.memref_slice %arg2[%add3A, %dma_start3A_136, %dma_start3A_137] : memref<32x50x128xi32, #tpu.memory_space<hbm>> -> memref<1x50x128xi32, #tpu.memory_space<hbm>>
      %dma_start3A_139 = tpu.memref_squeeze %dma_start3A_138 : memref<1x50x128xi32, #tpu.memory_space<hbm>> -> memref<50x128xi32, #tpu.memory_space<hbm>>
      %dma_start3A_140 = arith.constant 0 : i32
      %dma_start3A_141 = arith.constant 0 : i32
      %dma_start3A_142 = tpu.memref_slice %arg2[%add3A, %dma_start3A_140, %dma_start3A_141] : memref<32x50x128xi32, #tpu.memory_space<hbm>> -> memref<1x50x128xi32, #tpu.memory_space<hbm>>
      %dma_start3A_143 = tpu.memref_squeeze %dma_start3A_142 : memref<1x50x128xi32, #tpu.memory_space<hbm>> -> memref<50x128xi32, #tpu.memory_space<hbm>>
      tpu.enqueue_dma source(%dma_start3A_143 : memref<50x128xi32, #tpu.memory_space<hbm>>) target(%arg9 : memref<50x128xi32, #tpu.memory_space<vmem>>) target_semaphore(%run_scoped3A : memref<!tpu.dma_semaphore, #tpu.memory_space<semaphore_mem>>)
      %dma_wait3A_144 = arith.constant 0 : i32
      %dma_wait3A_145 = arith.constant 0 : i32
      %dma_wait3A_146 = tpu.memref_slice %arg2[%add3A, %dma_wait3A_144, %dma_wait3A_145] : memref<32x50x128xi32, #tpu.memory_space<hbm>> -> memref<1x50x128xi32, #tpu.memory_space<hbm>>
      %dma_wait3A_147 = tpu.memref_squeeze %dma_wait3A_146 : memref<1x50x128xi32, #tpu.memory_space<hbm>> -> memref<50x128xi32, #tpu.memory_space<hbm>>
      %dma_wait3A_148 = arith.constant 0 : i32
      %dma_wait3A_149 = arith.constant 0 : i32
      %dma_wait3A_150 = tpu.memref_slice %arg2[%add3A, %dma_wait3A_148, %dma_wait3A_149] : memref<32x50x128xi32, #tpu.memory_space<hbm>> -> memref<1x50x128xi32, #tpu.memory_space<hbm>>
      %dma_wait3A_151 = tpu.memref_squeeze %dma_wait3A_150 : memref<1x50x128xi32, #tpu.memory_space<hbm>> -> memref<50x128xi32, #tpu.memory_space<hbm>>
      tpu.wait_dma2 semaphore(%run_scoped3A : memref<!tpu.dma_semaphore, #tpu.memory_space<semaphore_mem>>) src(%dma_wait3A_151 : memref<50x128xi32, #tpu.memory_space<hbm>>) dst(%arg9 : memref<50x128xi32, #tpu.memory_space<vmem>>)
      tpu.yield
    }) : () -> ()
    "tpu.region"() ({
      %run_scoped3A = tpu.sem_alloc : memref<!tpu.dma_semaphore, #tpu.memory_space<semaphore_mem>>
      %dma_start3A_136 = arith.constant 0 : i32
      %dma_start3A_137 = tpu.memref_slice %arg3[%add3A, %dma_start3A_136] : memref<32x128xi32, #tpu.memory_space<hbm>> -> memref<1x128xi32, #tpu.memory_space<hbm>>
      %dma_start3A_138 = tpu.memref_squeeze %dma_start3A_137 : memref<1x128xi32, #tpu.memory_space<hbm>> -> memref<128xi32, #tpu.memory_space<hbm>>
      %dma_start3A_139 = arith.constant 0 : i32
      %dma_start3A_140 = tpu.memref_slice %arg3[%add3A, %dma_start3A_139] : memref<32x128xi32, #tpu.memory_space<hbm>> -> memref<1x128xi32, #tpu.memory_space<hbm>>
      %dma_start3A_141 = tpu.memref_squeeze %dma_start3A_140 : memref<1x128xi32, #tpu.memory_space<hbm>> -> memref<128xi32, #tpu.memory_space<hbm>>
      tpu.enqueue_dma source(%dma_start3A_141 : memref<128xi32, #tpu.memory_space<hbm>>) target(%arg11 : memref<128xi32, #tpu.memory_space<vmem>>) target_semaphore(%run_scoped3A : memref<!tpu.dma_semaphore, #tpu.memory_space<semaphore_mem>>)
      %dma_wait3A_142 = arith.constant 0 : i32
      %dma_wait3A_143 = tpu.memref_slice %arg3[%add3A, %dma_wait3A_142] : memref<32x128xi32, #tpu.memory_space<hbm>> -> memref<1x128xi32, #tpu.memory_space<hbm>>
      %dma_wait3A_144 = tpu.memref_squeeze %dma_wait3A_143 : memref<1x128xi32, #tpu.memory_space<hbm>> -> memref<128xi32, #tpu.memory_space<hbm>>
      %dma_wait3A_145 = arith.constant 0 : i32
      %dma_wait3A_146 = tpu.memref_slice %arg3[%add3A, %dma_wait3A_145] : memref<32x128xi32, #tpu.memory_space<hbm>> -> memref<1x128xi32, #tpu.memory_space<hbm>>
      %dma_wait3A_147 = tpu.memref_squeeze %dma_wait3A_146 : memref<1x128xi32, #tpu.memory_space<hbm>> -> memref<128xi32, #tpu.memory_space<hbm>>
      tpu.wait_dma2 semaphore(%run_scoped3A : memref<!tpu.dma_semaphore, #tpu.memory_space<semaphore_mem>>) src(%dma_wait3A_147 : memref<128xi32, #tpu.memory_space<hbm>>) dst(%arg11 : memref<128xi32, #tpu.memory_space<vmem>>)
      tpu.yield
    }) : () -> ()
    "tpu.region"() ({
      %run_scoped3A = tpu.sem_alloc : memref<!tpu.dma_semaphore, #tpu.memory_space<semaphore_mem>>
      tpu.enqueue_dma source(%arg4 : memref<50x128xi32, #tpu.memory_space<hbm>>) target(%arg10 : memref<50x128xi32, #tpu.memory_space<vmem>>) target_semaphore(%run_scoped3A : memref<!tpu.dma_semaphore, #tpu.memory_space<semaphore_mem>>)
      tpu.wait_dma2 semaphore(%run_scoped3A : memref<!tpu.dma_semaphore, #tpu.memory_space<semaphore_mem>>) src(%arg4 : memref<50x128xi32, #tpu.memory_space<hbm>>) dst(%arg10 : memref<50x128xi32, #tpu.memory_space<vmem>>)
      tpu.yield
    }) : () -> ()
    %scan3A = arith.constant 0 : i32
    %scan3A_5 = arith.constant 50 : i32
    %scan3A_6 = arith.addi %scan3A, %scan3A_5 : i32
    %scan3A_7 = arith.constant 1 : i32
    scf.for %scan3A_136 = %scan3A to %scan3A_6 step %scan3A_7  : i32 {
      %mul3A_137 = arith.constant 1 : i32
      %mul3A_138 = arith.muli %scan3A_136, %mul3A_137 : i32
      %add3A_139 = arith.constant 0 : i32
      %add3A_140 = arith.addi %add3A_139, %mul3A_138 : i32
      %get3A = arith.index_cast %add3A_140 : i32 to index
      %get3A_141 = arith.constant 0 : index
      %get3A_142 = tpu.vector_load %arg10[%get3A, %get3A_141] {strides = array<i32>} : memref<50x128xi32, #tpu.memory_space<vmem>>, vector<1x16xi32>,
      %get3A_143 = vector.shape_cast %get3A_142 : vector<1x16xi32> to vector<16xi32>
      %add3A_144 = vector.broadcast %mul3A_4 : i32 to vector<16xi32>
      %add3A_145 = arith.addi %get3A_143, %add3A_144 : vector<16xi32>
      %swap3A = arith.index_cast %add3A_140 : i32 to index
      %swap3A_146 = arith.constant 0 : index
      %swap3A_147 = tpu.vector_load %arg10[%swap3A, %swap3A_146] {strides = array<i32>} : memref<50x128xi32, #tpu.memory_space<vmem>>, vector<1x16xi32>,
      %swap3A_148 = vector.shape_cast %swap3A_147 : vector<1x16xi32> to vector<16xi32>
      %swap3A_149 = vector.shape_cast %add3A_145 : vector<16xi32> to vector<1x16xi32>
      tpu.vector_store %arg10[%swap3A, %swap3A_146], %swap3A_149 {strides = array<i32>} : memref<50x128xi32, #tpu.memory_space<vmem>>, vector<1x16xi32>,
      %get3A_150 = arith.index_cast %add3A_140 : i32 to index
      %get3A_151 = arith.constant 16 : index
      %get3A_152 = tpu.vector_load %arg10[%get3A_150, %get3A_151] {strides = array<i32>} : memref<50x128xi32, #tpu.memory_space<vmem>>, vector<1x16xi32>,
      %get3A_153 = vector.shape_cast %get3A_152 : vector<1x16xi32> to vector<16xi32>
      %add3A_154 = vector.broadcast %mul3A_4 : i32 to vector<16xi32>
      %add3A_155 = arith.addi %get3A_153, %add3A_154 : vector<16xi32>
      %swap3A_156 = arith.index_cast %add3A_140 : i32 to index
      %swap3A_157 = arith.constant 16 : index
      %swap3A_158 = tpu.vector_load %arg10[%swap3A_156, %swap3A_157] {strides = array<i32>} : memref<50x128xi32, #tpu.memory_space<vmem>>, vector<1x16xi32>,
      %swap3A_159 = vector.shape_cast %swap3A_158 : vector<1x16xi32> to vector<16xi32>
      %swap3A_160 = vector.shape_cast %add3A_155 : vector<16xi32> to vector<1x16xi32>
      tpu.vector_store %arg10[%swap3A_156, %swap3A_157], %swap3A_160 {strides = array<i32>} : memref<50x128xi32, #tpu.memory_space<vmem>>, vector<1x16xi32>,
      %get3A_161 = arith.index_cast %add3A_140 : i32 to index
      %get3A_162 = arith.constant 32 : index
      %get3A_163 = tpu.vector_load %arg10[%get3A_161, %get3A_162] {strides = array<i32>} : memref<50x128xi32, #tpu.memory_space<vmem>>, vector<1x16xi32>,
      %get3A_164 = vector.shape_cast %get3A_163 : vector<1x16xi32> to vector<16xi32>
      %add3A_165 = vector.broadcast %mul3A_4 : i32 to vector<16xi32>
      %add3A_166 = arith.addi %get3A_164, %add3A_165 : vector<16xi32>
      %swap3A_167 = arith.index_cast %add3A_140 : i32 to index
      %swap3A_168 = arith.constant 32 : index
      %swap3A_169 = tpu.vector_load %arg10[%swap3A_167, %swap3A_168] {strides = array<i32>} : memref<50x128xi32, #tpu.memory_space<vmem>>, vector<1x16xi32>,
      %swap3A_170 = vector.shape_cast %swap3A_169 : vector<1x16xi32> to vector<16xi32>
      %swap3A_171 = vector.shape_cast %add3A_166 : vector<16xi32> to vector<1x16xi32>
      tpu.vector_store %arg10[%swap3A_167, %swap3A_168], %swap3A_171 {strides = array<i32>} : memref<50x128xi32, #tpu.memory_space<vmem>>, vector<1x16xi32>,
      %get3A_172 = arith.index_cast %add3A_140 : i32 to index
      %get3A_173 = arith.constant 48 : index
      %get3A_174 = tpu.vector_load %arg10[%get3A_172, %get3A_173] {strides = array<i32>} : memref<50x128xi32, #tpu.memory_space<vmem>>, vector<1x16xi32>,
      %get3A_175 = vector.shape_cast %get3A_174 : vector<1x16xi32> to vector<16xi32>
      %add3A_176 = vector.broadcast %mul3A_4 : i32 to vector<16xi32>
      %add3A_177 = arith.addi %get3A_175, %add3A_176 : vector<16xi32>
      %swap3A_178 = arith.index_cast %add3A_140 : i32 to index
      %swap3A_179 = arith.constant 48 : index
      %swap3A_180 = tpu.vector_load %arg10[%swap3A_178, %swap3A_179] {strides = array<i32>} : memref<50x128xi32, #tpu.memory_space<vmem>>, vector<1x16xi32>,
      %swap3A_181 = vector.shape_cast %swap3A_180 : vector<1x16xi32> to vector<16xi32>
      %swap3A_182 = vector.shape_cast %add3A_177 : vector<16xi32> to vector<1x16xi32>
      tpu.vector_store %arg10[%swap3A_178, %swap3A_179], %swap3A_182 {strides = array<i32>} : memref<50x128xi32, #tpu.memory_space<vmem>>, vector<1x16xi32>,
      %get3A_183 = arith.index_cast %add3A_140 : i32 to index
      %get3A_184 = arith.constant 64 : index
      %get3A_185 = tpu.vector_load %arg10[%get3A_183, %get3A_184] {strides = array<i32>} : memref<50x128xi32, #tpu.memory_space<vmem>>, vector<1x16xi32>,
      %get3A_186 = vector.shape_cast %get3A_185 : vector<1x16xi32> to vector<16xi32>
      %add3A_187 = vector.broadcast %mul3A_4 : i32 to vector<16xi32>
      %add3A_188 = arith.addi %get3A_186, %add3A_187 : vector<16xi32>
      %swap3A_189 = arith.index_cast %add3A_140 : i32 to index
      %swap3A_190 = arith.constant 64 : index
      %swap3A_191 = tpu.vector_load %arg10[%swap3A_189, %swap3A_190] {strides = array<i32>} : memref<50x128xi32, #tpu.memory_space<vmem>>, vector<1x16xi32>,
      %swap3A_192 = vector.shape_cast %swap3A_191 : vector<1x16xi32> to vector<16xi32>
      %swap3A_193 = vector.shape_cast %add3A_188 : vector<16xi32> to vector<1x16xi32>
      tpu.vector_store %arg10[%swap3A_189, %swap3A_190], %swap3A_193 {strides = array<i32>} : memref<50x128xi32, #tpu.memory_space<vmem>>, vector<1x16xi32>,
      %get3A_194 = arith.index_cast %add3A_140 : i32 to index
      %get3A_195 = arith.constant 80 : index
      %get3A_196 = tpu.vector_load %arg10[%get3A_194, %get3A_195] {strides = array<i32>} : memref<50x128xi32, #tpu.memory_space<vmem>>, vector<1x16xi32>,
      %get3A_197 = vector.shape_cast %get3A_196 : vector<1x16xi32> to vector<16xi32>
      %add3A_198 = vector.broadcast %mul3A_4 : i32 to vector<16xi32>
      %add3A_199 = arith.addi %get3A_197, %add3A_198 : vector<16xi32>
      %swap3A_200 = arith.index_cast %add3A_140 : i32 to index
      %swap3A_201 = arith.constant 80 : index
      %swap3A_202 = tpu.vector_load %arg10[%swap3A_200, %swap3A_201] {strides = array<i32>} : memref<50x128xi32, #tpu.memory_space<vmem>>, vector<1x16xi32>,
      %swap3A_203 = vector.shape_cast %swap3A_202 : vector<1x16xi32> to vector<16xi32>
      %swap3A_204 = vector.shape_cast %add3A_199 : vector<16xi32> to vector<1x16xi32>
      tpu.vector_store %arg10[%swap3A_200, %swap3A_201], %swap3A_204 {strides = array<i32>} : memref<50x128xi32, #tpu.memory_space<vmem>>, vector<1x16xi32>,
      %get3A_205 = arith.index_cast %add3A_140 : i32 to index
      %get3A_206 = arith.constant 96 : index
      %get3A_207 = tpu.vector_load %arg10[%get3A_205, %get3A_206] {strides = array<i32>} : memref<50x128xi32, #tpu.memory_space<vmem>>, vector<1x16xi32>,
      %get3A_208 = vector.shape_cast %get3A_207 : vector<1x16xi32> to vector<16xi32>
      %add3A_209 = vector.broadcast %mul3A_4 : i32 to vector<16xi32>
      %add3A_210 = arith.addi %get3A_208, %add3A_209 : vector<16xi32>
      %swap3A_211 = arith.index_cast %add3A_140 : i32 to index
      %swap3A_212 = arith.constant 96 : index
      %swap3A_213 = tpu.vector_load %arg10[%swap3A_211, %swap3A_212] {strides = array<i32>} : memref<50x128xi32, #tpu.memory_space<vmem>>, vector<1x16xi32>,
      %swap3A_214 = vector.shape_cast %swap3A_213 : vector<1x16xi32> to vector<16xi32>
      %swap3A_215 = vector.shape_cast %add3A_210 : vector<16xi32> to vector<1x16xi32>
      tpu.vector_store %arg10[%swap3A_211, %swap3A_212], %swap3A_215 {strides = array<i32>} : memref<50x128xi32, #tpu.memory_space<vmem>>, vector<1x16xi32>,
      %get3A_216 = arith.index_cast %add3A_140 : i32 to index
      %get3A_217 = arith.constant 112 : index
      %get3A_218 = tpu.vector_load %arg10[%get3A_216, %get3A_217] {strides = array<i32>} : memref<50x128xi32, #tpu.memory_space<vmem>>, vector<1x16xi32>,
      %get3A_219 = vector.shape_cast %get3A_218 : vector<1x16xi32> to vector<16xi32>
      %add3A_220 = vector.broadcast %mul3A_4 : i32 to vector<16xi32>
      %add3A_221 = arith.addi %get3A_219, %add3A_220 : vector<16xi32>
      %swap3A_222 = arith.index_cast %add3A_140 : i32 to index
      %swap3A_223 = arith.constant 112 : index
      %swap3A_224 = tpu.vector_load %arg10[%swap3A_222, %swap3A_223] {strides = array<i32>} : memref<50x128xi32, #tpu.memory_space<vmem>>, vector<1x16xi32>,
      %swap3A_225 = vector.shape_cast %swap3A_224 : vector<1x16xi32> to vector<16xi32>
      %swap3A_226 = vector.shape_cast %add3A_221 : vector<16xi32> to vector<1x16xi32>
      tpu.vector_store %arg10[%swap3A_222, %swap3A_223], %swap3A_226 {strides = array<i32>} : memref<50x128xi32, #tpu.memory_space<vmem>>, vector<1x16xi32>,
    }
    %scan3A_8 = arith.constant 50 : i32
    %broadcast_in_dim3A = arith.constant 0.000000e+00 : f32
    %broadcast_in_dim3A_9 = vector.broadcast %broadcast_in_dim3A : f32 to vector<16xf32>
    %scan3A_10 = arith.constant 0 : i32
    %scan3A_11 = arith.constant 128 : i32
    %scan3A_12 = arith.addi %scan3A_10, %scan3A_11 : i32
    %scan3A_13 = arith.constant 1 : i32
    scf.for %scan3A_136 = %scan3A_10 to %scan3A_12 step %scan3A_13  : i32 {
      %mul3A_137 = arith.constant 1 : i32
      %mul3A_138 = arith.muli %scan3A_136, %mul3A_137 : i32
      %add3A_139 = arith.constant 0 : i32
      %add3A_140 = arith.addi %add3A_139, %mul3A_138 : i32
      %swap3A = arith.index_cast %add3A_140 : i32 to index
      %swap3A_141 = arith.constant 0 : index
      %swap3A_142 = tpu.vector_load %arg36[%swap3A, %swap3A_141] {strides = array<i32>} : memref<128x32xf32, #tpu.memory_space<vmem>>, vector<1x16xf32>,
      %swap3A_143 = vector.shape_cast %swap3A_142 : vector<1x16xf32> to vector<16xf32>
      %swap3A_144 = vector.shape_cast %broadcast_in_dim3A_9 : vector<16xf32> to vector<1x16xf32>
      tpu.vector_store %arg36[%swap3A, %swap3A_141], %swap3A_144 {strides = array<i32>} : memref<128x32xf32, #tpu.memory_space<vmem>>, vector<1x16xf32>,
      %swap3A_145 = arith.index_cast %add3A_140 : i32 to index
      %swap3A_146 = arith.constant 16 : index
      %swap3A_147 = tpu.vector_load %arg36[%swap3A_145, %swap3A_146] {strides = array<i32>} : memref<128x32xf32, #tpu.memory_space<vmem>>, vector<1x16xf32>,
      %swap3A_148 = vector.shape_cast %swap3A_147 : vector<1x16xf32> to vector<16xf32>
      %swap3A_149 = vector.shape_cast %broadcast_in_dim3A_9 : vector<16xf32> to vector<1x16xf32>
      tpu.vector_store %arg36[%swap3A_145, %swap3A_146], %swap3A_149 {strides = array<i32>} : memref<128x32xf32, #tpu.memory_space<vmem>>, vector<1x16xf32>,
    }
    %scan3A_14 = arith.constant 128 : i32
    "tpu.region"() ({
      %run_scoped3A = tpu.sem_alloc : memref<!tpu.dma_semaphore, #tpu.memory_space<semaphore_mem>>
      %dma_start3A_136 = arith.constant 0 : i32
      %dma_start3A_137 = tpu.memref_slice %arg37[%mul3A_4, %dma_start3A_136] : memref<2048x32xf32, #tpu.memory_space<vmem_shared>> -> memref<128x32xf32, #tpu.memory_space<vmem_shared>>
      %dma_start3A_138 = arith.constant 0 : i32
      %dma_start3A_139 = tpu.memref_slice %arg37[%mul3A_4, %dma_start3A_138] : memref<2048x32xf32, #tpu.memory_space<vmem_shared>> -> memref<128x32xf32, #tpu.memory_space<vmem_shared>>
      tpu.enqueue_dma source(%arg36 : memref<128x32xf32, #tpu.memory_space<vmem>>) target(%dma_start3A_139 : memref<128x32xf32, #tpu.memory_space<vmem_shared>>) target_semaphore(%run_scoped3A : memref<!tpu.dma_semaphore, #tpu.memory_space<semaphore_mem>>)
      %dma_wait3A_140 = arith.constant 0 : i32
      %dma_wait3A_141 = tpu.memref_slice %arg37[%mul3A_4, %dma_wait3A_140] : memref<2048x32xf32, #tpu.memory_space<vmem_shared>> -> memref<128x32xf32, #tpu.memory_space<vmem_shared>>
      %dma_wait3A_142 = arith.constant 0 : i32
      %dma_wait3A_143 = tpu.memref_slice %arg37[%mul3A_4, %dma_wait3A_142] : memref<2048x32xf32, #tpu.memory_space<vmem_shared>> -> memref<128x32xf32, #tpu.memory_space<vmem_shared>>
      tpu.wait_dma2 semaphore(%run_scoped3A : memref<!tpu.dma_semaphore, #tpu.memory_space<semaphore_mem>>) src(%arg36 : memref<128x32xf32, #tpu.memory_space<vmem>>) dst(%dma_wait3A_143 : memref<128x32xf32, #tpu.memory_space<vmem_shared>>)
      tpu.yield
    }) : () -> ()
    %dma_start3A = arith.constant 0 : i32
    %dma_start3A_15 = arith.constant 0 : i32
    %dma_start3A_16 = tpu.memref_slice %arg9[%dma_start3A, %dma_start3A_15] : memref<50x128xi32, #tpu.memory_space<vmem>> -> memref<1x128xi32, #tpu.memory_space<vmem>>
    %dma_start3A_17 = tpu.memref_squeeze %dma_start3A_16 : memref<1x128xi32, #tpu.memory_space<vmem>> -> memref<128xi32, #tpu.memory_space<vmem>>
    %dma_start3A_18 = arith.constant 0 : i32
    %dma_start3A_19 = arith.constant 0 : i32
    %dma_start3A_20 = tpu.memref_slice %arg5[%dma_start3A_18, %dma_start3A_19] : memref<1000000x32xf32, #tpu.memory_space<hbm>> -> memref<1000000x32xf32, #tpu.memory_space<hbm>>
    tpu.enqueue_indirect_dma source(%dma_start3A_20 : memref<1000000x32xf32, #tpu.memory_space<hbm>>) target(%arg12 : memref<128x32xf32, #tpu.memory_space<vmem>>) offsets(%dma_start3A_17 : memref<128xi32, #tpu.memory_space<vmem>>) semaphore(%arg20 : memref<!tpu.dma_semaphore, #tpu.memory_space<semaphore_mem>>)
    %dma_start3A_21 = arith.constant 1 : i32
    %dma_start3A_22 = arith.constant 0 : i32
    %dma_start3A_23 = tpu.memref_slice %arg9[%dma_start3A_21, %dma_start3A_22] : memref<50x128xi32, #tpu.memory_space<vmem>> -> memref<1x128xi32, #tpu.memory_space<vmem>>
    %dma_start3A_24 = tpu.memref_squeeze %dma_start3A_23 : memref<1x128xi32, #tpu.memory_space<vmem>> -> memref<128xi32, #tpu.memory_space<vmem>>
    %dma_start3A_25 = arith.constant 0 : i32
    %dma_start3A_26 = arith.constant 0 : i32
    %dma_start3A_27 = tpu.memref_slice %arg5[%dma_start3A_25, %dma_start3A_26] : memref<1000000x32xf32, #tpu.memory_space<hbm>> -> memref<1000000x32xf32, #tpu.memory_space<hbm>>
    tpu.enqueue_indirect_dma source(%dma_start3A_27 : memref<1000000x32xf32, #tpu.memory_space<hbm>>) target(%arg13 : memref<128x32xf32, #tpu.memory_space<vmem>>) offsets(%dma_start3A_24 : memref<128xi32, #tpu.memory_space<vmem>>) semaphore(%arg21 : memref<!tpu.dma_semaphore, #tpu.memory_space<semaphore_mem>>)
    %dma_start3A_28 = arith.constant 2 : i32
    %dma_start3A_29 = arith.constant 0 : i32
    %dma_start3A_30 = tpu.memref_slice %arg9[%dma_start3A_28, %dma_start3A_29] : memref<50x128xi32, #tpu.memory_space<vmem>> -> memref<1x128xi32, #tpu.memory_space<vmem>>
    %dma_start3A_31 = tpu.memref_squeeze %dma_start3A_30 : memref<1x128xi32, #tpu.memory_space<vmem>> -> memref<128xi32, #tpu.memory_space<vmem>>
    %dma_start3A_32 = arith.constant 0 : i32
    %dma_start3A_33 = arith.constant 0 : i32
    %dma_start3A_34 = tpu.memref_slice %arg5[%dma_start3A_32, %dma_start3A_33] : memref<1000000x32xf32, #tpu.memory_space<hbm>> -> memref<1000000x32xf32, #tpu.memory_space<hbm>>
    tpu.enqueue_indirect_dma source(%dma_start3A_34 : memref<1000000x32xf32, #tpu.memory_space<hbm>>) target(%arg14 : memref<128x32xf32, #tpu.memory_space<vmem>>) offsets(%dma_start3A_31 : memref<128xi32, #tpu.memory_space<vmem>>) semaphore(%arg22 : memref<!tpu.dma_semaphore, #tpu.memory_space<semaphore_mem>>)
    %dma_start3A_35 = arith.constant 3 : i32
    %dma_start3A_36 = arith.constant 0 : i32
    %dma_start3A_37 = tpu.memref_slice %arg9[%dma_start3A_35, %dma_start3A_36] : memref<50x128xi32, #tpu.memory_space<vmem>> -> memref<1x128xi32, #tpu.memory_space<vmem>>
    %dma_start3A_38 = tpu.memref_squeeze %dma_start3A_37 : memref<1x128xi32, #tpu.memory_space<vmem>> -> memref<128xi32, #tpu.memory_space<vmem>>
    %dma_start3A_39 = arith.constant 0 : i32
    %dma_start3A_40 = arith.constant 0 : i32
    %dma_start3A_41 = tpu.memref_slice %arg5[%dma_start3A_39, %dma_start3A_40] : memref<1000000x32xf32, #tpu.memory_space<hbm>> -> memref<1000000x32xf32, #tpu.memory_space<hbm>>
    tpu.enqueue_indirect_dma source(%dma_start3A_41 : memref<1000000x32xf32, #tpu.memory_space<hbm>>) target(%arg15 : memref<128x32xf32, #tpu.memory_space<vmem>>) offsets(%dma_start3A_38 : memref<128xi32, #tpu.memory_space<vmem>>) semaphore(%arg23 : memref<!tpu.dma_semaphore, #tpu.memory_space<semaphore_mem>>)
    %dma_start3A_42 = arith.constant 4 : i32
    %dma_start3A_43 = arith.constant 0 : i32
    %dma_start3A_44 = tpu.memref_slice %arg9[%dma_start3A_42, %dma_start3A_43] : memref<50x128xi32, #tpu.memory_space<vmem>> -> memref<1x128xi32, #tpu.memory_space<vmem>>
    %dma_start3A_45 = tpu.memref_squeeze %dma_start3A_44 : memref<1x128xi32, #tpu.memory_space<vmem>> -> memref<128xi32, #tpu.memory_space<vmem>>
    %dma_start3A_46 = arith.constant 0 : i32
    %dma_start3A_47 = arith.constant 0 : i32
    %dma_start3A_48 = tpu.memref_slice %arg5[%dma_start3A_46, %dma_start3A_47] : memref<1000000x32xf32, #tpu.memory_space<hbm>> -> memref<1000000x32xf32, #tpu.memory_space<hbm>>
    tpu.enqueue_indirect_dma source(%dma_start3A_48 : memref<1000000x32xf32, #tpu.memory_space<hbm>>) target(%arg16 : memref<128x32xf32, #tpu.memory_space<vmem>>) offsets(%dma_start3A_45 : memref<128xi32, #tpu.memory_space<vmem>>) semaphore(%arg24 : memref<!tpu.dma_semaphore, #tpu.memory_space<semaphore_mem>>)
    %dma_start3A_49 = arith.constant 5 : i32
    %dma_start3A_50 = arith.constant 0 : i32
    %dma_start3A_51 = tpu.memref_slice %arg9[%dma_start3A_49, %dma_start3A_50] : memref<50x128xi32, #tpu.memory_space<vmem>> -> memref<1x128xi32, #tpu.memory_space<vmem>>
    %dma_start3A_52 = tpu.memref_squeeze %dma_start3A_51 : memref<1x128xi32, #tpu.memory_space<vmem>> -> memref<128xi32, #tpu.memory_space<vmem>>
    %dma_start3A_53 = arith.constant 0 : i32
    %dma_start3A_54 = arith.constant 0 : i32
    %dma_start3A_55 = tpu.memref_slice %arg5[%dma_start3A_53, %dma_start3A_54] : memref<1000000x32xf32, #tpu.memory_space<hbm>> -> memref<1000000x32xf32, #tpu.memory_space<hbm>>
    tpu.enqueue_indirect_dma source(%dma_start3A_55 : memref<1000000x32xf32, #tpu.memory_space<hbm>>) target(%arg17 : memref<128x32xf32, #tpu.memory_space<vmem>>) offsets(%dma_start3A_52 : memref<128xi32, #tpu.memory_space<vmem>>) semaphore(%arg25 : memref<!tpu.dma_semaphore, #tpu.memory_space<semaphore_mem>>)
    %dma_start3A_56 = arith.constant 6 : i32
    %dma_start3A_57 = arith.constant 0 : i32
    %dma_start3A_58 = tpu.memref_slice %arg9[%dma_start3A_56, %dma_start3A_57] : memref<50x128xi32, #tpu.memory_space<vmem>> -> memref<1x128xi32, #tpu.memory_space<vmem>>
    %dma_start3A_59 = tpu.memref_squeeze %dma_start3A_58 : memref<1x128xi32, #tpu.memory_space<vmem>> -> memref<128xi32, #tpu.memory_space<vmem>>
    %dma_start3A_60 = arith.constant 0 : i32
    %dma_start3A_61 = arith.constant 0 : i32
    %dma_start3A_62 = tpu.memref_slice %arg5[%dma_start3A_60, %dma_start3A_61] : memref<1000000x32xf32, #tpu.memory_space<hbm>> -> memref<1000000x32xf32, #tpu.memory_space<hbm>>
    tpu.enqueue_indirect_dma source(%dma_start3A_62 : memref<1000000x32xf32, #tpu.memory_space<hbm>>) target(%arg18 : memref<128x32xf32, #tpu.memory_space<vmem>>) offsets(%dma_start3A_59 : memref<128xi32, #tpu.memory_space<vmem>>) semaphore(%arg26 : memref<!tpu.dma_semaphore, #tpu.memory_space<semaphore_mem>>)
    %dma_start3A_63 = arith.constant 7 : i32
    %dma_start3A_64 = arith.constant 0 : i32
    %dma_start3A_65 = tpu.memref_slice %arg9[%dma_start3A_63, %dma_start3A_64] : memref<50x128xi32, #tpu.memory_space<vmem>> -> memref<1x128xi32, #tpu.memory_space<vmem>>
    %dma_start3A_66 = tpu.memref_squeeze %dma_start3A_65 : memref<1x128xi32, #tpu.memory_space<vmem>> -> memref<128xi32, #tpu.memory_space<vmem>>
    %dma_start3A_67 = arith.constant 0 : i32
    %dma_start3A_68 = arith.constant 0 : i32
    %dma_start3A_69 = tpu.memref_slice %arg5[%dma_start3A_67, %dma_start3A_68] : memref<1000000x32xf32, #tpu.memory_space<hbm>> -> memref<1000000x32xf32, #tpu.memory_space<hbm>>
    tpu.enqueue_indirect_dma source(%dma_start3A_69 : memref<1000000x32xf32, #tpu.memory_space<hbm>>) target(%arg19 : memref<128x32xf32, #tpu.memory_space<vmem>>) offsets(%dma_start3A_66 : memref<128xi32, #tpu.memory_space<vmem>>) semaphore(%arg27 : memref<!tpu.dma_semaphore, #tpu.memory_space<semaphore_mem>>)
    %scan3A_70 = arith.constant 0 : i32
    %scan3A_71 = arith.constant 7 : i32
    %scan3A_72 = arith.addi %scan3A_70, %scan3A_71 : i32
    %scan3A_73 = arith.constant 1 : i32
    scf.for %scan3A_136 = %scan3A_70 to %scan3A_72 step %scan3A_73  : i32 {
      %mul3A_137 = arith.constant 1 : i32
      %mul3A_138 = arith.muli %scan3A_136, %mul3A_137 : i32
      %add3A_139 = arith.constant 0 : i32
      %add3A_140 = arith.addi %add3A_139, %mul3A_138 : i32
      %mul3A_141 = arith.constant 8 : i32
      %mul3A_142 = arith.muli %add3A_140, %mul3A_141 : i32
      %add3A_143 = arith.constant 0 : i32
      %add3A_144 = arith.addi %mul3A_142, %add3A_143 : i32
      %lt3A = arith.constant 50 : i32
      %lt3A_145 = arith.cmpi slt, %add3A_144, %lt3A : i32
      %convert_element_type3A = arith.extui %lt3A_145 : i1 to i32
      %cond3A = arith.constant 0 : i32
      %cond3A_146 = arith.cmpi ne, %convert_element_type3A, %cond3A : i32
      scf.if %cond3A_146 {
        %dma_wait3A_196 = arith.constant 0 : i32
        %dma_wait3A_197 = tpu.memref_slice %arg9[%add3A_144, %dma_wait3A_196] : memref<50x128xi32, #tpu.memory_space<vmem>> -> memref<1x128xi32, #tpu.memory_space<vmem>>
        %dma_wait3A_198 = tpu.memref_squeeze %dma_wait3A_197 : memref<1x128xi32, #tpu.memory_space<vmem>> -> memref<128xi32, #tpu.memory_space<vmem>>
        %dma_wait3A_199 = arith.constant 0 : i32
        %dma_wait3A_200 = arith.constant 0 : i32
        %dma_wait3A_201 = tpu.memref_slice %arg5[%dma_wait3A_199, %dma_wait3A_200] : memref<1000000x32xf32, #tpu.memory_space<hbm>> -> memref<1000000x32xf32, #tpu.memory_space<hbm>>
        tpu.wait_indirect_dma semaphore(%arg20 : memref<!tpu.dma_semaphore, #tpu.memory_space<semaphore_mem>>) src(%dma_wait3A_201 : memref<1000000x32xf32, #tpu.memory_space<hbm>>) dst(%arg12 : memref<128x32xf32, #tpu.memory_space<vmem>>)
        %dma_start3A_202 = arith.constant 0 : i32
        %dma_start3A_203 = tpu.memref_slice %arg10[%add3A_144, %dma_start3A_202] : memref<50x128xi32, #tpu.memory_space<vmem>> -> memref<1x128xi32, #tpu.memory_space<vmem>>
        %dma_start3A_204 = tpu.memref_squeeze %dma_start3A_203 : memref<1x128xi32, #tpu.memory_space<vmem>> -> memref<128xi32, #tpu.memory_space<vmem>>
        %dma_start3A_205 = arith.constant 0 : i32
        %dma_start3A_206 = arith.constant 0 : i32
        %dma_start3A_207 = tpu.memref_slice %arg37[%dma_start3A_205, %dma_start3A_206] : memref<2048x32xf32, #tpu.memory_space<vmem_shared>> -> memref<2048x32xf32, #tpu.memory_space<vmem_shared>>
        tpu.enqueue_indirect_dma source(%arg12 : memref<128x32xf32, #tpu.memory_space<vmem>>) target(%dma_start3A_207 : memref<2048x32xf32, #tpu.memory_space<vmem_shared>>) offsets(%dma_start3A_204 : memref<128xi32, #tpu.memory_space<vmem>>) semaphore(%arg28 : memref<!tpu.dma_semaphore, #tpu.memory_space<semaphore_mem>>) {add = true}
        %add3A_208 = arith.constant 8 : i32
        %add3A_209 = arith.addi %add3A_144, %add3A_208 : i32
        %lt3A_210 = arith.constant 50 : i32
        %lt3A_211 = arith.cmpi slt, %add3A_209, %lt3A_210 : i32
        %convert_element_type3A_212 = arith.extui %lt3A_211 : i1 to i32
        %cond3A_213 = arith.constant 0 : i32
        %cond3A_214 = arith.cmpi ne, %convert_element_type3A_212, %cond3A_213 : i32
        scf.if %cond3A_214 {
          %dma_wait3A_215 = arith.constant 0 : i32
          %dma_wait3A_216 = tpu.memref_slice %arg10[%add3A_144, %dma_wait3A_215] : memref<50x128xi32, #tpu.memory_space<vmem>> -> memref<1x128xi32, #tpu.memory_space<vmem>>
          %dma_wait3A_217 = tpu.memref_squeeze %dma_wait3A_216 : memref<1x128xi32, #tpu.memory_space<vmem>> -> memref<128xi32, #tpu.memory_space<vmem>>
          %dma_wait3A_218 = arith.constant 0 : i32
          %dma_wait3A_219 = arith.constant 0 : i32
          %dma_wait3A_220 = tpu.memref_slice %arg37[%dma_wait3A_218, %dma_wait3A_219] : memref<2048x32xf32, #tpu.memory_space<vmem_shared>> -> memref<2048x32xf32, #tpu.memory_space<vmem_shared>>
          tpu.wait_indirect_dma semaphore(%arg28 : memref<!tpu.dma_semaphore, #tpu.memory_space<semaphore_mem>>) src(%arg12 : memref<128x32xf32, #tpu.memory_space<vmem>>) dst(%dma_wait3A_220 : memref<2048x32xf32, #tpu.memory_space<vmem_shared>>)
          %add3A_221 = arith.constant 8 : i32
          %add3A_222 = arith.addi %add3A_144, %add3A_221 : i32
          %dma_start3A_223 = arith.constant 0 : i32
          %dma_start3A_224 = tpu.memref_slice %arg9[%add3A_222, %dma_start3A_223] : memref<50x128xi32, #tpu.memory_space<vmem>> -> memref<1x128xi32, #tpu.memory_space<vmem>>
          %dma_start3A_225 = tpu.memref_squeeze %dma_start3A_224 : memref<1x128xi32, #tpu.memory_space<vmem>> -> memref<128xi32, #tpu.memory_space<vmem>>
          %dma_start3A_226 = arith.constant 0 : i32
          %dma_start3A_227 = arith.constant 0 : i32
          %dma_start3A_228 = tpu.memref_slice %arg5[%dma_start3A_226, %dma_start3A_227] : memref<1000000x32xf32, #tpu.memory_space<hbm>> -> memref<1000000x32xf32, #tpu.memory_space<hbm>>
          tpu.enqueue_indirect_dma source(%dma_start3A_228 : memref<1000000x32xf32, #tpu.memory_space<hbm>>) target(%arg12 : memref<128x32xf32, #tpu.memory_space<vmem>>) offsets(%dma_start3A_225 : memref<128xi32, #tpu.memory_space<vmem>>) semaphore(%arg20 : memref<!tpu.dma_semaphore, #tpu.memory_space<semaphore_mem>>)
        } else {
        }
      } else {
      }
      %add3A_147 = arith.constant 1 : i32
      %add3A_148 = arith.addi %mul3A_142, %add3A_147 : i32
      %lt3A_149 = arith.constant 50 : i32
      %lt3A_150 = arith.cmpi slt, %add3A_148, %lt3A_149 : i32
      %convert_element_type3A_151 = arith.extui %lt3A_150 : i1 to i32
      %cond3A_152 = arith.constant 0 : i32
      %cond3A_153 = arith.cmpi ne, %convert_element_type3A_151, %cond3A_152 : i32
      scf.if %cond3A_153 {
        %dma_wait3A_196 = arith.constant 0 : i32
        %dma_wait3A_197 = tpu.memref_slice %arg9[%add3A_148, %dma_wait3A_196] : memref<50x128xi32, #tpu.memory_space<vmem>> -> memref<1x128xi32, #tpu.memory_space<vmem>>
        %dma_wait3A_198 = tpu.memref_squeeze %dma_wait3A_197 : memref<1x128xi32, #tpu.memory_space<vmem>> -> memref<128xi32, #tpu.memory_space<vmem>>
        %dma_wait3A_199 = arith.constant 0 : i32
        %dma_wait3A_200 = arith.constant 0 : i32
        %dma_wait3A_201 = tpu.memref_slice %arg5[%dma_wait3A_199, %dma_wait3A_200] : memref<1000000x32xf32, #tpu.memory_space<hbm>> -> memref<1000000x32xf32, #tpu.memory_space<hbm>>
        tpu.wait_indirect_dma semaphore(%arg21 : memref<!tpu.dma_semaphore, #tpu.memory_space<semaphore_mem>>) src(%dma_wait3A_201 : memref<1000000x32xf32, #tpu.memory_space<hbm>>) dst(%arg13 : memref<128x32xf32, #tpu.memory_space<vmem>>)
        %dma_start3A_202 = arith.constant 0 : i32
        %dma_start3A_203 = tpu.memref_slice %arg10[%add3A_148, %dma_start3A_202] : memref<50x128xi32, #tpu.memory_space<vmem>> -> memref<1x128xi32, #tpu.memory_space<vmem>>
        %dma_start3A_204 = tpu.memref_squeeze %dma_start3A_203 : memref<1x128xi32, #tpu.memory_space<vmem>> -> memref<128xi32, #tpu.memory_space<vmem>>
        %dma_start3A_205 = arith.constant 0 : i32
        %dma_start3A_206 = arith.constant 0 : i32
        %dma_start3A_207 = tpu.memref_slice %arg37[%dma_start3A_205, %dma_start3A_206] : memref<2048x32xf32, #tpu.memory_space<vmem_shared>> -> memref<2048x32xf32, #tpu.memory_space<vmem_shared>>
        tpu.enqueue_indirect_dma source(%arg13 : memref<128x32xf32, #tpu.memory_space<vmem>>) target(%dma_start3A_207 : memref<2048x32xf32, #tpu.memory_space<vmem_shared>>) offsets(%dma_start3A_204 : memref<128xi32, #tpu.memory_space<vmem>>) semaphore(%arg29 : memref<!tpu.dma_semaphore, #tpu.memory_space<semaphore_mem>>) {add = true}
        %add3A_208 = arith.constant 8 : i32
        %add3A_209 = arith.addi %add3A_148, %add3A_208 : i32
        %lt3A_210 = arith.constant 50 : i32
        %lt3A_211 = arith.cmpi slt, %add3A_209, %lt3A_210 : i32
        %convert_element_type3A_212 = arith.extui %lt3A_211 : i1 to i32
        %cond3A_213 = arith.constant 0 : i32
        %cond3A_214 = arith.cmpi ne, %convert_element_type3A_212, %cond3A_213 : i32
        scf.if %cond3A_214 {
          %dma_wait3A_215 = arith.constant 0 : i32
          %dma_wait3A_216 = tpu.memref_slice %arg10[%add3A_148, %dma_wait3A_215] : memref<50x128xi32, #tpu.memory_space<vmem>> -> memref<1x128xi32, #tpu.memory_space<vmem>>
          %dma_wait3A_217 = tpu.memref_squeeze %dma_wait3A_216 : memref<1x128xi32, #tpu.memory_space<vmem>> -> memref<128xi32, #tpu.memory_space<vmem>>
          %dma_wait3A_218 = arith.constant 0 : i32
          %dma_wait3A_219 = arith.constant 0 : i32
          %dma_wait3A_220 = tpu.memref_slice %arg37[%dma_wait3A_218, %dma_wait3A_219] : memref<2048x32xf32, #tpu.memory_space<vmem_shared>> -> memref<2048x32xf32, #tpu.memory_space<vmem_shared>>
          tpu.wait_indirect_dma semaphore(%arg29 : memref<!tpu.dma_semaphore, #tpu.memory_space<semaphore_mem>>) src(%arg13 : memref<128x32xf32, #tpu.memory_space<vmem>>) dst(%dma_wait3A_220 : memref<2048x32xf32, #tpu.memory_space<vmem_shared>>)
          %add3A_221 = arith.constant 8 : i32
          %add3A_222 = arith.addi %add3A_148, %add3A_221 : i32
          %dma_start3A_223 = arith.constant 0 : i32
          %dma_start3A_224 = tpu.memref_slice %arg9[%add3A_222, %dma_start3A_223] : memref<50x128xi32, #tpu.memory_space<vmem>> -> memref<1x128xi32, #tpu.memory_space<vmem>>
          %dma_start3A_225 = tpu.memref_squeeze %dma_start3A_224 : memref<1x128xi32, #tpu.memory_space<vmem>> -> memref<128xi32, #tpu.memory_space<vmem>>
          %dma_start3A_226 = arith.constant 0 : i32
          %dma_start3A_227 = arith.constant 0 : i32
          %dma_start3A_228 = tpu.memref_slice %arg5[%dma_start3A_226, %dma_start3A_227] : memref<1000000x32xf32, #tpu.memory_space<hbm>> -> memref<1000000x32xf32, #tpu.memory_space<hbm>>
          tpu.enqueue_indirect_dma source(%dma_start3A_228 : memref<1000000x32xf32, #tpu.memory_space<hbm>>) target(%arg13 : memref<128x32xf32, #tpu.memory_space<vmem>>) offsets(%dma_start3A_225 : memref<128xi32, #tpu.memory_space<vmem>>) semaphore(%arg21 : memref<!tpu.dma_semaphore, #tpu.memory_space<semaphore_mem>>)
        } else {
        }
      } else {
      }
      %add3A_154 = arith.constant 2 : i32
      %add3A_155 = arith.addi %mul3A_142, %add3A_154 : i32
      %lt3A_156 = arith.constant 50 : i32
      %lt3A_157 = arith.cmpi slt, %add3A_155, %lt3A_156 : i32
      %convert_element_type3A_158 = arith.extui %lt3A_157 : i1 to i32
      %cond3A_159 = arith.constant 0 : i32
      %cond3A_160 = arith.cmpi ne, %convert_element_type3A_158, %cond3A_159 : i32
      scf.if %cond3A_160 {
        %dma_wait3A_196 = arith.constant 0 : i32
        %dma_wait3A_197 = tpu.memref_slice %arg9[%add3A_155, %dma_wait3A_196] : memref<50x128xi32, #tpu.memory_space<vmem>> -> memref<1x128xi32, #tpu.memory_space<vmem>>
        %dma_wait3A_198 = tpu.memref_squeeze %dma_wait3A_197 : memref<1x128xi32, #tpu.memory_space<vmem>> -> memref<128xi32, #tpu.memory_space<vmem>>
        %dma_wait3A_199 = arith.constant 0 : i32
        %dma_wait3A_200 = arith.constant 0 : i32
        %dma_wait3A_201 = tpu.memref_slice %arg5[%dma_wait3A_199, %dma_wait3A_200] : memref<1000000x32xf32, #tpu.memory_space<hbm>> -> memref<1000000x32xf32, #tpu.memory_space<hbm>>
        tpu.wait_indirect_dma semaphore(%arg22 : memref<!tpu.dma_semaphore, #tpu.memory_space<semaphore_mem>>) src(%dma_wait3A_201 : memref<1000000x32xf32, #tpu.memory_space<hbm>>) dst(%arg14 : memref<128x32xf32, #tpu.memory_space<vmem>>)
        %dma_start3A_202 = arith.constant 0 : i32
        %dma_start3A_203 = tpu.memref_slice %arg10[%add3A_155, %dma_start3A_202] : memref<50x128xi32, #tpu.memory_space<vmem>> -> memref<1x128xi32, #tpu.memory_space<vmem>>
        %dma_start3A_204 = tpu.memref_squeeze %dma_start3A_203 : memref<1x128xi32, #tpu.memory_space<vmem>> -> memref<128xi32, #tpu.memory_space<vmem>>
        %dma_start3A_205 = arith.constant 0 : i32
        %dma_start3A_206 = arith.constant 0 : i32
        %dma_start3A_207 = tpu.memref_slice %arg37[%dma_start3A_205, %dma_start3A_206] : memref<2048x32xf32, #tpu.memory_space<vmem_shared>> -> memref<2048x32xf32, #tpu.memory_space<vmem_shared>>
        tpu.enqueue_indirect_dma source(%arg14 : memref<128x32xf32, #tpu.memory_space<vmem>>) target(%dma_start3A_207 : memref<2048x32xf32, #tpu.memory_space<vmem_shared>>) offsets(%dma_start3A_204 : memref<128xi32, #tpu.memory_space<vmem>>) semaphore(%arg30 : memref<!tpu.dma_semaphore, #tpu.memory_space<semaphore_mem>>) {add = true}
        %add3A_208 = arith.constant 8 : i32
        %add3A_209 = arith.addi %add3A_155, %add3A_208 : i32
        %lt3A_210 = arith.constant 50 : i32
        %lt3A_211 = arith.cmpi slt, %add3A_209, %lt3A_210 : i32
        %convert_element_type3A_212 = arith.extui %lt3A_211 : i1 to i32
        %cond3A_213 = arith.constant 0 : i32
        %cond3A_214 = arith.cmpi ne, %convert_element_type3A_212, %cond3A_213 : i32
        scf.if %cond3A_214 {
          %dma_wait3A_215 = arith.constant 0 : i32
          %dma_wait3A_216 = tpu.memref_slice %arg10[%add3A_155, %dma_wait3A_215] : memref<50x128xi32, #tpu.memory_space<vmem>> -> memref<1x128xi32, #tpu.memory_space<vmem>>
          %dma_wait3A_217 = tpu.memref_squeeze %dma_wait3A_216 : memref<1x128xi32, #tpu.memory_space<vmem>> -> memref<128xi32, #tpu.memory_space<vmem>>
          %dma_wait3A_218 = arith.constant 0 : i32
          %dma_wait3A_219 = arith.constant 0 : i32
          %dma_wait3A_220 = tpu.memref_slice %arg37[%dma_wait3A_218, %dma_wait3A_219] : memref<2048x32xf32, #tpu.memory_space<vmem_shared>> -> memref<2048x32xf32, #tpu.memory_space<vmem_shared>>
          tpu.wait_indirect_dma semaphore(%arg30 : memref<!tpu.dma_semaphore, #tpu.memory_space<semaphore_mem>>) src(%arg14 : memref<128x32xf32, #tpu.memory_space<vmem>>) dst(%dma_wait3A_220 : memref<2048x32xf32, #tpu.memory_space<vmem_shared>>)
          %add3A_221 = arith.constant 8 : i32
          %add3A_222 = arith.addi %add3A_155, %add3A_221 : i32
          %dma_start3A_223 = arith.constant 0 : i32
          %dma_start3A_224 = tpu.memref_slice %arg9[%add3A_222, %dma_start3A_223] : memref<50x128xi32, #tpu.memory_space<vmem>> -> memref<1x128xi32, #tpu.memory_space<vmem>>
          %dma_start3A_225 = tpu.memref_squeeze %dma_start3A_224 : memref<1x128xi32, #tpu.memory_space<vmem>> -> memref<128xi32, #tpu.memory_space<vmem>>
          %dma_start3A_226 = arith.constant 0 : i32
          %dma_start3A_227 = arith.constant 0 : i32
          %dma_start3A_228 = tpu.memref_slice %arg5[%dma_start3A_226, %dma_start3A_227] : memref<1000000x32xf32, #tpu.memory_space<hbm>> -> memref<1000000x32xf32, #tpu.memory_space<hbm>>
          tpu.enqueue_indirect_dma source(%dma_start3A_228 : memref<1000000x32xf32, #tpu.memory_space<hbm>>) target(%arg14 : memref<128x32xf32, #tpu.memory_space<vmem>>) offsets(%dma_start3A_225 : memref<128xi32, #tpu.memory_space<vmem>>) semaphore(%arg22 : memref<!tpu.dma_semaphore, #tpu.memory_space<semaphore_mem>>)
        } else {
        }
      } else {
      }
      %add3A_161 = arith.constant 3 : i32
      %add3A_162 = arith.addi %mul3A_142, %add3A_161 : i32
      %lt3A_163 = arith.constant 50 : i32
      %lt3A_164 = arith.cmpi slt, %add3A_162, %lt3A_163 : i32
      %convert_element_type3A_165 = arith.extui %lt3A_164 : i1 to i32
      %cond3A_166 = arith.constant 0 : i32
      %cond3A_167 = arith.cmpi ne, %convert_element_type3A_165, %cond3A_166 : i32
      scf.if %cond3A_167 {
        %dma_wait3A_196 = arith.constant 0 : i32
        %dma_wait3A_197 = tpu.memref_slice %arg9[%add3A_162, %dma_wait3A_196] : memref<50x128xi32, #tpu.memory_space<vmem>> -> memref<1x128xi32, #tpu.memory_space<vmem>>
        %dma_wait3A_198 = tpu.memref_squeeze %dma_wait3A_197 : memref<1x128xi32, #tpu.memory_space<vmem>> -> memref<128xi32, #tpu.memory_space<vmem>>
        %dma_wait3A_199 = arith.constant 0 : i32
        %dma_wait3A_200 = arith.constant 0 : i32
        %dma_wait3A_201 = tpu.memref_slice %arg5[%dma_wait3A_199, %dma_wait3A_200] : memref<1000000x32xf32, #tpu.memory_space<hbm>> -> memref<1000000x32xf32, #tpu.memory_space<hbm>>
        tpu.wait_indirect_dma semaphore(%arg23 : memref<!tpu.dma_semaphore, #tpu.memory_space<semaphore_mem>>) src(%dma_wait3A_201 : memref<1000000x32xf32, #tpu.memory_space<hbm>>) dst(%arg15 : memref<128x32xf32, #tpu.memory_space<vmem>>)
        %dma_start3A_202 = arith.constant 0 : i32
        %dma_start3A_203 = tpu.memref_slice %arg10[%add3A_162, %dma_start3A_202] : memref<50x128xi32, #tpu.memory_space<vmem>> -> memref<1x128xi32, #tpu.memory_space<vmem>>
        %dma_start3A_204 = tpu.memref_squeeze %dma_start3A_203 : memref<1x128xi32, #tpu.memory_space<vmem>> -> memref<128xi32, #tpu.memory_space<vmem>>
        %dma_start3A_205 = arith.constant 0 : i32
        %dma_start3A_206 = arith.constant 0 : i32
        %dma_start3A_207 = tpu.memref_slice %arg37[%dma_start3A_205, %dma_start3A_206] : memref<2048x32xf32, #tpu.memory_space<vmem_shared>> -> memref<2048x32xf32, #tpu.memory_space<vmem_shared>>
        tpu.enqueue_indirect_dma source(%arg15 : memref<128x32xf32, #tpu.memory_space<vmem>>) target(%dma_start3A_207 : memref<2048x32xf32, #tpu.memory_space<vmem_shared>>) offsets(%dma_start3A_204 : memref<128xi32, #tpu.memory_space<vmem>>) semaphore(%arg31 : memref<!tpu.dma_semaphore, #tpu.memory_space<semaphore_mem>>) {add = true}
        %add3A_208 = arith.constant 8 : i32
        %add3A_209 = arith.addi %add3A_162, %add3A_208 : i32
        %lt3A_210 = arith.constant 50 : i32
        %lt3A_211 = arith.cmpi slt, %add3A_209, %lt3A_210 : i32
        %convert_element_type3A_212 = arith.extui %lt3A_211 : i1 to i32
        %cond3A_213 = arith.constant 0 : i32
        %cond3A_214 = arith.cmpi ne, %convert_element_type3A_212, %cond3A_213 : i32
        scf.if %cond3A_214 {
          %dma_wait3A_215 = arith.constant 0 : i32
          %dma_wait3A_216 = tpu.memref_slice %arg10[%add3A_162, %dma_wait3A_215] : memref<50x128xi32, #tpu.memory_space<vmem>> -> memref<1x128xi32, #tpu.memory_space<vmem>>
          %dma_wait3A_217 = tpu.memref_squeeze %dma_wait3A_216 : memref<1x128xi32, #tpu.memory_space<vmem>> -> memref<128xi32, #tpu.memory_space<vmem>>
          %dma_wait3A_218 = arith.constant 0 : i32
          %dma_wait3A_219 = arith.constant 0 : i32
          %dma_wait3A_220 = tpu.memref_slice %arg37[%dma_wait3A_218, %dma_wait3A_219] : memref<2048x32xf32, #tpu.memory_space<vmem_shared>> -> memref<2048x32xf32, #tpu.memory_space<vmem_shared>>
          tpu.wait_indirect_dma semaphore(%arg31 : memref<!tpu.dma_semaphore, #tpu.memory_space<semaphore_mem>>) src(%arg15 : memref<128x32xf32, #tpu.memory_space<vmem>>) dst(%dma_wait3A_220 : memref<2048x32xf32, #tpu.memory_space<vmem_shared>>)
          %add3A_221 = arith.constant 8 : i32
          %add3A_222 = arith.addi %add3A_162, %add3A_221 : i32
          %dma_start3A_223 = arith.constant 0 : i32
          %dma_start3A_224 = tpu.memref_slice %arg9[%add3A_222, %dma_start3A_223] : memref<50x128xi32, #tpu.memory_space<vmem>> -> memref<1x128xi32, #tpu.memory_space<vmem>>
          %dma_start3A_225 = tpu.memref_squeeze %dma_start3A_224 : memref<1x128xi32, #tpu.memory_space<vmem>> -> memref<128xi32, #tpu.memory_space<vmem>>
          %dma_start3A_226 = arith.constant 0 : i32
          %dma_start3A_227 = arith.constant 0 : i32
          %dma_start3A_228 = tpu.memref_slice %arg5[%dma_start3A_226, %dma_start3A_227] : memref<1000000x32xf32, #tpu.memory_space<hbm>> -> memref<1000000x32xf32, #tpu.memory_space<hbm>>
          tpu.enqueue_indirect_dma source(%dma_start3A_228 : memref<1000000x32xf32, #tpu.memory_space<hbm>>) target(%arg15 : memref<128x32xf32, #tpu.memory_space<vmem>>) offsets(%dma_start3A_225 : memref<128xi32, #tpu.memory_space<vmem>>) semaphore(%arg23 : memref<!tpu.dma_semaphore, #tpu.memory_space<semaphore_mem>>)
        } else {
        }
      } else {
      }
      %add3A_168 = arith.constant 4 : i32
      %add3A_169 = arith.addi %mul3A_142, %add3A_168 : i32
      %lt3A_170 = arith.constant 50 : i32
      %lt3A_171 = arith.cmpi slt, %add3A_169, %lt3A_170 : i32
      %convert_element_type3A_172 = arith.extui %lt3A_171 : i1 to i32
      %cond3A_173 = arith.constant 0 : i32
      %cond3A_174 = arith.cmpi ne, %convert_element_type3A_172, %cond3A_173 : i32
      scf.if %cond3A_174 {
        %dma_wait3A_196 = arith.constant 0 : i32
        %dma_wait3A_197 = tpu.memref_slice %arg9[%add3A_169, %dma_wait3A_196] : memref<50x128xi32, #tpu.memory_space<vmem>> -> memref<1x128xi32, #tpu.memory_space<vmem>>
        %dma_wait3A_198 = tpu.memref_squeeze %dma_wait3A_197 : memref<1x128xi32, #tpu.memory_space<vmem>> -> memref<128xi32, #tpu.memory_space<vmem>>
        %dma_wait3A_199 = arith.constant 0 : i32
        %dma_wait3A_200 = arith.constant 0 : i32
        %dma_wait3A_201 = tpu.memref_slice %arg5[%dma_wait3A_199, %dma_wait3A_200] : memref<1000000x32xf32, #tpu.memory_space<hbm>> -> memref<1000000x32xf32, #tpu.memory_space<hbm>>
        tpu.wait_indirect_dma semaphore(%arg24 : memref<!tpu.dma_semaphore, #tpu.memory_space<semaphore_mem>>) src(%dma_wait3A_201 : memref<1000000x32xf32, #tpu.memory_space<hbm>>) dst(%arg16 : memref<128x32xf32, #tpu.memory_space<vmem>>)
        %dma_start3A_202 = arith.constant 0 : i32
        %dma_start3A_203 = tpu.memref_slice %arg10[%add3A_169, %dma_start3A_202] : memref<50x128xi32, #tpu.memory_space<vmem>> -> memref<1x128xi32, #tpu.memory_space<vmem>>
        %dma_start3A_204 = tpu.memref_squeeze %dma_start3A_203 : memref<1x128xi32, #tpu.memory_space<vmem>> -> memref<128xi32, #tpu.memory_space<vmem>>
        %dma_start3A_205 = arith.constant 0 : i32
        %dma_start3A_206 = arith.constant 0 : i32
        %dma_start3A_207 = tpu.memref_slice %arg37[%dma_start3A_205, %dma_start3A_206] : memref<2048x32xf32, #tpu.memory_space<vmem_shared>> -> memref<2048x32xf32, #tpu.memory_space<vmem_shared>>
        tpu.enqueue_indirect_dma source(%arg16 : memref<128x32xf32, #tpu.memory_space<vmem>>) target(%dma_start3A_207 : memref<2048x32xf32, #tpu.memory_space<vmem_shared>>) offsets(%dma_start3A_204 : memref<128xi32, #tpu.memory_space<vmem>>) semaphore(%arg32 : memref<!tpu.dma_semaphore, #tpu.memory_space<semaphore_mem>>) {add = true}
        %add3A_208 = arith.constant 8 : i32
        %add3A_209 = arith.addi %add3A_169, %add3A_208 : i32
        %lt3A_210 = arith.constant 50 : i32
        %lt3A_211 = arith.cmpi slt, %add3A_209, %lt3A_210 : i32
        %convert_element_type3A_212 = arith.extui %lt3A_211 : i1 to i32
        %cond3A_213 = arith.constant 0 : i32
        %cond3A_214 = arith.cmpi ne, %convert_element_type3A_212, %cond3A_213 : i32
        scf.if %cond3A_214 {
          %dma_wait3A_215 = arith.constant 0 : i32
          %dma_wait3A_216 = tpu.memref_slice %arg10[%add3A_169, %dma_wait3A_215] : memref<50x128xi32, #tpu.memory_space<vmem>> -> memref<1x128xi32, #tpu.memory_space<vmem>>
          %dma_wait3A_217 = tpu.memref_squeeze %dma_wait3A_216 : memref<1x128xi32, #tpu.memory_space<vmem>> -> memref<128xi32, #tpu.memory_space<vmem>>
          %dma_wait3A_218 = arith.constant 0 : i32
          %dma_wait3A_219 = arith.constant 0 : i32
          %dma_wait3A_220 = tpu.memref_slice %arg37[%dma_wait3A_218, %dma_wait3A_219] : memref<2048x32xf32, #tpu.memory_space<vmem_shared>> -> memref<2048x32xf32, #tpu.memory_space<vmem_shared>>
          tpu.wait_indirect_dma semaphore(%arg32 : memref<!tpu.dma_semaphore, #tpu.memory_space<semaphore_mem>>) src(%arg16 : memref<128x32xf32, #tpu.memory_space<vmem>>) dst(%dma_wait3A_220 : memref<2048x32xf32, #tpu.memory_space<vmem_shared>>)
          %add3A_221 = arith.constant 8 : i32
          %add3A_222 = arith.addi %add3A_169, %add3A_221 : i32
          %dma_start3A_223 = arith.constant 0 : i32
          %dma_start3A_224 = tpu.memref_slice %arg9[%add3A_222, %dma_start3A_223] : memref<50x128xi32, #tpu.memory_space<vmem>> -> memref<1x128xi32, #tpu.memory_space<vmem>>
          %dma_start3A_225 = tpu.memref_squeeze %dma_start3A_224 : memref<1x128xi32, #tpu.memory_space<vmem>> -> memref<128xi32, #tpu.memory_space<vmem>>
          %dma_start3A_226 = arith.constant 0 : i32
          %dma_start3A_227 = arith.constant 0 : i32
          %dma_start3A_228 = tpu.memref_slice %arg5[%dma_start3A_226, %dma_start3A_227] : memref<1000000x32xf32, #tpu.memory_space<hbm>> -> memref<1000000x32xf32, #tpu.memory_space<hbm>>
          tpu.enqueue_indirect_dma source(%dma_start3A_228 : memref<1000000x32xf32, #tpu.memory_space<hbm>>) target(%arg16 : memref<128x32xf32, #tpu.memory_space<vmem>>) offsets(%dma_start3A_225 : memref<128xi32, #tpu.memory_space<vmem>>) semaphore(%arg24 : memref<!tpu.dma_semaphore, #tpu.memory_space<semaphore_mem>>)
        } else {
        }
      } else {
      }
      %add3A_175 = arith.constant 5 : i32
      %add3A_176 = arith.addi %mul3A_142, %add3A_175 : i32
      %lt3A_177 = arith.constant 50 : i32
      %lt3A_178 = arith.cmpi slt, %add3A_176, %lt3A_177 : i32
      %convert_element_type3A_179 = arith.extui %lt3A_178 : i1 to i32
      %cond3A_180 = arith.constant 0 : i32
      %cond3A_181 = arith.cmpi ne, %convert_element_type3A_179, %cond3A_180 : i32
      scf.if %cond3A_181 {
        %dma_wait3A_196 = arith.constant 0 : i32
        %dma_wait3A_197 = tpu.memref_slice %arg9[%add3A_176, %dma_wait3A_196] : memref<50x128xi32, #tpu.memory_space<vmem>> -> memref<1x128xi32, #tpu.memory_space<vmem>>
        %dma_wait3A_198 = tpu.memref_squeeze %dma_wait3A_197 : memref<1x128xi32, #tpu.memory_space<vmem>> -> memref<128xi32, #tpu.memory_space<vmem>>
        %dma_wait3A_199 = arith.constant 0 : i32
        %dma_wait3A_200 = arith.constant 0 : i32
        %dma_wait3A_201 = tpu.memref_slice %arg5[%dma_wait3A_199, %dma_wait3A_200] : memref<1000000x32xf32, #tpu.memory_space<hbm>> -> memref<1000000x32xf32, #tpu.memory_space<hbm>>
        tpu.wait_indirect_dma semaphore(%arg25 : memref<!tpu.dma_semaphore, #tpu.memory_space<semaphore_mem>>) src(%dma_wait3A_201 : memref<1000000x32xf32, #tpu.memory_space<hbm>>) dst(%arg17 : memref<128x32xf32, #tpu.memory_space<vmem>>)
        %dma_start3A_202 = arith.constant 0 : i32
        %dma_start3A_203 = tpu.memref_slice %arg10[%add3A_176, %dma_start3A_202] : memref<50x128xi32, #tpu.memory_space<vmem>> -> memref<1x128xi32, #tpu.memory_space<vmem>>
        %dma_start3A_204 = tpu.memref_squeeze %dma_start3A_203 : memref<1x128xi32, #tpu.memory_space<vmem>> -> memref<128xi32, #tpu.memory_space<vmem>>
        %dma_start3A_205 = arith.constant 0 : i32
        %dma_start3A_206 = arith.constant 0 : i32
        %dma_start3A_207 = tpu.memref_slice %arg37[%dma_start3A_205, %dma_start3A_206] : memref<2048x32xf32, #tpu.memory_space<vmem_shared>> -> memref<2048x32xf32, #tpu.memory_space<vmem_shared>>
        tpu.enqueue_indirect_dma source(%arg17 : memref<128x32xf32, #tpu.memory_space<vmem>>) target(%dma_start3A_207 : memref<2048x32xf32, #tpu.memory_space<vmem_shared>>) offsets(%dma_start3A_204 : memref<128xi32, #tpu.memory_space<vmem>>) semaphore(%arg33 : memref<!tpu.dma_semaphore, #tpu.memory_space<semaphore_mem>>) {add = true}
        %add3A_208 = arith.constant 8 : i32
        %add3A_209 = arith.addi %add3A_176, %add3A_208 : i32
        %lt3A_210 = arith.constant 50 : i32
        %lt3A_211 = arith.cmpi slt, %add3A_209, %lt3A_210 : i32
        %convert_element_type3A_212 = arith.extui %lt3A_211 : i1 to i32
        %cond3A_213 = arith.constant 0 : i32
        %cond3A_214 = arith.cmpi ne, %convert_element_type3A_212, %cond3A_213 : i32
        scf.if %cond3A_214 {
          %dma_wait3A_215 = arith.constant 0 : i32
          %dma_wait3A_216 = tpu.memref_slice %arg10[%add3A_176, %dma_wait3A_215] : memref<50x128xi32, #tpu.memory_space<vmem>> -> memref<1x128xi32, #tpu.memory_space<vmem>>
          %dma_wait3A_217 = tpu.memref_squeeze %dma_wait3A_216 : memref<1x128xi32, #tpu.memory_space<vmem>> -> memref<128xi32, #tpu.memory_space<vmem>>
          %dma_wait3A_218 = arith.constant 0 : i32
          %dma_wait3A_219 = arith.constant 0 : i32
          %dma_wait3A_220 = tpu.memref_slice %arg37[%dma_wait3A_218, %dma_wait3A_219] : memref<2048x32xf32, #tpu.memory_space<vmem_shared>> -> memref<2048x32xf32, #tpu.memory_space<vmem_shared>>
          tpu.wait_indirect_dma semaphore(%arg33 : memref<!tpu.dma_semaphore, #tpu.memory_space<semaphore_mem>>) src(%arg17 : memref<128x32xf32, #tpu.memory_space<vmem>>) dst(%dma_wait3A_220 : memref<2048x32xf32, #tpu.memory_space<vmem_shared>>)
          %add3A_221 = arith.constant 8 : i32
          %add3A_222 = arith.addi %add3A_176, %add3A_221 : i32
          %dma_start3A_223 = arith.constant 0 : i32
          %dma_start3A_224 = tpu.memref_slice %arg9[%add3A_222, %dma_start3A_223] : memref<50x128xi32, #tpu.memory_space<vmem>> -> memref<1x128xi32, #tpu.memory_space<vmem>>
          %dma_start3A_225 = tpu.memref_squeeze %dma_start3A_224 : memref<1x128xi32, #tpu.memory_space<vmem>> -> memref<128xi32, #tpu.memory_space<vmem>>
          %dma_start3A_226 = arith.constant 0 : i32
          %dma_start3A_227 = arith.constant 0 : i32
          %dma_start3A_228 = tpu.memref_slice %arg5[%dma_start3A_226, %dma_start3A_227] : memref<1000000x32xf32, #tpu.memory_space<hbm>> -> memref<1000000x32xf32, #tpu.memory_space<hbm>>
          tpu.enqueue_indirect_dma source(%dma_start3A_228 : memref<1000000x32xf32, #tpu.memory_space<hbm>>) target(%arg17 : memref<128x32xf32, #tpu.memory_space<vmem>>) offsets(%dma_start3A_225 : memref<128xi32, #tpu.memory_space<vmem>>) semaphore(%arg25 : memref<!tpu.dma_semaphore, #tpu.memory_space<semaphore_mem>>)
        } else {
        }
      } else {
      }
      %add3A_182 = arith.constant 6 : i32
      %add3A_183 = arith.addi %mul3A_142, %add3A_182 : i32
      %lt3A_184 = arith.constant 50 : i32
      %lt3A_185 = arith.cmpi slt, %add3A_183, %lt3A_184 : i32
      %convert_element_type3A_186 = arith.extui %lt3A_185 : i1 to i32
      %cond3A_187 = arith.constant 0 : i32
      %cond3A_188 = arith.cmpi ne, %convert_element_type3A_186, %cond3A_187 : i32
      scf.if %cond3A_188 {
        %dma_wait3A_196 = arith.constant 0 : i32
        %dma_wait3A_197 = tpu.memref_slice %arg9[%add3A_183, %dma_wait3A_196] : memref<50x128xi32, #tpu.memory_space<vmem>> -> memref<1x128xi32, #tpu.memory_space<vmem>>
        %dma_wait3A_198 = tpu.memref_squeeze %dma_wait3A_197 : memref<1x128xi32, #tpu.memory_space<vmem>> -> memref<128xi32, #tpu.memory_space<vmem>>
        %dma_wait3A_199 = arith.constant 0 : i32
        %dma_wait3A_200 = arith.constant 0 : i32
        %dma_wait3A_201 = tpu.memref_slice %arg5[%dma_wait3A_199, %dma_wait3A_200] : memref<1000000x32xf32, #tpu.memory_space<hbm>> -> memref<1000000x32xf32, #tpu.memory_space<hbm>>
        tpu.wait_indirect_dma semaphore(%arg26 : memref<!tpu.dma_semaphore, #tpu.memory_space<semaphore_mem>>) src(%dma_wait3A_201 : memref<1000000x32xf32, #tpu.memory_space<hbm>>) dst(%arg18 : memref<128x32xf32, #tpu.memory_space<vmem>>)
        %dma_start3A_202 = arith.constant 0 : i32
        %dma_start3A_203 = tpu.memref_slice %arg10[%add3A_183, %dma_start3A_202] : memref<50x128xi32, #tpu.memory_space<vmem>> -> memref<1x128xi32, #tpu.memory_space<vmem>>
        %dma_start3A_204 = tpu.memref_squeeze %dma_start3A_203 : memref<1x128xi32, #tpu.memory_space<vmem>> -> memref<128xi32, #tpu.memory_space<vmem>>
        %dma_start3A_205 = arith.constant 0 : i32
        %dma_start3A_206 = arith.constant 0 : i32
        %dma_start3A_207 = tpu.memref_slice %arg37[%dma_start3A_205, %dma_start3A_206] : memref<2048x32xf32, #tpu.memory_space<vmem_shared>> -> memref<2048x32xf32, #tpu.memory_space<vmem_shared>>
        tpu.enqueue_indirect_dma source(%arg18 : memref<128x32xf32, #tpu.memory_space<vmem>>) target(%dma_start3A_207 : memref<2048x32xf32, #tpu.memory_space<vmem_shared>>) offsets(%dma_start3A_204 : memref<128xi32, #tpu.memory_space<vmem>>) semaphore(%arg34 : memref<!tpu.dma_semaphore, #tpu.memory_space<semaphore_mem>>) {add = true}
        %add3A_208 = arith.constant 8 : i32
        %add3A_209 = arith.addi %add3A_183, %add3A_208 : i32
        %lt3A_210 = arith.constant 50 : i32
        %lt3A_211 = arith.cmpi slt, %add3A_209, %lt3A_210 : i32
        %convert_element_type3A_212 = arith.extui %lt3A_211 : i1 to i32
        %cond3A_213 = arith.constant 0 : i32
        %cond3A_214 = arith.cmpi ne, %convert_element_type3A_212, %cond3A_213 : i32
        scf.if %cond3A_214 {
          %dma_wait3A_215 = arith.constant 0 : i32
          %dma_wait3A_216 = tpu.memref_slice %arg10[%add3A_183, %dma_wait3A_215] : memref<50x128xi32, #tpu.memory_space<vmem>> -> memref<1x128xi32, #tpu.memory_space<vmem>>
          %dma_wait3A_217 = tpu.memref_squeeze %dma_wait3A_216 : memref<1x128xi32, #tpu.memory_space<vmem>> -> memref<128xi32, #tpu.memory_space<vmem>>
          %dma_wait3A_218 = arith.constant 0 : i32
          %dma_wait3A_219 = arith.constant 0 : i32
          %dma_wait3A_220 = tpu.memref_slice %arg37[%dma_wait3A_218, %dma_wait3A_219] : memref<2048x32xf32, #tpu.memory_space<vmem_shared>> -> memref<2048x32xf32, #tpu.memory_space<vmem_shared>>
          tpu.wait_indirect_dma semaphore(%arg34 : memref<!tpu.dma_semaphore, #tpu.memory_space<semaphore_mem>>) src(%arg18 : memref<128x32xf32, #tpu.memory_space<vmem>>) dst(%dma_wait3A_220 : memref<2048x32xf32, #tpu.memory_space<vmem_shared>>)
          %add3A_221 = arith.constant 8 : i32
          %add3A_222 = arith.addi %add3A_183, %add3A_221 : i32
          %dma_start3A_223 = arith.constant 0 : i32
          %dma_start3A_224 = tpu.memref_slice %arg9[%add3A_222, %dma_start3A_223] : memref<50x128xi32, #tpu.memory_space<vmem>> -> memref<1x128xi32, #tpu.memory_space<vmem>>
          %dma_start3A_225 = tpu.memref_squeeze %dma_start3A_224 : memref<1x128xi32, #tpu.memory_space<vmem>> -> memref<128xi32, #tpu.memory_space<vmem>>
          %dma_start3A_226 = arith.constant 0 : i32
          %dma_start3A_227 = arith.constant 0 : i32
          %dma_start3A_228 = tpu.memref_slice %arg5[%dma_start3A_226, %dma_start3A_227] : memref<1000000x32xf32, #tpu.memory_space<hbm>> -> memref<1000000x32xf32, #tpu.memory_space<hbm>>
          tpu.enqueue_indirect_dma source(%dma_start3A_228 : memref<1000000x32xf32, #tpu.memory_space<hbm>>) target(%arg18 : memref<128x32xf32, #tpu.memory_space<vmem>>) offsets(%dma_start3A_225 : memref<128xi32, #tpu.memory_space<vmem>>) semaphore(%arg26 : memref<!tpu.dma_semaphore, #tpu.memory_space<semaphore_mem>>)
        } else {
        }
      } else {
      }
      %add3A_189 = arith.constant 7 : i32
      %add3A_190 = arith.addi %mul3A_142, %add3A_189 : i32
      %lt3A_191 = arith.constant 50 : i32
      %lt3A_192 = arith.cmpi slt, %add3A_190, %lt3A_191 : i32
      %convert_element_type3A_193 = arith.extui %lt3A_192 : i1 to i32
      %cond3A_194 = arith.constant 0 : i32
      %cond3A_195 = arith.cmpi ne, %convert_element_type3A_193, %cond3A_194 : i32
      scf.if %cond3A_195 {
        %dma_wait3A_196 = arith.constant 0 : i32
        %dma_wait3A_197 = tpu.memref_slice %arg9[%add3A_190, %dma_wait3A_196] : memref<50x128xi32, #tpu.memory_space<vmem>> -> memref<1x128xi32, #tpu.memory_space<vmem>>
        %dma_wait3A_198 = tpu.memref_squeeze %dma_wait3A_197 : memref<1x128xi32, #tpu.memory_space<vmem>> -> memref<128xi32, #tpu.memory_space<vmem>>
        %dma_wait3A_199 = arith.constant 0 : i32
        %dma_wait3A_200 = arith.constant 0 : i32
        %dma_wait3A_201 = tpu.memref_slice %arg5[%dma_wait3A_199, %dma_wait3A_200] : memref<1000000x32xf32, #tpu.memory_space<hbm>> -> memref<1000000x32xf32, #tpu.memory_space<hbm>>
        tpu.wait_indirect_dma semaphore(%arg27 : memref<!tpu.dma_semaphore, #tpu.memory_space<semaphore_mem>>) src(%dma_wait3A_201 : memref<1000000x32xf32, #tpu.memory_space<hbm>>) dst(%arg19 : memref<128x32xf32, #tpu.memory_space<vmem>>)
        %dma_start3A_202 = arith.constant 0 : i32
        %dma_start3A_203 = tpu.memref_slice %arg10[%add3A_190, %dma_start3A_202] : memref<50x128xi32, #tpu.memory_space<vmem>> -> memref<1x128xi32, #tpu.memory_space<vmem>>
        %dma_start3A_204 = tpu.memref_squeeze %dma_start3A_203 : memref<1x128xi32, #tpu.memory_space<vmem>> -> memref<128xi32, #tpu.memory_space<vmem>>
        %dma_start3A_205 = arith.constant 0 : i32
        %dma_start3A_206 = arith.constant 0 : i32
        %dma_start3A_207 = tpu.memref_slice %arg37[%dma_start3A_205, %dma_start3A_206] : memref<2048x32xf32, #tpu.memory_space<vmem_shared>> -> memref<2048x32xf32, #tpu.memory_space<vmem_shared>>
        tpu.enqueue_indirect_dma source(%arg19 : memref<128x32xf32, #tpu.memory_space<vmem>>) target(%dma_start3A_207 : memref<2048x32xf32, #tpu.memory_space<vmem_shared>>) offsets(%dma_start3A_204 : memref<128xi32, #tpu.memory_space<vmem>>) semaphore(%arg35 : memref<!tpu.dma_semaphore, #tpu.memory_space<semaphore_mem>>) {add = true}
        %add3A_208 = arith.constant 8 : i32
        %add3A_209 = arith.addi %add3A_190, %add3A_208 : i32
        %lt3A_210 = arith.constant 50 : i32
        %lt3A_211 = arith.cmpi slt, %add3A_209, %lt3A_210 : i32
        %convert_element_type3A_212 = arith.extui %lt3A_211 : i1 to i32
        %cond3A_213 = arith.constant 0 : i32
        %cond3A_214 = arith.cmpi ne, %convert_element_type3A_212, %cond3A_213 : i32
        scf.if %cond3A_214 {
          %dma_wait3A_215 = arith.constant 0 : i32
          %dma_wait3A_216 = tpu.memref_slice %arg10[%add3A_190, %dma_wait3A_215] : memref<50x128xi32, #tpu.memory_space<vmem>> -> memref<1x128xi32, #tpu.memory_space<vmem>>
          %dma_wait3A_217 = tpu.memref_squeeze %dma_wait3A_216 : memref<1x128xi32, #tpu.memory_space<vmem>> -> memref<128xi32, #tpu.memory_space<vmem>>
          %dma_wait3A_218 = arith.constant 0 : i32
          %dma_wait3A_219 = arith.constant 0 : i32
          %dma_wait3A_220 = tpu.memref_slice %arg37[%dma_wait3A_218, %dma_wait3A_219] : memref<2048x32xf32, #tpu.memory_space<vmem_shared>> -> memref<2048x32xf32, #tpu.memory_space<vmem_shared>>
          tpu.wait_indirect_dma semaphore(%arg35 : memref<!tpu.dma_semaphore, #tpu.memory_space<semaphore_mem>>) src(%arg19 : memref<128x32xf32, #tpu.memory_space<vmem>>) dst(%dma_wait3A_220 : memref<2048x32xf32, #tpu.memory_space<vmem_shared>>)
          %add3A_221 = arith.constant 8 : i32
          %add3A_222 = arith.addi %add3A_190, %add3A_221 : i32
          %dma_start3A_223 = arith.constant 0 : i32
          %dma_start3A_224 = tpu.memref_slice %arg9[%add3A_222, %dma_start3A_223] : memref<50x128xi32, #tpu.memory_space<vmem>> -> memref<1x128xi32, #tpu.memory_space<vmem>>
          %dma_start3A_225 = tpu.memref_squeeze %dma_start3A_224 : memref<1x128xi32, #tpu.memory_space<vmem>> -> memref<128xi32, #tpu.memory_space<vmem>>
          %dma_start3A_226 = arith.constant 0 : i32
          %dma_start3A_227 = arith.constant 0 : i32
          %dma_start3A_228 = tpu.memref_slice %arg5[%dma_start3A_226, %dma_start3A_227] : memref<1000000x32xf32, #tpu.memory_space<hbm>> -> memref<1000000x32xf32, #tpu.memory_space<hbm>>
          tpu.enqueue_indirect_dma source(%dma_start3A_228 : memref<1000000x32xf32, #tpu.memory_space<hbm>>) target(%arg19 : memref<128x32xf32, #tpu.memory_space<vmem>>) offsets(%dma_start3A_225 : memref<128xi32, #tpu.memory_space<vmem>>) semaphore(%arg27 : memref<!tpu.dma_semaphore, #tpu.memory_space<semaphore_mem>>)
        } else {
        }
      } else {
      }
    }
    %scan3A_74 = arith.constant 7 : i32
    %dma_wait3A = arith.constant 0 : i32
    %dma_wait3A_75 = arith.constant 0 : i32
    %dma_wait3A_76 = tpu.memref_slice %arg10[%dma_wait3A, %dma_wait3A_75] : memref<50x128xi32, #tpu.memory_space<vmem>> -> memref<1x128xi32, #tpu.memory_space<vmem>>
    %dma_wait3A_77 = tpu.memref_squeeze %dma_wait3A_76 : memref<1x128xi32, #tpu.memory_space<vmem>> -> memref<128xi32, #tpu.memory_space<vmem>>
    %dma_wait3A_78 = arith.constant 0 : i32
    %dma_wait3A_79 = arith.constant 0 : i32
    %dma_wait3A_80 = tpu.memref_slice %arg37[%dma_wait3A_78, %dma_wait3A_79] : memref<2048x32xf32, #tpu.memory_space<vmem_shared>> -> memref<2048x32xf32, #tpu.memory_space<vmem_shared>>
    tpu.wait_indirect_dma semaphore(%arg28 : memref<!tpu.dma_semaphore, #tpu.memory_space<semaphore_mem>>) src(%arg12 : memref<128x32xf32, #tpu.memory_space<vmem>>) dst(%dma_wait3A_80 : memref<2048x32xf32, #tpu.memory_space<vmem_shared>>)
    %dma_wait3A_81 = arith.constant 0 : i32
    %dma_wait3A_82 = arith.constant 0 : i32
    %dma_wait3A_83 = tpu.memref_slice %arg10[%dma_wait3A_81, %dma_wait3A_82] : memref<50x128xi32, #tpu.memory_space<vmem>> -> memref<1x128xi32, #tpu.memory_space<vmem>>
    %dma_wait3A_84 = tpu.memref_squeeze %dma_wait3A_83 : memref<1x128xi32, #tpu.memory_space<vmem>> -> memref<128xi32, #tpu.memory_space<vmem>>
    %dma_wait3A_85 = arith.constant 0 : i32
    %dma_wait3A_86 = arith.constant 0 : i32
    %dma_wait3A_87 = tpu.memref_slice %arg37[%dma_wait3A_85, %dma_wait3A_86] : memref<2048x32xf32, #tpu.memory_space<vmem_shared>> -> memref<2048x32xf32, #tpu.memory_space<vmem_shared>>
    tpu.wait_indirect_dma semaphore(%arg29 : memref<!tpu.dma_semaphore, #tpu.memory_space<semaphore_mem>>) src(%arg13 : memref<128x32xf32, #tpu.memory_space<vmem>>) dst(%dma_wait3A_87 : memref<2048x32xf32, #tpu.memory_space<vmem_shared>>)
    %dma_wait3A_88 = arith.constant 0 : i32
    %dma_wait3A_89 = arith.constant 0 : i32
    %dma_wait3A_90 = tpu.memref_slice %arg10[%dma_wait3A_88, %dma_wait3A_89] : memref<50x128xi32, #tpu.memory_space<vmem>> -> memref<1x128xi32, #tpu.memory_space<vmem>>
    %dma_wait3A_91 = tpu.memref_squeeze %dma_wait3A_90 : memref<1x128xi32, #tpu.memory_space<vmem>> -> memref<128xi32, #tpu.memory_space<vmem>>
    %dma_wait3A_92 = arith.constant 0 : i32
    %dma_wait3A_93 = arith.constant 0 : i32
    %dma_wait3A_94 = tpu.memref_slice %arg37[%dma_wait3A_92, %dma_wait3A_93] : memref<2048x32xf32, #tpu.memory_space<vmem_shared>> -> memref<2048x32xf32, #tpu.memory_space<vmem_shared>>
    tpu.wait_indirect_dma semaphore(%arg30 : memref<!tpu.dma_semaphore, #tpu.memory_space<semaphore_mem>>) src(%arg14 : memref<128x32xf32, #tpu.memory_space<vmem>>) dst(%dma_wait3A_94 : memref<2048x32xf32, #tpu.memory_space<vmem_shared>>)
    %dma_wait3A_95 = arith.constant 0 : i32
    %dma_wait3A_96 = arith.constant 0 : i32
    %dma_wait3A_97 = tpu.memref_slice %arg10[%dma_wait3A_95, %dma_wait3A_96] : memref<50x128xi32, #tpu.memory_space<vmem>> -> memref<1x128xi32, #tpu.memory_space<vmem>>
    %dma_wait3A_98 = tpu.memref_squeeze %dma_wait3A_97 : memref<1x128xi32, #tpu.memory_space<vmem>> -> memref<128xi32, #tpu.memory_space<vmem>>
    %dma_wait3A_99 = arith.constant 0 : i32
    %dma_wait3A_100 = arith.constant 0 : i32
    %dma_wait3A_101 = tpu.memref_slice %arg37[%dma_wait3A_99, %dma_wait3A_100] : memref<2048x32xf32, #tpu.memory_space<vmem_shared>> -> memref<2048x32xf32, #tpu.memory_space<vmem_shared>>
    tpu.wait_indirect_dma semaphore(%arg31 : memref<!tpu.dma_semaphore, #tpu.memory_space<semaphore_mem>>) src(%arg15 : memref<128x32xf32, #tpu.memory_space<vmem>>) dst(%dma_wait3A_101 : memref<2048x32xf32, #tpu.memory_space<vmem_shared>>)
    %dma_wait3A_102 = arith.constant 0 : i32
    %dma_wait3A_103 = arith.constant 0 : i32
    %dma_wait3A_104 = tpu.memref_slice %arg10[%dma_wait3A_102, %dma_wait3A_103] : memref<50x128xi32, #tpu.memory_space<vmem>> -> memref<1x128xi32, #tpu.memory_space<vmem>>
    %dma_wait3A_105 = tpu.memref_squeeze %dma_wait3A_104 : memref<1x128xi32, #tpu.memory_space<vmem>> -> memref<128xi32, #tpu.memory_space<vmem>>
    %dma_wait3A_106 = arith.constant 0 : i32
    %dma_wait3A_107 = arith.constant 0 : i32
    %dma_wait3A_108 = tpu.memref_slice %arg37[%dma_wait3A_106, %dma_wait3A_107] : memref<2048x32xf32, #tpu.memory_space<vmem_shared>> -> memref<2048x32xf32, #tpu.memory_space<vmem_shared>>
    tpu.wait_indirect_dma semaphore(%arg32 : memref<!tpu.dma_semaphore, #tpu.memory_space<semaphore_mem>>) src(%arg16 : memref<128x32xf32, #tpu.memory_space<vmem>>) dst(%dma_wait3A_108 : memref<2048x32xf32, #tpu.memory_space<vmem_shared>>)
    %dma_wait3A_109 = arith.constant 0 : i32
    %dma_wait3A_110 = arith.constant 0 : i32
    %dma_wait3A_111 = tpu.memref_slice %arg10[%dma_wait3A_109, %dma_wait3A_110] : memref<50x128xi32, #tpu.memory_space<vmem>> -> memref<1x128xi32, #tpu.memory_space<vmem>>
    %dma_wait3A_112 = tpu.memref_squeeze %dma_wait3A_111 : memref<1x128xi32, #tpu.memory_space<vmem>> -> memref<128xi32, #tpu.memory_space<vmem>>
    %dma_wait3A_113 = arith.constant 0 : i32
    %dma_wait3A_114 = arith.constant 0 : i32
    %dma_wait3A_115 = tpu.memref_slice %arg37[%dma_wait3A_113, %dma_wait3A_114] : memref<2048x32xf32, #tpu.memory_space<vmem_shared>> -> memref<2048x32xf32, #tpu.memory_space<vmem_shared>>
    tpu.wait_indirect_dma semaphore(%arg33 : memref<!tpu.dma_semaphore, #tpu.memory_space<semaphore_mem>>) src(%arg17 : memref<128x32xf32, #tpu.memory_space<vmem>>) dst(%dma_wait3A_115 : memref<2048x32xf32, #tpu.memory_space<vmem_shared>>)
    %dma_wait3A_116 = arith.constant 0 : i32
    %dma_wait3A_117 = arith.constant 0 : i32
    %dma_wait3A_118 = tpu.memref_slice %arg10[%dma_wait3A_116, %dma_wait3A_117] : memref<50x128xi32, #tpu.memory_space<vmem>> -> memref<1x128xi32, #tpu.memory_space<vmem>>
    %dma_wait3A_119 = tpu.memref_squeeze %dma_wait3A_118 : memref<1x128xi32, #tpu.memory_space<vmem>> -> memref<128xi32, #tpu.memory_space<vmem>>
    %dma_wait3A_120 = arith.constant 0 : i32
    %dma_wait3A_121 = arith.constant 0 : i32
    %dma_wait3A_122 = tpu.memref_slice %arg37[%dma_wait3A_120, %dma_wait3A_121] : memref<2048x32xf32, #tpu.memory_space<vmem_shared>> -> memref<2048x32xf32, #tpu.memory_space<vmem_shared>>
    tpu.wait_indirect_dma semaphore(%arg34 : memref<!tpu.dma_semaphore, #tpu.memory_space<semaphore_mem>>) src(%arg18 : memref<128x32xf32, #tpu.memory_space<vmem>>) dst(%dma_wait3A_122 : memref<2048x32xf32, #tpu.memory_space<vmem_shared>>)
    %dma_wait3A_123 = arith.constant 0 : i32
    %dma_wait3A_124 = arith.constant 0 : i32
    %dma_wait3A_125 = tpu.memref_slice %arg10[%dma_wait3A_123, %dma_wait3A_124] : memref<50x128xi32, #tpu.memory_space<vmem>> -> memref<1x128xi32, #tpu.memory_space<vmem>>
    %dma_wait3A_126 = tpu.memref_squeeze %dma_wait3A_125 : memref<1x128xi32, #tpu.memory_space<vmem>> -> memref<128xi32, #tpu.memory_space<vmem>>
    %dma_wait3A_127 = arith.constant 0 : i32
    %dma_wait3A_128 = arith.constant 0 : i32
    %dma_wait3A_129 = tpu.memref_slice %arg37[%dma_wait3A_127, %dma_wait3A_128] : memref<2048x32xf32, #tpu.memory_space<vmem_shared>> -> memref<2048x32xf32, #tpu.memory_space<vmem_shared>>
    tpu.wait_indirect_dma semaphore(%arg35 : memref<!tpu.dma_semaphore, #tpu.memory_space<semaphore_mem>>) src(%arg19 : memref<128x32xf32, #tpu.memory_space<vmem>>) dst(%dma_wait3A_129 : memref<2048x32xf32, #tpu.memory_space<vmem_shared>>)
    "tpu.region"() ({
      %run_scoped3A = tpu.sem_alloc : memref<!tpu.dma_semaphore, #tpu.memory_space<semaphore_mem>>
      %dma_start3A_136 = arith.constant 0 : i32
      %dma_start3A_137 = tpu.memref_slice %arg7[%mul3A_2, %dma_start3A_136] : memref<4096x32xf32, #tpu.memory_space<hbm>> -> memref<128x32xf32, #tpu.memory_space<hbm>>
      %dma_start3A_138 = arith.constant 0 : i32
      %dma_start3A_139 = tpu.memref_slice %arg37[%mul3A_4, %dma_start3A_138] : memref<2048x32xf32, #tpu.memory_space<vmem_shared>> -> memref<128x32xf32, #tpu.memory_space<vmem_shared>>
      tpu.enqueue_dma source(%dma_start3A_139 : memref<128x32xf32, #tpu.memory_space<vmem_shared>>) target(%dma_start3A_137 : memref<128x32xf32, #tpu.memory_space<hbm>>) target_semaphore(%run_scoped3A : memref<!tpu.dma_semaphore, #tpu.memory_space<semaphore_mem>>)
      %dma_wait3A_140 = arith.constant 0 : i32
      %dma_wait3A_141 = tpu.memref_slice %arg7[%mul3A_2, %dma_wait3A_140] : memref<4096x32xf32, #tpu.memory_space<hbm>> -> memref<128x32xf32, #tpu.memory_space<hbm>>
      %dma_wait3A_142 = arith.constant 0 : i32
      %dma_wait3A_143 = tpu.memref_slice %arg37[%mul3A_4, %dma_wait3A_142] : memref<2048x32xf32, #tpu.memory_space<vmem_shared>> -> memref<128x32xf32, #tpu.memory_space<vmem_shared>>
      tpu.wait_dma2 semaphore(%run_scoped3A : memref<!tpu.dma_semaphore, #tpu.memory_space<semaphore_mem>>) src(%dma_wait3A_143 : memref<128x32xf32, #tpu.memory_space<vmem_shared>>) dst(%dma_wait3A_141 : memref<128x32xf32, #tpu.memory_space<hbm>>)
      tpu.yield
    }) : () -> ()
    %dma_start3A_130 = arith.constant 0 : i32
    %dma_start3A_131 = arith.constant 0 : i32
    %dma_start3A_132 = tpu.memref_slice %arg6[%dma_start3A_130, %dma_start3A_131] : memref<100000x32xf32, #tpu.memory_space<hbm>> -> memref<100000x32xf32, #tpu.memory_space<hbm>>
    tpu.enqueue_indirect_dma source(%dma_start3A_132 : memref<100000x32xf32, #tpu.memory_space<hbm>>) target(%arg12 : memref<128x32xf32, #tpu.memory_space<vmem>>) offsets(%arg11 : memref<128xi32, #tpu.memory_space<vmem>>) semaphore(%arg20 : memref<!tpu.dma_semaphore, #tpu.memory_space<semaphore_mem>>)
    %dma_wait3A_133 = arith.constant 0 : i32
    %dma_wait3A_134 = arith.constant 0 : i32
    %dma_wait3A_135 = tpu.memref_slice %arg6[%dma_wait3A_133, %dma_wait3A_134] : memref<100000x32xf32, #tpu.memory_space<hbm>> -> memref<100000x32xf32, #tpu.memory_space<hbm>>
    tpu.wait_indirect_dma semaphore(%arg20 : memref<!tpu.dma_semaphore, #tpu.memory_space<semaphore_mem>>) src(%dma_wait3A_135 : memref<100000x32xf32, #tpu.memory_space<hbm>>) dst(%arg12 : memref<128x32xf32, #tpu.memory_space<vmem>>)
    "tpu.region"() ({
      %run_scoped3A = tpu.sem_alloc : memref<!tpu.dma_semaphore, #tpu.memory_space<semaphore_mem>>
      %dma_start3A_136 = arith.constant 0 : i32
      %dma_start3A_137 = tpu.memref_slice %arg8[%mul3A_2, %dma_start3A_136] : memref<4096x32xf32, #tpu.memory_space<hbm>> -> memref<128x32xf32, #tpu.memory_space<hbm>>
      %dma_start3A_138 = arith.constant 0 : i32
      %dma_start3A_139 = tpu.memref_slice %arg8[%mul3A_2, %dma_start3A_138] : memref<4096x32xf32, #tpu.memory_space<hbm>> -> memref<128x32xf32, #tpu.memory_space<hbm>>
      tpu.enqueue_dma source(%arg12 : memref<128x32xf32, #tpu.memory_space<vmem>>) target(%dma_start3A_139 : memref<128x32xf32, #tpu.memory_space<hbm>>) target_semaphore(%run_scoped3A : memref<!tpu.dma_semaphore, #tpu.memory_space<semaphore_mem>>)
      %dma_wait3A_140 = arith.constant 0 : i32
      %dma_wait3A_141 = tpu.memref_slice %arg8[%mul3A_2, %dma_wait3A_140] : memref<4096x32xf32, #tpu.memory_space<hbm>> -> memref<128x32xf32, #tpu.memory_space<hbm>>
      %dma_wait3A_142 = arith.constant 0 : i32
      %dma_wait3A_143 = tpu.memref_slice %arg8[%mul3A_2, %dma_wait3A_142] : memref<4096x32xf32, #tpu.memory_space<hbm>> -> memref<128x32xf32, #tpu.memory_space<hbm>>
      tpu.wait_dma2 semaphore(%run_scoped3A : memref<!tpu.dma_semaphore, #tpu.memory_space<semaphore_mem>>) src(%arg12 : memref<128x32xf32, #tpu.memory_space<vmem>>) dst(%dma_wait3A_143 : memref<128x32xf32, #tpu.memory_space<hbm>>)
      tpu.yield
    }) : () -> ()
    return
  }
}

module attributes {stable_mosaic.version = 14 : i64} {
  func.func @_tr_body(%arg0: i32, %arg1: memref<32x8192xf32, #tpu.memory_space<vmem>>, %arg2: memref<2048x128xf32, #tpu.memory_space<vmem>>) attributes {dimension_semantics = [#tpu.dimension_semantics<arbitrary>], iteration_bounds = array<i64: 13>, scalar_prefetch = 0 : i64, scratch_operands = 0 : i64, tpu.core_type = #tpu.core_type<tc>, window_params = [{transform_indices = @transform_0, window_bounds = array<i64: 32, 8192>}, {transform_indices = @transform_1, window_bounds = array<i64: 2048, 128>}]} {
    %get3A = arith.constant 0 : index
    %get3A_0 = arith.constant 0 : index
    %get3A_1 = vector.load %arg1[%get3A, %get3A_0] : memref<32x8192xf32, #tpu.memory_space<vmem>>, vector<32x8192xf32>
    %transpose3A = tpu.transpose %get3A_1, [1, 0] : vector<32x8192xf32> -> vector<8192x32xf32>
    %reshape3A = vector.shape_cast %transpose3A : vector<8192x32xf32> to vector<2048x4x32xf32>
    %slice3A = vector.extract_strided_slice %reshape3A {offsets = [0, 0, 0], sizes = [2048, 1, 32], strides = [1, 1, 1]} : vector<2048x4x32xf32> to vector<2048x1x32xf32>
    %squeeze3A = vector.shape_cast %slice3A : vector<2048x1x32xf32> to vector<2048x32xf32>
    %slice3A_2 = vector.extract_strided_slice %reshape3A {offsets = [0, 1, 0], sizes = [2048, 1, 32], strides = [1, 1, 1]} : vector<2048x4x32xf32> to vector<2048x1x32xf32>
    %squeeze3A_3 = vector.shape_cast %slice3A_2 : vector<2048x1x32xf32> to vector<2048x32xf32>
    %slice3A_4 = vector.extract_strided_slice %reshape3A {offsets = [0, 2, 0], sizes = [2048, 1, 32], strides = [1, 1, 1]} : vector<2048x4x32xf32> to vector<2048x1x32xf32>
    %squeeze3A_5 = vector.shape_cast %slice3A_4 : vector<2048x1x32xf32> to vector<2048x32xf32>
    %slice3A_6 = vector.extract_strided_slice %reshape3A {offsets = [0, 3, 0], sizes = [2048, 1, 32], strides = [1, 1, 1]} : vector<2048x4x32xf32> to vector<2048x1x32xf32>
    %squeeze3A_7 = vector.shape_cast %slice3A_6 : vector<2048x1x32xf32> to vector<2048x32xf32>
    %concatenate3A = tpu.concatenate %squeeze3A, %squeeze3A_3, %squeeze3A_5, %squeeze3A_7 in 1 : vector<2048x32xf32>, vector<2048x32xf32>, vector<2048x32xf32>, vector<2048x32xf32> -> vector<2048x128xf32>
    %swap3A = arith.constant 0 : index
    %swap3A_8 = arith.constant 0 : index
    %swap3A_9 = vector.load %arg2[%swap3A, %swap3A_8] : memref<2048x128xf32, #tpu.memory_space<vmem>>, vector<2048x128xf32>
    tpu.vector_store %arg2[%swap3A, %swap3A_8], %concatenate3A {strides = array<i32>} : memref<2048x128xf32, #tpu.memory_space<vmem>>, vector<2048x128xf32>,
    return
  }
  func.func @transform_0(%arg0: i32) -> (i32, i32) {
    %c0_i32 = arith.constant 0 : i32
    %c0_i32_0 = arith.constant 0 : i32
    return %c0_i32, %arg0 : i32, i32
  }
  func.func @transform_1(%arg0: i32) -> (i32, i32) {
    %c0_i32 = arith.constant 0 : i32
    %c0_i32_0 = arith.constant 0 : i32
    return %arg0, %c0_i32 : i32, i32
  }
}

module attributes {stable_mosaic.version = 14 : i64} {
  func.func @_tr_body(%arg0: i32, %arg1: memref<32x8192xf32, #tpu.memory_space<vmem>>, %arg2: memref<2048x128xf32, #tpu.memory_space<vmem>>) attributes {dimension_semantics = [#tpu.dimension_semantics<arbitrary>], iteration_bounds = array<i64: 123>, scalar_prefetch = 0 : i64, scratch_operands = 0 : i64, tpu.core_type = #tpu.core_type<tc>, window_params = [{transform_indices = @transform_0, window_bounds = array<i64: 32, 8192>}, {transform_indices = @transform_1, window_bounds = array<i64: 2048, 128>}]} {
    %get3A = arith.constant 0 : index
    %get3A_0 = arith.constant 0 : index
    %get3A_1 = vector.load %arg1[%get3A, %get3A_0] : memref<32x8192xf32, #tpu.memory_space<vmem>>, vector<32x8192xf32>
    %transpose3A = tpu.transpose %get3A_1, [1, 0] : vector<32x8192xf32> -> vector<8192x32xf32>
    %reshape3A = vector.shape_cast %transpose3A : vector<8192x32xf32> to vector<2048x4x32xf32>
    %slice3A = vector.extract_strided_slice %reshape3A {offsets = [0, 0, 0], sizes = [2048, 1, 32], strides = [1, 1, 1]} : vector<2048x4x32xf32> to vector<2048x1x32xf32>
    %squeeze3A = vector.shape_cast %slice3A : vector<2048x1x32xf32> to vector<2048x32xf32>
    %slice3A_2 = vector.extract_strided_slice %reshape3A {offsets = [0, 1, 0], sizes = [2048, 1, 32], strides = [1, 1, 1]} : vector<2048x4x32xf32> to vector<2048x1x32xf32>
    %squeeze3A_3 = vector.shape_cast %slice3A_2 : vector<2048x1x32xf32> to vector<2048x32xf32>
    %slice3A_4 = vector.extract_strided_slice %reshape3A {offsets = [0, 2, 0], sizes = [2048, 1, 32], strides = [1, 1, 1]} : vector<2048x4x32xf32> to vector<2048x1x32xf32>
    %squeeze3A_5 = vector.shape_cast %slice3A_4 : vector<2048x1x32xf32> to vector<2048x32xf32>
    %slice3A_6 = vector.extract_strided_slice %reshape3A {offsets = [0, 3, 0], sizes = [2048, 1, 32], strides = [1, 1, 1]} : vector<2048x4x32xf32> to vector<2048x1x32xf32>
    %squeeze3A_7 = vector.shape_cast %slice3A_6 : vector<2048x1x32xf32> to vector<2048x32xf32>
    %concatenate3A = tpu.concatenate %squeeze3A, %squeeze3A_3, %squeeze3A_5, %squeeze3A_7 in 1 : vector<2048x32xf32>, vector<2048x32xf32>, vector<2048x32xf32>, vector<2048x32xf32> -> vector<2048x128xf32>
    %swap3A = arith.constant 0 : index
    %swap3A_8 = arith.constant 0 : index
    %swap3A_9 = vector.load %arg2[%swap3A, %swap3A_8] : memref<2048x128xf32, #tpu.memory_space<vmem>>, vector<2048x128xf32>
    tpu.vector_store %arg2[%swap3A, %swap3A_8], %concatenate3A {strides = array<i32>} : memref<2048x128xf32, #tpu.memory_space<vmem>>, vector<2048x128xf32>,
    return
  }
  func.func @transform_0(%arg0: i32) -> (i32, i32) {
    %c0_i32 = arith.constant 0 : i32
    %c0_i32_0 = arith.constant 0 : i32
    return %c0_i32, %arg0 : i32, i32
  }
  func.func @transform_1(%arg0: i32) -> (i32, i32) {
    %c0_i32 = arith.constant 0 : i32
    %c0_i32_0 = arith.constant 0 : i32
    return %arg0, %c0_i32 : i32, i32
  }
}

module attributes {stable_mosaic.version = 14 : i64} {
  func.func @_dot_body(%arg0: memref<4096x32xf32, #tpu.memory_space<vmem>>, %arg1: memref<4096x32xf32, #tpu.memory_space<vmem>>, %arg2: memref<4096x32xf32, #tpu.memory_space<vmem>>, %arg3: memref<4096xf32, #tpu.memory_space<vmem>>) attributes {dimension_semantics = [], scalar_prefetch = 0 : i64, scratch_operands = 0 : i64, tpu.core_type = #tpu.core_type<tc>} {
    %get3A = arith.constant 0 : index
    %get3A_0 = arith.constant 0 : index
    %get3A_1 = vector.load %arg0[%get3A, %get3A_0] : memref<4096x32xf32, #tpu.memory_space<vmem>>, vector<4096x32xf32>
    %get3A_2 = arith.constant 0 : index
    %get3A_3 = arith.constant 0 : index
    %get3A_4 = vector.load %arg1[%get3A_2, %get3A_3] : memref<4096x32xf32, #tpu.memory_space<vmem>>, vector<4096x32xf32>
    %get3A_5 = arith.constant 0 : index
    %get3A_6 = arith.constant 0 : index
    %get3A_7 = vector.load %arg2[%get3A_5, %get3A_6] : memref<4096x32xf32, #tpu.memory_space<vmem>>, vector<4096x32xf32>
    %add3A = arith.addf %get3A_4, %get3A_7 : vector<4096x32xf32>
    %mul3A = arith.mulf %get3A_1, %add3A : vector<4096x32xf32>
    %reduce_sum3A = arith.constant dense<0.000000e+00> : vector<4096xf32>
    %reduce_sum3A_8 = vector.multi_reduction <add>, %mul3A, %reduce_sum3A [1] : vector<4096x32xf32> to vector<4096xf32>
    %swap3A = arith.constant 0 : index
    %swap3A_9 = vector.load %arg3[%swap3A] : memref<4096xf32, #tpu.memory_space<vmem>>, vector<4096xf32>
    tpu.vector_store %arg3[%swap3A], %reduce_sum3A_8 {strides = array<i32>} : memref<4096xf32, #tpu.memory_space<vmem>>, vector<4096xf32>,
    return
  }
}

</mosaic_0001>

<sc_bundles>
// kernel: kernel.10.cloned.1.call-start
scs
__scs_entry_jumppad:
0x0: {  	(pc) =	sbr.rel $0x88, $3  }
0x1: {  	(tag) =	ssettag $0x0;
	lr =	simm.s32 $0x1  }
0x2: {  	[smem:$0x3F95] =	sst lr;
	_ =	strace $0xD0000000  }
0x3: {  	_ = 	snop  }
0x4: {  	_ = 	snop  }
0x5: {  	_ = 	snop  }
0x6: {  	_ = 	snop  }
0x7: {  	_ = 	snop  }
__scs_overlays_trampoline_lowered:
0x8: {  	[smem:$0x3FA4] =	sst s0  }
0x9: {  	[smem:$0x3FA5] =	sst s1  }
0xa: {  	[smem:$0x3FA6] =	sst s2  }
0xb: {  	[smem:$0x3FA7] =	sst s3  }
0xc: {  	[smem:$0x3FA8] =	sst s4  }
0xd: {  	[smem:$0x3FA9] =	sst s5  }
0xe: {  	[smem:$0x3FAA] =	sst s6  }
0xf: {  	[smem:$0x3FAB] =	sst s7  }
0x10: {  	[smem:$0x3FAC] =	sst s8  }
0x11: {  	[smem:$0x3FAD] =	sst s9;
	s0 =	simm.s32 @!p0 $0x0  }
0x12: {  	s1 =	sld [smem:$0x3F93];
	s0 =	simm.s32 @p0 $0x1  }
0x13: {  	[smem:$0x3FAE] =	sst s0;
	s0 =	simm.s32 @!p1 $0x0  }
0x14: {  	s2 =	sld [smem:$0x3F92];
	s0 =	simm.s32 @p1 $0x1  }
0x15: {  	[smem:$0x3FAF] =	sst s0;
	s0 =	simm.s32 @!p2 $0x0  }
0x16: {  	s3 =	sld [smem:$0x3FDB];
	s0 =	simm.s32 @p2 $0x1  }
0x17: {  	s4 =	simm.s32 $0x1BF5;
	[smem:$0x3FB1] =	sst s0  }
0x18: {  	s0 =	sld [smem:$0x3F94];
	_ =	swait.ge [sflag:s4], $0x0  }
0x19: {  	s7 =	sld [smem:$0x3F95]  }
0x1a: {  	s8 =	sadd.s32 $0xFFFFE003, lr  }
0x1b: {  	s9 =	sadd.s32 $0xFFFFFEF7, lr;
	s5 =	simm.s32 $0xFFFFFFFF;
	p2 =	slt.u32 s8, $0xFFFFF086  }
0x1c: {  	p1 =	slt.u32 s9, $0xF7A;
	s5 =	simm.s32 @!p2 $0x0  }
0x1d: {  	s5 =	simm.s32 @p1 $0x1;
	p0 =	seq.s32 s7, s2  }
0x1e: {  	s7 =	smul.u32 @!p0 $0xF7A, s2;
	p2 =	seq.s32 @!p0 s5, $0x0  }
0x1f: {  	s9 =	smul.u32 $0xF7A, s1;
	s8 =	simm.s32 @!p0 $0x1BF5;
	p2 =	por !p2, p0  }
0x20: {  	[sflag:s8] =	ssyncset.s32 @!p0 $0xFFFFF086;
	s6 =	sadd.s32 @!p0 s3, s7;
	s7 =	simm.s32 @!p0 $0x108  }
0x21: {  	s3 =	sadd.s32 s3, s9;
	s6 =	sadd.s32 @!p0 $0x88, s6;
	s7 =	simm.s32 @p2 $0x1082  }
0x22: {  	[simem:s7], [sflag:s8] =	dma.local @!p0 [hbm:s6], $0xF7A  }
0x23: {  	s9 =	sor.u32 $0xD0000000, s2;
	s6 =	simm.s32 $0x108;
	_ =	swait.ge @!p0 [sflag:s8], $0x0  }
0x24: {  	s3 =	sadd.s32 $0x88, s3;
	s6 =	simm.s32 @!p1 $0x1082;
	[sflag:s4] =	ssyncset.s32 $0xFFFFF086  }
0x25: {  	[simem:s6], [sflag:s4] =	dma.local [hbm:s3], $0xF7A  }
0x26: {  	[smem:$0x3F95] =	sst s1;
	(tag) =	ssettag s2;
	_ =	strace s9  }
0x27: {  	s1 =	sld [smem:$0x3FA5]  }
0x28: {  	s2 =	sld [smem:$0x3FA6]  }
0x29: {  	s4 =	sld [smem:$0x3FA8]  }
0x2a: {  	p0 =	seq.s32 s5, $0x0;
	s5 =	sld [smem:$0x3FA9]  }
0x2b: {  	s6 =	sld [smem:$0x3FAA]  }
0x2c: {  	s7 =	sld [smem:$0x3FAB]  }
0x2d: {  	s3 =	simm.s32 $0x108;
	s8 =	sld [smem:$0x3FAC]  }
0x2e: {  	s3 =	simm.s32 @!p0 $0x1082;
	s9 =	sld [smem:$0x3FAD]  }
0x2f: {  	lr =	sadd.s32 s0, s3;
	s0 =	sld [smem:$0x3FA4]  }
0x30: {  	s3 =	sld [smem:$0x3FA7]  }
0x31: {  	[smem:$0x3FB0] =	sst s10  }
0x32: {  	s10 =	sld [smem:$0x3FAE];
	_ =	sdelay $0x3  }
0x33: {  	p0 =	seq.s32 s10, $0x1;
	s10 =	sld [smem:$0x3FB0];
	_ =	sdelay $0x3  }
0x34: {  	[smem:$0x3FB0] =	sst s10  }
0x35: {  	s10 =	sld [smem:$0x3FAF];
	_ =	sdelay $0x3  }
0x36: {  	p1 =	seq.s32 s10, $0x1;
	s10 =	sld [smem:$0x3FB0];
	_ =	sdelay $0x3  }
0x37: {  	[smem:$0x3FB0] =	sst s10  }
0x38: {  	s10 =	sld [smem:$0x3FB1]  }
0x39: {  	_ = 	snop;
	(pc) =	sbr.ind lr, $3  }
0x3a: {  	_ = 	snop  }
0x3b: {  	_ = 	snop  }
0x3c: {  	p2 =	seq.s32 s10, $0x1;
	s10 =	sld [smem:$0x3FB0]  }
0x3d: {  	_ =	shalt  }
0x3e: {  	_ =	shalt  }
0x3f: {  	_ =	shalt  }
0x40: {  	_ =	shalt  }
0x41: {  	_ =	shalt  }
0x42: {  	_ =	shalt  }
0x43: {  	_ =	shalt  }
0x44: {  	_ =	shalt  }
0x45: {  	_ =	shalt  }
0x46: {  	_ =	shalt  }
0x47: {  	_ =	shalt  }
0x48: {  	_ =	shalt  }
0x49: {  	_ =	shalt  }
0x4a: {  	_ =	shalt  }
0x4b: {  	_ =	shalt  }
0x4c: {  	_ =	shalt  }
0x4d: {  	_ =	shalt  }
0x4e: {  	_ =	shalt  }
0x4f: {  	_ =	shalt  }
0x50: {  	_ =	shalt  }
0x51: {  	_ =	shalt  }
0x52: {  	_ =	shalt  }
0x53: {  	_ =	shalt  }
0x54: {  	_ =	shalt  }
0x55: {  	_ =	shalt  }
0x56: {  	_ =	shalt  }
0x57: {  	_ =	shalt  }
0x58: {  	_ =	shalt  }
0x59: {  	_ =	shalt  }
0x5a: {  	_ =	shalt  }
0x5b: {  	_ =	shalt  }
0x5c: {  	_ =	shalt  }
0x5d: {  	_ =	shalt  }
0x5e: {  	_ =	shalt  }
0x5f: {  	_ =	shalt  }
0x60: {  	_ =	shalt  }
0x61: {  	_ =	shalt  }
0x62: {  	_ =	shalt  }
0x63: {  	_ =	shalt  }
0x64: {  	_ =	shalt  }
0x65: {  	_ =	shalt  }
0x66: {  	_ =	shalt  }
0x67: {  	_ =	shalt  }
0x68: {  	_ =	shalt  }
0x69: {  	_ =	shalt  }
0x6a: {  	_ =	shalt  }
0x6b: {  	_ =	shalt  }
0x6c: {  	_ =	shalt  }
0x6d: {  	_ =	shalt  }
0x6e: {  	_ =	shalt  }
0x6f: {  	_ =	shalt  }
0x70: {  	_ =	shalt  }
0x71: {  	_ =	shalt  }
0x72: {  	_ =	shalt  }
0x73: {  	_ =	shalt  }
0x74: {  	_ =	shalt  }
0x75: {  	_ =	shalt  }
0x76: {  	_ =	shalt  }
0x77: {  	_ =	shalt  }
0x78: {  	_ =	shalt  }
0x79: {  	_ =	shalt  }
0x7a: {  	_ =	shalt  }
0x7b: {  	_ =	shalt  }
0x7c: {  	_ =	shalt  }
0x7d: {  	_ =	shalt  }
0x7e: {  	_ =	shalt  }
0x7f: {  	_ =	shalt  }
0x80: {  	_ =	shalt  }
0x81: {  	_ =	shalt  }
0x82: {  	_ =	shalt  }
0x83: {  	_ =	shalt  }
0x84: {  	_ =	shalt  }
0x85: {  	_ =	shalt  }
0x86: {  	_ =	shalt  }
0x87: {  	_ =	shalt  }
.Lfunc_end0:
.L_simem_size_0:
called_computation.1_lowered:
.L_overlay_start_0:
0x88: {  	s2 =	sld [smem:$0x3FD9]  }
0x89: {  	s3 =	sld [smem:$0x3FFE];
	_ =	sdelay $0x1  }
0x8a: {  	s1 =	srdreg.scid  }
0x8b: {  	s0 =	sand.u32 $0x1, s1  }
0x8c: {  	s17 =	sshll.u32 s0, $0xA;
	s2 =	sadd.s32 s3, s2  }
0x8d: {  	s2 =	sadd.s32 s2, s17  }
0x8e: {  	[smem:$0x3FBC] =	sst s2  }
0x8f: {  	_ = 	snop  }
0x90: {  	s18 =	sld [smem:$0x3FC5];
	(tm) =	ssettm $0x1  }
0x91: {  	s19 =	sld [smem:$0x3FFB];
	_ =	sdelay $0x3  }
0x92: {  	_ =	strace s19  }
0x93: {  	s2 =	sld [smem:$0x3FFC];
	_ =	sdelay $0x3  }
0x94: {  	_ =	strace s2  }
0x95: {  	s2 =	sld [smem:$0x3FFD];
	_ =	sdelay $0x3  }
0x96: {  	_ =	strace s2  }
0x97: {  	_ =	strace $0x8FFFFFFF  }
0x98: {  	s20 =	sld [smem:$0x3FDB];
	_ =	sdelay $0x1  }
0x99: {  	s4 =	simm.s32 $_scs_section_size  }
0x9a: {  	s5 =	simm.s32 $_size__tile_overlayer_lowered;
	s6 =	simm.s32 $_tile_overlayer_lowered  }
0x9b: {  	s7 =	simm.s32 $0x1BFF;
	s21 =	sshll.u32 s6, $0x1;
	s4 =	sadd.s32 s4, s20  }
0x9c: {  	s22 =	simm.s32 $0x0;
	s5 =	sshll.u32 s5, $0x1;
	s6 =	sadd.s32 s21, s4  }
0x9d: {  	[timem:s22], [sflag:s7] =	dma.local [hbm:s6], s5  }
0x9e: {  	_ =	swait.ge [sflag:s7], s5  }
0x9f: {  	s5 =	ssub.s32 $0x0, s5;
	[sflag:s7] =	ssyncset.done $0x0  }
0xa0: {  	[sflag:s7] =	ssyncadd.s32 s5;
	_ =	sdelay $0x1  }
0xa1: {  	s23 =	simm.s32 $0x1B8B  }
0xa2: {  	_ =	swait.ge [sflag:s23], $0x1  }
0xa3: {  	[sflag:s23] =	ssyncset.done $0x0  }
0xa4: {  	[sflag:s23] =	ssyncadd.s32 $0xFFFFFFFF  }
0xa5: {  	s5 =	sld [smem:$0x0]  }
0xa6: {  	s6 =	sand.u32 $0xFFFFFFFE, s1  }
0xa7: {  	p0 =	sne.s32 s1, s6  }
0xa8: {  	s6 =	sshll.u32 @p0 s6, $0xE  }
0xa9: {  	s6 =	sadd.s32 @p0 $0x11B8D, s6;
	s7 =	sshll.u32 @p0 s5, $0x11  }
0xaa: {  	s6 =	sor.u32 @p0 s7, s6  }
0xab: {  	[sflag:s6] =	ssyncadd.remote.s32 @p0 $0x1;
	_ =	sdelay $0x1  }
0xac: {  	s6 =	simm.s32 @p0 $0x1B8D  }
0xad: {  	_ =	swait.eq @p0 [sflag:s6], $0x1  }
0xae: {  	[sflag:s6] =	ssyncadd.s32 @p0 $0xFFFFFFFF  }
0xaf: {  	s7 =	sshll.u32 @!p0 s1, $0xE  }
0xb0: {  	s7 =	sor.u32 @!p0 $0x4000, s7;
	s6 =	simm.s32 @!p0 $0x1B8D  }
0xb1: {  	s5 =	sshll.u32 @!p0 s5, $0x11;
	s7 =	sadd.s32 @!p0 $0x11B8D, s7;
	_ =	swait.eq @!p0 [sflag:s6], $0x1  }
0xb2: {  	s5 =	sor.u32 @!p0 s5, s7;
	[sflag:s6] =	ssyncadd.s32 @!p0 $0xFFFFFFFF  }
0xb3: {  	s25 =	simm.s32 $0x1B8E;
	s24 =	sld [smem:$0x3FFE];
	[sflag:s5] =	ssyncadd.remote.s32 @!p0 $0x1  }
0xb4: {  	s26 =	simm.s32 $execute0_lowered;
	[smem:$0x3FD2] =	sst s25  }
0xb5: {  	s6 =	sshll.u32 s26, $0x1;
	_ =	strace $0x80000049;
	[dreg:$0x1] =	wrdreg $0xFFFFFFFF  }
0xb6: {  	s28 =	simm.s32 $_size_execute0_lowered;
	s4 =	sadd.s32 s4, s6;
	[dreg:$0x0] =	wrdreg $0x0  }
0xb7: {  	s6 =	sshll.u32 s28, $0x1;
	[dreg:$0x2] =	wrdreg s4  }
0xb8: {  	[dreg:$0x3] =	wrdreg s6  }
0xb9: {  	[dreg:$0x4] =	wrdreg $0xC0  }
0xba: {  	_ =	task [dreg:s22], $0x5FFFF  }
0xbb: {  	[dreg:$0x1] =	wrdreg $0xFFFFFFFF  }
0xbc: {  	[dreg:$0x0] =	wrdreg $0x60  }
0xbd: {  	[dreg:$0x2] =	wrdreg s24  }
0xbe: {  	[dreg:$0x3] =	wrdreg s18  }
0xbf: {  	[dreg:$0x4] =	wrdreg $0xC2800  }
0xc0: {  	[dreg:$0x5] =	wrdreg $0xA  }
0xc1: {  	_ =	task.clear_ibuf [dreg:s22], $0x6FFFF;
	_ =	strace $0x90000049  }
0xc2: {  	s29 =	simm.s32 $0xA;
	_ =	strace $0x8000004B  }
0xc3: {  	_ =	swait.ge [sflag:s29], $0x1  }
0xc4: {  	[sflag:s29] =	ssyncadd.s32 $0xFFFFFFFF  }
0xc5: {  	_ =	strace $0x9000004B  }
0xc6: {  	_ =	sfence  }
0xc7: {  	s30 =	sld [smem:$0x0];
	_ =	sdelay $0x2  }
0xc8: {  	s31 =	sshll.u32 s1, $0xD;
	s1 =	sshrl.u32 s1, $0x2  }
0xc9: {  	s4 =	sand.u32 $0x4000, s31;
	s1 =	sadd.s32 s1, s30  }
0xca: {  	s0 =	sor.u32 s4, s0;
	s1 =	sshll.u32 s1, $0x11  }
0xcb: {  	s0 =	sor.u32 s1, s0  }
0xcc: {  	s0 =	sadd.s32 $0x8F2B, s0  }
0xcd: {  	[sflag:s0] =	ssyncadd.remote.s32 $0x1  }
0xce: {  	_ =	sfence.sel $0xFFFF  }
0xcf: {  	[dreg:$0x0] =	wrdreg $0xFFFFFFFF;
	(pc) =	sbr.abs _section_cstart, $3  }
0xd0: {  	[dreg:$0x1] =	wrdreg $0xFFFFFFFF  }
0xd1: {  	_ =	task.clear_ibuf [dreg:s22], $0x2FFFF;
	_ =	strace $0x9FFFFFFF  }
0xd2: {  	(tm) =	ssettm $0x7FFFFFFF  }
0xd3: {  	_ =	shalt  }
tec
execute0_lowered:
.L_overlay_start_1:
0x0: {  	(tag) =	ssettag $0x1  }
0x1: {  	s0 =	rddreg [dreg:$0x0]  }
0x2: {  	s1 =	rddreg [dreg:$0x1];
	s3 =	srdreg.scid  }
0x3: {  	s10 =	stileid.u32;
	s2 =	rddreg [dreg:$0x2]  }
0x4: {  	s13 =	simm.s32 $0x11;
	s17 =	simm.s32 $0x80;
	s18 =	simm.s32 $0x3280  }
0x5: {  	s19 =	simm.s32 $0x4280;
	s21 =	simm.s32 $0x5280;
	s30 =	simm.s32 $0x9280  }
0x6: {  	s15 =	simm.s32 $0x1;
	s16 =	simm.s32 $0x2;
	s20 =	simm.s32 $0x9  }
0x7: {  	s28 =	simm.s32 $0xF;
	s29 =	simm.s32 $0x10;
	s31 =	simm.s32 $0x3  }
0x8: {  	s4 =	sand.u32 $0x1, s3;
	s5 =	sshll.u32 s10, $0x1;
	s3 =	simm.s32 $0x0  }
0x9: {  	s22 =	sadd.s32 $0x454600, s0;
	s11 =	sadd.s32 $0x22000, s0;
	s23 =	sshll.u32 s10, $0x7  }
0xa: {  	s24 =	sshll.u32 s10, $0xC;
	s6 =	sor.u32 s4, s5;
	[smem:$0x7FF] =	sst s3  }
0xb: {  	s4 =	ssub.s32 $0x2, s4;
	s5 =	smul.u32 $0x320, s6;
	_ =	strace $0x8000004A  }
0xc: {  	[dreg:$0x4] =	wrdreg s22;
	s8 =	sshll.u32 s6, $0x9;
	s9 =	sshrl.u32 s4, $0x1  }
0xd: {  	[dreg:$0x5] =	wrdreg s11;
	s6 =	sshll.u32 s6, $0x4;
	s22 =	simm.s32 $0xA  }
0xe: {  	s4 =	ssub.s32 s4, s9;
	s1 =	sadd.s32 s1, s6;
	s9 =	sadd.s32 s24, s2  }
0xf: {  	s6 =	simm.s32 $0x0;
	s7 =	sadd.s32 s5, s0;
	s5 =	sadd.s32 $0x83C00, s0  }
.Ltmp0:
0x10: {  	[dreg:$0x7] =	wrdreg s1;
	s26 =	smax.u32 s4, $0x1;
	(pc) =	sbr.rel .LBB2_1-.Ltmp0, $4  }
0x11: {  	s0 =	sadd.s32 s8, s0;
	s7 =	sadd.s32 $0x1BC00, s7;
	[dreg:$0xa] =	wrdreg s26  }
0x12: {  	s1 =	simm.s32 $0x5;
	s25 =	sadd.s32 $0x458A00, s0;
	[dreg:$0x6] =	wrdreg s7  }
0x13: {  	s4 =	simm.s32 $0x7;
	s0 =	sadd.s32 $0x454A00, s0;
	[dreg:$0x8] =	wrdreg s25  }
0x14: {  	v1 =	vimm.f32 $0.0e+00;
	v0 =	vmov s23;
	[dreg:$0x9] =	wrdreg s0;
	s7 =	simm.s32 $0x3200;
	s25 =	simm.s32 $0x7280  }
.LBB2_12:
0x15: {  	_ =	swait.ge [sflag:s16], $0x1000  }
0x16: {  	[sflag:s16] =	ssyncset.done $0x0  }
0x17: {  	s0 =	sadd.s32 $0x1980, s10;
	[sflag:s16] =	ssyncadd.s32 $0xFFFFF000  }
0x18: {  	[spmem:s2] =	stream.indirect.scatter.add.f32 [tilespmem:s19], [sflag:$0xA], $0x20, s0, s17, $0xb8;
	[tilespmem:$0xD280] =	vst v63  }
.LBB2_10:
0x19: {  	_ =	swait.ge [sflag:s20], $0x1000  }
0x1a: {  	[sflag:s20] =	ssyncset.done $0x0  }
0x1b: {  	[sflag:s20] =	ssyncadd.s32 $0xFFFFF000  }
0x1c: {  	_ =	swait.ge [sflag:s22], $0x1000  }
0x1d: {  	[sflag:s22] =	ssyncset.done $0x0  }
0x1e: {  	s0 =	simm.s32 $0xB;
	[sflag:s22] =	ssyncadd.s32 $0xFFFFF000  }
0x1f: {  	_ =	swait.ge [sflag:s0], $0x1000  }
0x20: {  	[sflag:s0] =	ssyncset.done $0x0  }
0x21: {  	s10 =	simm.s32 $0xC;
	[sflag:s0] =	ssyncadd.s32 $0xFFFFF000  }
0x22: {  	_ =	swait.ge [sflag:s10], $0x1000  }
0x23: {  	[sflag:s10] =	ssyncset.done $0x0  }
0x24: {  	s11 =	simm.s32 $0xD;
	[sflag:s10] =	ssyncadd.s32 $0xFFFFF000  }
0x25: {  	_ =	swait.ge [sflag:s11], $0x1000  }
0x26: {  	[sflag:s11] =	ssyncset.done $0x0  }
0x27: {  	s12 =	simm.s32 $0xE;
	[sflag:s11] =	ssyncadd.s32 $0xFFFFF000  }
0x28: {  	_ =	swait.ge [sflag:s12], $0x1000  }
0x29: {  	[sflag:s12] =	ssyncset.done $0x0  }
0x2a: {  	[sflag:s12] =	ssyncadd.s32 $0xFFFFF000  }
0x2b: {  	_ =	swait.ge [sflag:s28], $0x1000  }
0x2c: {  	[sflag:s28] =	ssyncset.done $0x0  }
0x2d: {  	[sflag:s28] =	ssyncadd.s32 $0xFFFFF000  }
0x2e: {  	s14 =	stileid.u32;
	_ =	swait.ge [sflag:s29], $0x1000  }
0x2f: {  	s7 =	sshrl.u32 s9, $0x3;
	s0 =	sshll.u32 s14, $0x6;
	[sflag:s29] =	ssyncset.done $0x0  }
0x30: {  	s0 =	sor.u32 $0x1C11, s0;
	s8 =	rddreg [dreg:$0x8];
	[sflag:s29] =	ssyncadd.s32 $0xFFFFF000  }
0x31: {  	[hbm:s8], [sflag:s0] =	dma.local [spmem:s7], $0x200  }
0x32: {  	_ =	swait.ge [sflag:s13], $0x200  }
0x33: {  	[sflag:s13] =	ssyncset.done $0x0  }
0x34: {  	s7 =	simm.s32 $0x3200;
	s23 =	rddreg [dreg:$0x5];
	[sflag:s13] =	ssyncadd.s32 $0xFFFFFE00  }
0x35: {  	[tilespmem:s18], [sflag:$0x1] =	stream.indirect.gather [hbm4b:s23+s17], $0x20, s7, s17, $0xb8;
	[tilespmem:$0xD280] =	vst v63  }
0x36: {  	_ =	swait.ge [sflag:s15], $0x1000  }
0x37: {  	[sflag:s15] =	ssyncset.done $0x0  }
0x38: {  	s24 =	rddreg [dreg:$0x9];
	[sflag:s15] =	ssyncadd.s32 $0xFFFFF000  }
0x39: {  	[hbm4b:s24+s3] =	stream.linear.scatter [tilespmem:s18], [sflag:$0x11], $0x1000, $0x38;
	[tilespmem:$0xD280] =	vst v63  }
0x3a: {  	_ =	swait.ge [sflag:s13], $0x1000  }
0x3b: {  	s6 =	sadd.s32 $0x1, s6;
	s26 =	rddreg [dreg:$0xa]  }
0x3c: {  	p0 =	sne.s32 s6, s26  }
.Ltmp1:
0x3d: {  	_ = 	snop;
	(pc) =	sbr.rel @!p0 .LBB2_11-.Ltmp1, $3  }
0x3e: {  	_ =	sdelay $0x1  }
0x3f: {  	[sflag:s13] =	ssyncset.done $0x0  }
0x40: {  	[sflag:s13] =	ssyncadd.s32 $0xFFFFF000  }
.LBB2_1:
0x41: {  	s0 =	rddreg [dreg:$0x6]  }
0x42: {  	[tilespmem:s3], [sflag:$0x11] =	stream.linear.gather [hbm4b:s0+s3], $0x1900, $0x38;
	[tilespmem:$0xD280] =	vst v63  }
0x43: {  	_ =	swait.ge [sflag:s13], $0x1900  }
0x44: {  	[sflag:s13] =	ssyncset.done $0x0  }
0x45: {  	s23 =	rddreg [dreg:$0x7];
	[sflag:s13] =	ssyncadd.s32 $0xFFFFE700  }
0x46: {  	[tilespmem:s7], [sflag:$0x11] =	stream.linear.gather [hbm4b:s23+s3], $0x80, $0x38;
	[tilespmem:$0xD280] =	vst v63  }
0x47: {  	_ =	swait.ge [sflag:s13], $0x80  }
0x48: {  	[sflag:s13] =	ssyncset.done $0x0  }
0x49: {  	s26 =	simm.s32 $0x1900;
	s24 =	rddreg [dreg:$0x4];
	[sflag:s13] =	ssyncadd.s32 $0xFFFFFF80  }
0x4a: {  	[tilespmem:s26], [sflag:$0x11] =	stream.linear.gather [hbm4b:s24+s3], $0x1900, $0x38;
	[tilespmem:$0xD280] =	vst v63  }
0x4b: {  	_ =	swait.ge [sflag:s13], $0x1900  }
0x4c: {  	[sflag:s13] =	ssyncset.done $0x0  }
0x4d: {  	s0 =	simm.s32 $0x0;
	[sflag:s13] =	ssyncadd.s32 $0xFFFFE700  }
0x4e: {  	v4 =	vld [tilespmem:s0+$0x1900]  }
0x4f: {  	v6 =	vld [tilespmem:s0+$0x1910]  }
0x50: {  	v5 =	vld [tilespmem:s0+$0x1920]  }
0x51: {  	v3 =	vld [tilespmem:s0+$0x1930]  }
0x52: {  	v2 =	vld [tilespmem:s0+$0x1940]  }
0x53: {  	v7 =	vadd.s32 v0, v4;
	v4 =	vld [tilespmem:s0+$0x1950]  }
0x54: {  	s7 =	simm.s32 $0x200;
	[tilespmem:s0+$0x1900] =	vst v7;
	v7 =	vadd.s32 v0, v6;
	v6 =	vld [tilespmem:s0+$0x1960]  }
.LBB2_2:
0x55: {  	s8 =	sshra.s32 s7, $0x2;
	p0 =	sne.s32 s7, $0x6200;
	[tilespmem:s0+$0x1910] =	vst v7;
	v5 =	vadd.s32 v0, v5;
	v7 =	vld [tilespmem:s0+$0x1970]  }
0x56: {  	v8 =	vld [tilespmem:s8+$0x1900];
	[tilespmem:s0+$0x1920] =	vst v5;
	v3 =	vadd.s32 v0, v3  }
0x57: {  	v9 =	vld [tilespmem:s8+$0x1910];
	[tilespmem:s0+$0x1930] =	vst v3;
	v2 =	vadd.s32 v0, v2  }
.Ltmp2:
0x58: {  	v5 =	vld [tilespmem:s8+$0x1920];
	[tilespmem:s0+$0x1940] =	vst v2;
	v2 =	vadd.s32 v0, v4;
	(pc) =	sbr.rel @p0 .LBB2_2-.Ltmp2, $4  }
0x59: {  	v3 =	vld [tilespmem:s8+$0x1930];
	[tilespmem:s0+$0x1950] =	vst v2;
	v4 =	vadd.s32 v0, v6  }
0x5a: {  	v2 =	vld [tilespmem:s8+$0x1940];
	[tilespmem:s0+$0x1960] =	vst v4;
	v6 =	vadd.s32 v0, v7  }
0x5b: {  	v7 =	vadd.s32 v0, v8;
	v4 =	vld [tilespmem:s8+$0x1950];
	[tilespmem:s0+$0x1970] =	vst v6;
	s0 =	smov.u32 s8  }
0x5c: {  	s7 =	sadd.s32 $0x200, s7;
	[tilespmem:s0+$0x1900] =	vst v7;
	v7 =	vadd.s32 v0, v9;
	v6 =	vld [tilespmem:s0+$0x1960]  }
0x5d: {  	[tilespmem:s0+$0x1910] =	vst v7;
	v5 =	vadd.s32 v0, v5;
	v63 =	vld [tilespmem:s0+$0x1970]  }
0x5e: {  	[tilespmem:s0+$0x1920] =	vst v5;
	v3 =	vadd.s32 v0, v3  }
0x5f: {  	[tilespmem:s0+$0x1930] =	vst v3;
	v2 =	vadd.s32 v0, v2  }
0x60: {  	[tilespmem:s0+$0x1940] =	vst v2;
	v2 =	vadd.s32 v0, v4  }
0x61: {  	[tilespmem:s0+$0x1950] =	vst v2;
	v2 =	vadd.s32 v0, v6  }
0x62: {  	[tilespmem:s0+$0x1960] =	vst v2;
	v2 =	vadd.s32 v0, v63  }
0x63: {  	s7 =	simm.s32 $0x0;
	[tilespmem:s0+$0x1970] =	vst v2;
	s0 =	simm.s32 $0x80  }
.LBB2_4:
0x64: {  	p0 =	sne.s32 s0, $0x3F80;
	[tilespmem:s7+$0xB280] =	vst v1;
	s8 =	smov.u32 s0;
	s0 =	sadd.s32 $0x80, s0  }
.Ltmp3:
0x65: {  	[tilespmem:s7+$0xB290] =	vst v1;
	(pc) =	sbr.rel @p0 .LBB2_4-.Ltmp3, $2  }
0x66: {  	_ =	sdelay $0x2  }
0x67: {  	s7 =	sshra.s32 s8, $0x2  }
0x68: {  	[tilespmem:s7+$0xB280] =	vst v1  }
0x69: {  	[tilespmem:s7+$0xB290] =	vst v1;
	s0 =	simm.s32 $0xB280  }
0x6a: {  	[spmem:s9] =	stream.linear.scatter [tilespmem:s0], [sflag:$0x11], $0x1000, $0x38;
	[tilespmem:$0xD280] =	vst v63  }
0x6b: {  	_ =	swait.ge [sflag:s13], $0x1000  }
0x6c: {  	[sflag:s13] =	ssyncset.done $0x0  }
0x6d: {  	s7 =	simm.s32 $0x0;
	[sflag:s13] =	ssyncadd.s32 $0xFFFFF000  }
0x6e: {  	[tilespmem:s18], [sflag:$0x1] =	stream.indirect.gather [hbm4b:s5+s17], $0x20, s7, s17, $0xb8;
	[tilespmem:$0xD280] =	vst v63  }
0x6f: {  	_ = 	snop  }
0x70: {  	[tilespmem:s19], [sflag:$0x2] =	stream.indirect.gather [hbm4b:s5+s17], $0x20, s17, s17, $0xb8;
	[tilespmem:$0xD280] =	vst v63  }
0x71: {  	s8 =	simm.s32 $0x100  }
0x72: {  	[tilespmem:s21], [sflag:$0x3] =	stream.indirect.gather [hbm4b:s5+s17], $0x20, s8, s17, $0xb8;
	[tilespmem:$0xD280] =	vst v63  }
0x73: {  	s10 =	simm.s32 $0x180;
	s8 =	simm.s32 $0x6280  }
0x74: {  	[tilespmem:s8], [sflag:$0x4] =	stream.indirect.gather [hbm4b:s5+s17], $0x20, s10, s17, $0xb8;
	[tilespmem:$0xD280] =	vst v63  }
0x75: {  	s11 =	simm.s32 $0x200  }
0x76: {  	[tilespmem:s25], [sflag:$0x5] =	stream.indirect.gather [hbm4b:s5+s17], $0x20, s11, s17, $0xb8;
	[tilespmem:$0xD280] =	vst v63  }
0x77: {  	s12 =	simm.s32 $0x280;
	s14 =	simm.s32 $0x8280  }
0x78: {  	[tilespmem:s14], [sflag:$0x6] =	stream.indirect.gather [hbm4b:s5+s17], $0x20, s12, s17, $0xb8;
	[tilespmem:$0xD280] =	vst v63  }
.Ltmp4:
0x79: {  	_ = 	snop;
	(pc) =	sbr.rel .LBB2_6-.Ltmp4, $4  }
0x7a: {  	s23 =	simm.s32 $0x300;
	s24 =	simm.s32 $0x380  }
0x7b: {  	[tilespmem:s30], [sflag:$0x7] =	stream.indirect.gather [hbm4b:s5+s17], $0x20, s23, s17, $0xb8;
	[tilespmem:$0xD280] =	vst v63  }
0x7c: {  	s26 =	simm.s32 $0xA280;
	s8 =	simm.s32 $0x2;
	s14 =	simm.s32 $0x0  }
0x7d: {  	[tilespmem:s26], [sflag:$0x8] =	stream.indirect.gather [hbm4b:s5+s17], $0x20, s24, s17, $0xb8;
	[tilespmem:$0xD280] =	vst v63  }
.LBB2_9:
0x7e: {  	s7 =	sadd.s32 $0x1000, s7  }
0x7f: {  	p0 =	sne.s32 s7, $0x7000  }
.Ltmp5:
0x80: {  	_ = 	snop;
	(pc) =	sbr.rel @!p0 .LBB2_10-.Ltmp5, $2  }
0x81: {  	_ =	sdelay $0x2  }
0x82: {  	s14 =	sadd.s32 $0x1, s14;
	s8 =	sadd.s32 $0x8, s8  }
.LBB2_6:
0x83: {  	p0 =	seq.s32 s7, $0x6000  }
.Ltmp6:
0x84: {  	_ = 	snop;
	(pc) =	sbr.rel @p0 .LBB2_12-.Ltmp6, $4  }
0x85: {  	_ =	swait.ge [sflag:s15], $0x1000  }
0x86: {  	s10 =	sshra.s32 s7, $0x2;
	[sflag:s15] =	ssyncset.done $0x0  }
0x87: {  	s0 =	sadd.s32 $0x1900, s10;
	[sflag:s15] =	ssyncadd.s32 $0xFFFFF000  }
0x88: {  	[spmem:s2] =	stream.indirect.scatter.add.f32 [tilespmem:s18], [sflag:$0x9], $0x20, s0, s17, $0xb8;
	[tilespmem:$0xD280] =	vst v63  }
0x89: {  	_ =	swait.ge [sflag:s20], $0x1000  }
0x8a: {  	[sflag:s20] =	ssyncset.done $0x0  }
0x8b: {  	s0 =	sadd.s32 $0x400, s10;
	[sflag:s20] =	ssyncadd.s32 $0xFFFFF000  }
0x8c: {  	[tilespmem:s18], [sflag:$0x1] =	stream.indirect.gather [hbm4b:s5+s17], $0x20, s0, s17, $0xb8;
	[tilespmem:$0xD280] =	vst v63  }
0x8d: {  	_ =	swait.ge [sflag:s16], $0x1000  }
0x8e: {  	[sflag:s16] =	ssyncset.done $0x0  }
0x8f: {  	s24 =	sadd.s32 $0x1980, s10;
	p0 =	sgt.u32 s8, $0x31;
	[sflag:s16] =	ssyncadd.s32 $0xFFFFF000  }
0x90: {  	[spmem:s2] =	stream.indirect.scatter.add.f32 [tilespmem:s19], [sflag:$0xA], $0x20, s24, s17, $0xb8;
	[tilespmem:$0xD280] =	vst v63  }
.Ltmp7:
0x91: {  	_ = 	snop;
	(pc) =	sbr.rel @p0 .LBB2_9-.Ltmp7, $4  }
0x92: {  	_ =	swait.ge [sflag:s22], $0x1000  }
0x93: {  	[sflag:s22] =	ssyncset.done $0x0  }
0x94: {  	s26 =	sadd.s32 $0x480, s10;
	[sflag:s22] =	ssyncadd.s32 $0xFFFFF000  }
0x95: {  	[tilespmem:s19], [sflag:$0x2] =	stream.indirect.gather [hbm4b:s5+s17], $0x20, s26, s17, $0xb8;
	[tilespmem:$0xD280] =	vst v63  }
0x96: {  	_ =	swait.ge [sflag:s31], $0x1000  }
0x97: {  	[sflag:s31] =	ssyncset.done $0x0  }
0x98: {  	s0 =	sadd.s32 $0x1A00, s10;
	p0 =	sgt.u32 s14, $0x4;
	[sflag:s31] =	ssyncadd.s32 $0xFFFFF000  }
0x99: {  	[spmem:s2] =	stream.indirect.scatter.add.f32 [tilespmem:s21], [sflag:$0xB], $0x20, s0, s17, $0xb8;
	[tilespmem:$0xD280] =	vst v63  }
0x9a: {  	s0 =	simm.s32 @p0 $0x4  }
0x9b: {  	_ =	swait.ge @p0 [sflag:s0], $0x1000  }
0x9c: {  	s23 =	sshra.s32 @p0 s7, $0x2;
	s12 =	simm.s32 @p0 $0x6280;
	[sflag:s0] =	ssyncset.done @p0 $0x0  }
0x9d: {  	s11 =	sadd.s32 @p0 $0x1A80, s23;
	[sflag:s0] =	ssyncadd.s32 @p0 $0xFFFFF000;
	s0 =	simm.s32 @p0 $0x80  }
0x9e: {  	[spmem:s2] =	stream.indirect.scatter.add.f32 @p0 [tilespmem:s12], [sflag:$0xC], $0x20, s11, s0, $0xb8;
	[tilespmem:$0xD280] =	vst v63  }
0x9f: {  	s11 =	simm.s32 @!p0 $0xB  }
0xa0: {  	_ =	swait.ge @!p0 [sflag:s11], $0x1000  }
0xa1: {  	[sflag:s11] =	ssyncset.done @!p0 $0x0  }
0xa2: {  	[sflag:s11] =	ssyncadd.s32 @!p0 $0xFFFFF000;
	s11 =	sshra.s32 @!p0 s7, $0x2  }
0xa3: {  	s26 =	simm.s32 @!p0 $0x5280;
	s12 =	simm.s32 @!p0 $0x80;
	s24 =	sadd.s32 @!p0 $0x500, s11  }
0xa4: {  	[tilespmem:s26], [sflag:$0x3] =	stream.indirect.gather @!p0 [hbm4b:s5+s12], $0x20, s24, s12, $0xb8;
	[tilespmem:$0xD280] =	vst v63  }
0xa5: {  	s24 =	simm.s32 @!p0 $0x4  }
0xa6: {  	_ =	swait.ge @!p0 [sflag:s24], $0x1000  }
0xa7: {  	[sflag:s24] =	ssyncset.done @!p0 $0x0  }
0xa8: {  	s26 =	simm.s32 @!p0 $0x6280;
	[sflag:s24] =	ssyncadd.s32 @!p0 $0xFFFFF000;
	s24 =	sadd.s32 @!p0 $0x1A80, s11  }
0xa9: {  	[spmem:s2] =	stream.indirect.scatter.add.f32 @!p0 [tilespmem:s26], [sflag:$0xC], $0x20, s24, s12, $0xb8;
	[tilespmem:$0xD280] =	vst v63  }
0xaa: {  	s24 =	simm.s32 @!p0 $0xC  }
0xab: {  	_ =	swait.ge @!p0 [sflag:s24], $0x1000  }
0xac: {  	[sflag:s24] =	ssyncset.done @!p0 $0x0  }
0xad: {  	[sflag:s24] =	ssyncadd.s32 @!p0 $0xFFFFF000;
	s24 =	sadd.s32 @!p0 $0x580, s11  }
0xae: {  	[tilespmem:s26], [sflag:$0x4] =	stream.indirect.gather @!p0 [hbm4b:s5+s12], $0x20, s24, s12, $0xb8;
	[tilespmem:$0xD280] =	vst v63  }
0xaf: {  	_ =	swait.ge [sflag:s1], $0x1000  }
0xb0: {  	[sflag:s1] =	ssyncset.done $0x0  }
0xb1: {  	s26 =	sadd.s32 $0x1B00, s10;
	s24 =	simm.s32 @p0 $0x6;
	[sflag:s1] =	ssyncadd.s32 $0xFFFFF000  }
0xb2: {  	[spmem:s2] =	stream.indirect.scatter.add.f32 [tilespmem:s25], [sflag:$0xD], $0x20, s26, s17, $0xb8;
	[tilespmem:$0xD280] =	vst v63  }
0xb3: {  	_ =	swait.ge @p0 [sflag:s24], $0x1000  }
0xb4: {  	[sflag:s24] =	ssyncset.done @p0 $0x0  }
0xb5: {  	s26 =	simm.s32 @p0 $0x8280;
	[sflag:s24] =	ssyncadd.s32 @p0 $0xFFFFF000;
	s24 =	sadd.s32 @p0 $0x1B80, s23  }
0xb6: {  	[spmem:s2] =	stream.indirect.scatter.add.f32 @p0 [tilespmem:s26], [sflag:$0xE], $0x20, s24, s0, $0xb8;
	[tilespmem:$0xD280] =	vst v63  }
0xb7: {  	s24 =	simm.s32 @!p0 $0xD  }
0xb8: {  	_ =	swait.ge @!p0 [sflag:s24], $0x1000  }
0xb9: {  	[sflag:s24] =	ssyncset.done @!p0 $0x0  }
0xba: {  	s26 =	simm.s32 @!p0 $0x7280;
	[sflag:s24] =	ssyncadd.s32 @!p0 $0xFFFFF000;
	s24 =	sadd.s32 @!p0 $0x600, s11  }
0xbb: {  	[tilespmem:s26], [sflag:$0x5] =	stream.indirect.gather @!p0 [hbm4b:s5+s12], $0x20, s24, s12, $0xb8;
	[tilespmem:$0xD280] =	vst v63  }
0xbc: {  	s24 =	simm.s32 @!p0 $0x6  }
0xbd: {  	_ =	swait.ge @!p0 [sflag:s24], $0x1000  }
0xbe: {  	[sflag:s24] =	ssyncset.done @!p0 $0x0  }
0xbf: {  	s26 =	simm.s32 @!p0 $0x8280;
	[sflag:s24] =	ssyncadd.s32 @!p0 $0xFFFFF000;
	s24 =	sadd.s32 @!p0 $0x1B80, s11  }
0xc0: {  	[spmem:s2] =	stream.indirect.scatter.add.f32 @!p0 [tilespmem:s26], [sflag:$0xE], $0x20, s24, s12, $0xb8;
	[tilespmem:$0xD280] =	vst v63  }
0xc1: {  	s24 =	simm.s32 @!p0 $0xE  }
0xc2: {  	_ =	swait.ge @!p0 [sflag:s24], $0x1000  }
0xc3: {  	[sflag:s24] =	ssyncset.done @!p0 $0x0  }
0xc4: {  	[sflag:s24] =	ssyncadd.s32 @!p0 $0xFFFFF000;
	s24 =	sadd.s32 @!p0 $0x680, s11  }
0xc5: {  	[tilespmem:s26], [sflag:$0x6] =	stream.indirect.gather @!p0 [hbm4b:s5+s12], $0x20, s24, s12, $0xb8;
	[tilespmem:$0xD280] =	vst v63  }
0xc6: {  	_ =	swait.ge [sflag:s4], $0x1000  }
0xc7: {  	[sflag:s4] =	ssyncset.done $0x0  }
0xc8: {  	s26 =	sadd.s32 $0x1C00, s10;
	s10 =	simm.s32 @p0 $0x8;
	[sflag:s4] =	ssyncadd.s32 $0xFFFFF000  }
0xc9: {  	[spmem:s2] =	stream.indirect.scatter.add.f32 [tilespmem:s30], [sflag:$0xF], $0x20, s26, s17, $0xb8;
	[tilespmem:$0xD280] =	vst v63  }
0xca: {  	_ =	swait.ge @p0 [sflag:s10], $0x1000  }
0xcb: {  	[sflag:s10] =	ssyncset.done @p0 $0x0  }
0xcc: {  	[sflag:s10] =	ssyncadd.s32 @p0 $0xFFFFF000;
	s10 =	sadd.s32 @p0 $0x1C80, s23;
	s23 =	simm.s32 @p0 $0xA280  }
0xcd: {  	[spmem:s2] =	stream.indirect.scatter.add.f32 @p0 [tilespmem:s23], [sflag:$0x10], $0x20, s10, s0, $0xb8;
	[tilespmem:$0xD280] =	vst v63  }
0xce: {  	s0 =	simm.s32 @!p0 $0xF  }
0xcf: {  	_ =	swait.ge @!p0 [sflag:s0], $0x1000  }
0xd0: {  	[sflag:s0] =	ssyncset.done @!p0 $0x0  }
0xd1: {  	s10 =	simm.s32 @!p0 $0x9280;
	[sflag:s0] =	ssyncadd.s32 @!p0 $0xFFFFF000;
	s0 =	sadd.s32 @!p0 $0x700, s11  }
0xd2: {  	[tilespmem:s10], [sflag:$0x7] =	stream.indirect.gather @!p0 [hbm4b:s5+s12], $0x20, s0, s12, $0xb8;
	[tilespmem:$0xD280] =	vst v63  }
0xd3: {  	s0 =	simm.s32 @!p0 $0x8  }
0xd4: {  	_ =	swait.ge @!p0 [sflag:s0], $0x1000  }
0xd5: {  	[sflag:s0] =	ssyncset.done @!p0 $0x0  }
0xd6: {  	s10 =	simm.s32 @!p0 $0xA280;
	[sflag:s0] =	ssyncadd.s32 @!p0 $0xFFFFF000;
	s0 =	sadd.s32 @!p0 $0x1C80, s11  }
0xd7: {  	[spmem:s2] =	stream.indirect.scatter.add.f32 @!p0 [tilespmem:s10], [sflag:$0x10], $0x20, s0, s12, $0xb8;
	[tilespmem:$0xD280] =	vst v63  }
.Ltmp8:
0xd8: {  	s0 =	simm.s32 @!p0 $0x10;
	(pc) =	sbr.rel .LBB2_9-.Ltmp8, $4  }
0xd9: {  	_ =	swait.ge @!p0 [sflag:s0], $0x1000  }
0xda: {  	[sflag:s0] =	ssyncset.done @!p0 $0x0  }
0xdb: {  	[sflag:s0] =	ssyncadd.s32 @!p0 $0xFFFFF000;
	s0 =	sadd.s32 @!p0 $0x780, s11  }
0xdc: {  	[tilespmem:s10], [sflag:$0x8] =	stream.indirect.gather @!p0 [hbm4b:s5+s12], $0x20, s0, s12, $0xb8;
	[tilespmem:$0xD280] =	vst v63  }
.LBB2_11:
0xdd: {  	_ =	sfence.sel $0x180000  }
0xde: {  	[bflag:$0x0] =	sbarrier.arrive $0xFFFF  }
0xdf: {  	_ =	strace $0x9000004A  }
0xe0: {  	s0 =	stileid.u32;
	[bflag:$0x2] =	sbarrier.arrive $0xFFFF  }
0xe1: {  	p0 =	sne.s32 s0, $0x0;
	s0 =	rddreg [dreg:$0x3]  }
0xe2: {  	s0 =	sadd.s32 @!p0 $0x100000, s0  }
0xe3: {  	[sflag:s0] =	ssyncadd.tile.s32 @!p0 $0x1;
	_ =	shalt  }
.Lfunc_end2:
_tile_overlayer_lowered:
.L_overlay_start_2:
0xe4: {  	(tag) =	ssettag $0x2  }
0xe5: {  	s0 =	rddreg [dreg:$0x0];
	s2 =	stileid.u32  }
0xe6: {  	s1 =	rddreg [dreg:$0x1];
	p0 =	sne.s32 s2, $0x0  }
0xe7: {  	s3 =	rddreg [dreg:$0x2];
	[bflag:$0x3] =	sbarrier.arrive $0xFFFF;
	s2 =	simm.s32 @!p0 $0x1C11  }
0xe8: {  	[timem:s3], [sflag:s2] =	dma.local @!p0 [hbm:s0], s1  }
0xe9: {  	s0 =	simm.s32 @!p0 $0x11  }
0xea: {  	_ =	swait.ge @!p0 [sflag:s0], s1  }
0xeb: {  	s1 =	ssub.s32 @!p0 $0x0, s1;
	[sflag:s0] =	ssyncset.done @!p0 $0x0  }
0xec: {  	[sflag:s0] =	ssyncadd.s32 @!p0 s1  }
0xed: {  	[bflag:$0x3] =	sbarrier.arrive $0xFFFF  }
0xee: {  	_ =	shalt  }

// kernel: kernel.7.cloned.1.call-start
scs
__scs_entry_jumppad:
0x0: {  	(pc) =	sbr.rel $0x88, $3  }
0x1: {  	(tag) =	ssettag $0x0;
	lr =	simm.s32 $0x1  }
0x2: {  	[smem:$0x3F95] =	sst lr;
	_ =	strace $0xD0000000  }
0x3: {  	_ = 	snop  }
0x4: {  	_ = 	snop  }
0x5: {  	_ = 	snop  }
0x6: {  	_ = 	snop  }
0x7: {  	_ = 	snop  }
__scs_overlays_trampoline_lowered:
0x8: {  	[smem:$0x3FA4] =	sst s0  }
0x9: {  	[smem:$0x3FA5] =	sst s1  }
0xa: {  	[smem:$0x3FA6] =	sst s2  }
0xb: {  	[smem:$0x3FA7] =	sst s3  }
0xc: {  	[smem:$0x3FA8] =	sst s4  }
0xd: {  	[smem:$0x3FA9] =	sst s5  }
0xe: {  	[smem:$0x3FAA] =	sst s6  }
0xf: {  	[smem:$0x3FAB] =	sst s7  }
0x10: {  	[smem:$0x3FAC] =	sst s8  }
0x11: {  	[smem:$0x3FAD] =	sst s9;
	s0 =	simm.s32 @!p0 $0x0  }
0x12: {  	s1 =	sld [smem:$0x3F93];
	s0 =	simm.s32 @p0 $0x1  }
0x13: {  	[smem:$0x3FAE] =	sst s0;
	s0 =	simm.s32 @!p1 $0x0  }
0x14: {  	s2 =	sld [smem:$0x3F92];
	s0 =	simm.s32 @p1 $0x1  }
0x15: {  	[smem:$0x3FAF] =	sst s0;
	s0 =	simm.s32 @!p2 $0x0  }
0x16: {  	s3 =	sld [smem:$0x3FDB];
	s0 =	simm.s32 @p2 $0x1  }
0x17: {  	s4 =	simm.s32 $0x1BF5;
	[smem:$0x3FB1] =	sst s0  }
0x18: {  	s0 =	sld [smem:$0x3F94];
	_ =	swait.ge [sflag:s4], $0x0  }
0x19: {  	s7 =	sld [smem:$0x3F95]  }
0x1a: {  	s8 =	sadd.s32 $0xFFFFE003, lr  }
0x1b: {  	s9 =	sadd.s32 $0xFFFFFEF7, lr;
	s5 =	simm.s32 $0xFFFFFFFF;
	p2 =	slt.u32 s8, $0xFFFFF086  }
0x1c: {  	p1 =	slt.u32 s9, $0xF7A;
	s5 =	simm.s32 @!p2 $0x0  }
0x1d: {  	s5 =	simm.s32 @p1 $0x1;
	p0 =	seq.s32 s7, s2  }
0x1e: {  	s7 =	smul.u32 @!p0 $0xF7A, s2;
	p2 =	seq.s32 @!p0 s5, $0x0  }
0x1f: {  	s9 =	smul.u32 $0xF7A, s1;
	s8 =	simm.s32 @!p0 $0x1BF5;
	p2 =	por !p2, p0  }
0x20: {  	[sflag:s8] =	ssyncset.s32 @!p0 $0xFFFFF086;
	s6 =	sadd.s32 @!p0 s3, s7;
	s7 =	simm.s32 @!p0 $0x108  }
0x21: {  	s3 =	sadd.s32 s3, s9;
	s6 =	sadd.s32 @!p0 $0x88, s6;
	s7 =	simm.s32 @p2 $0x1082  }
0x22: {  	[simem:s7], [sflag:s8] =	dma.local @!p0 [hbm:s6], $0xF7A  }
0x23: {  	s9 =	sor.u32 $0xD0000000, s2;
	s6 =	simm.s32 $0x108;
	_ =	swait.ge @!p0 [sflag:s8], $0x0  }
0x24: {  	s3 =	sadd.s32 $0x88, s3;
	s6 =	simm.s32 @!p1 $0x1082;
	[sflag:s4] =	ssyncset.s32 $0xFFFFF086  }
0x25: {  	[simem:s6], [sflag:s4] =	dma.local [hbm:s3], $0xF7A  }
0x26: {  	[smem:$0x3F95] =	sst s1;
	(tag) =	ssettag s2;
	_ =	strace s9  }
0x27: {  	s1 =	sld [smem:$0x3FA5]  }
0x28: {  	s2 =	sld [smem:$0x3FA6]  }
0x29: {  	s4 =	sld [smem:$0x3FA8]  }
0x2a: {  	p0 =	seq.s32 s5, $0x0;
	s5 =	sld [smem:$0x3FA9]  }
0x2b: {  	s6 =	sld [smem:$0x3FAA]  }
0x2c: {  	s7 =	sld [smem:$0x3FAB]  }
0x2d: {  	s3 =	simm.s32 $0x108;
	s8 =	sld [smem:$0x3FAC]  }
0x2e: {  	s3 =	simm.s32 @!p0 $0x1082;
	s9 =	sld [smem:$0x3FAD]  }
0x2f: {  	lr =	sadd.s32 s0, s3;
	s0 =	sld [smem:$0x3FA4]  }
0x30: {  	s3 =	sld [smem:$0x3FA7]  }
0x31: {  	[smem:$0x3FB0] =	sst s10  }
0x32: {  	s10 =	sld [smem:$0x3FAE];
	_ =	sdelay $0x3  }
0x33: {  	p0 =	seq.s32 s10, $0x1;
	s10 =	sld [smem:$0x3FB0];
	_ =	sdelay $0x3  }
0x34: {  	[smem:$0x3FB0] =	sst s10  }
0x35: {  	s10 =	sld [smem:$0x3FAF];
	_ =	sdelay $0x3  }
0x36: {  	p1 =	seq.s32 s10, $0x1;
	s10 =	sld [smem:$0x3FB0];
	_ =	sdelay $0x3  }
0x37: {  	[smem:$0x3FB0] =	sst s10  }
0x38: {  	s10 =	sld [smem:$0x3FB1]  }
0x39: {  	_ = 	snop;
	(pc) =	sbr.ind lr, $3  }
0x3a: {  	_ = 	snop  }
0x3b: {  	_ = 	snop  }
0x3c: {  	p2 =	seq.s32 s10, $0x1;
	s10 =	sld [smem:$0x3FB0]  }
0x3d: {  	_ =	shalt  }
0x3e: {  	_ =	shalt  }
0x3f: {  	_ =	shalt  }
0x40: {  	_ =	shalt  }
0x41: {  	_ =	shalt  }
0x42: {  	_ =	shalt  }
0x43: {  	_ =	shalt  }
0x44: {  	_ =	shalt  }
0x45: {  	_ =	shalt  }
0x46: {  	_ =	shalt  }
0x47: {  	_ =	shalt  }
0x48: {  	_ =	shalt  }
0x49: {  	_ =	shalt  }
0x4a: {  	_ =	shalt  }
0x4b: {  	_ =	shalt  }
0x4c: {  	_ =	shalt  }
0x4d: {  	_ =	shalt  }
0x4e: {  	_ =	shalt  }
0x4f: {  	_ =	shalt  }
0x50: {  	_ =	shalt  }
0x51: {  	_ =	shalt  }
0x52: {  	_ =	shalt  }
0x53: {  	_ =	shalt  }
0x54: {  	_ =	shalt  }
0x55: {  	_ =	shalt  }
0x56: {  	_ =	shalt  }
0x57: {  	_ =	shalt  }
0x58: {  	_ =	shalt  }
0x59: {  	_ =	shalt  }
0x5a: {  	_ =	shalt  }
0x5b: {  	_ =	shalt  }
0x5c: {  	_ =	shalt  }
0x5d: {  	_ =	shalt  }
0x5e: {  	_ =	shalt  }
0x5f: {  	_ =	shalt  }
0x60: {  	_ =	shalt  }
0x61: {  	_ =	shalt  }
0x62: {  	_ =	shalt  }
0x63: {  	_ =	shalt  }
0x64: {  	_ =	shalt  }
0x65: {  	_ =	shalt  }
0x66: {  	_ =	shalt  }
0x67: {  	_ =	shalt  }
0x68: {  	_ =	shalt  }
0x69: {  	_ =	shalt  }
0x6a: {  	_ =	shalt  }
0x6b: {  	_ =	shalt  }
0x6c: {  	_ =	shalt  }
0x6d: {  	_ =	shalt  }
0x6e: {  	_ =	shalt  }
0x6f: {  	_ =	shalt  }
0x70: {  	_ =	shalt  }
0x71: {  	_ =	shalt  }
0x72: {  	_ =	shalt  }
0x73: {  	_ =	shalt  }
0x74: {  	_ =	shalt  }
0x75: {  	_ =	shalt  }
0x76: {  	_ =	shalt  }
0x77: {  	_ =	shalt  }
0x78: {  	_ =	shalt  }
0x79: {  	_ =	shalt  }
0x7a: {  	_ =	shalt  }
0x7b: {  	_ =	shalt  }
0x7c: {  	_ =	shalt  }
0x7d: {  	_ =	shalt  }
0x7e: {  	_ =	shalt  }
0x7f: {  	_ =	shalt  }
0x80: {  	_ =	shalt  }
0x81: {  	_ =	shalt  }
0x82: {  	_ =	shalt  }
0x83: {  	_ =	shalt  }
0x84: {  	_ =	shalt  }
0x85: {  	_ =	shalt  }
0x86: {  	_ =	shalt  }
0x87: {  	_ =	shalt  }
.Lfunc_end0:
.L_simem_size_0:
called_computation_lowered:
.L_overlay_start_0:
0x88: {  	s2 =	sld [smem:$0x3FD9]  }
0x89: {  	s3 =	sld [smem:$0x3FFE];
	_ =	sdelay $0x1  }
0x8a: {  	s1 =	srdreg.scid  }
0x8b: {  	s0 =	sand.u32 $0x1, s1  }
0x8c: {  	s16 =	sshll.u32 s0, $0xA;
	s2 =	sadd.s32 s3, s2  }
0x8d: {  	s2 =	sadd.s32 s2, s16  }
0x8e: {  	[smem:$0x3FBC] =	sst s2  }
0x8f: {  	_ = 	snop  }
0x90: {  	(tm) =	ssettm $0x1  }
0x91: {  	s17 =	sld [smem:$0x3FFB];
	_ =	sdelay $0x3  }
0x92: {  	_ =	strace s17  }
0x93: {  	s2 =	sld [smem:$0x3FFC];
	_ =	sdelay $0x3  }
0x94: {  	_ =	strace s2  }
0x95: {  	s2 =	sld [smem:$0x3FFD];
	_ =	sdelay $0x3  }
0x96: {  	_ =	strace s2  }
0x97: {  	_ =	strace $0x8FFFFFFF  }
0x98: {  	s18 =	sld [smem:$0x3FDB];
	_ =	sdelay $0x1  }
0x99: {  	s19 =	simm.s32 $_scs_section_size  }
0x9a: {  	s4 =	simm.s32 $_size__tile_overlayer_lowered;
	s5 =	simm.s32 $_tile_overlayer_lowered  }
0x9b: {  	s22 =	simm.s32 $0x1BFF;
	s21 =	sshll.u32 s5, $0x1;
	s2 =	sadd.s32 s19, s18  }
0x9c: {  	s6 =	simm.s32 $0x0;
	s20 =	sshll.u32 s4, $0x1;
	s4 =	sadd.s32 s21, s2  }
0x9d: {  	[timem:s6], [sflag:s22] =	dma.local [hbm:s4], s20  }
0x9e: {  	_ =	swait.ge [sflag:s22], s20  }
0x9f: {  	s3 =	ssub.s32 $0x0, s20;
	[sflag:s22] =	ssyncset.done $0x0  }
0xa0: {  	[sflag:s22] =	ssyncadd.s32 s3;
	_ =	sdelay $0x1  }
0xa1: {  	s23 =	simm.s32 $0x1B8B  }
0xa2: {  	_ =	swait.ge [sflag:s23], $0x1  }
0xa3: {  	[sflag:s23] =	ssyncset.done $0x0  }
0xa4: {  	s25 =	simm.s32 $0x1B8E;
	s24 =	sld [smem:$0x3FFE];
	[sflag:s23] =	ssyncadd.s32 $0xFFFFFFFF  }
0xa5: {  	s26 =	simm.s32 $execute0_lowered;
	[smem:$0x3FD2] =	sst s25  }
0xa6: {  	s4 =	sshll.u32 s26, $0x1;
	_ =	strace $0x80000046;
	[dreg:$0x1] =	wrdreg $0xFFFFFFFF  }
0xa7: {  	s28 =	simm.s32 $_size_execute0_lowered;
	s2 =	sadd.s32 s2, s4;
	[dreg:$0x0] =	wrdreg $0x0  }
0xa8: {  	s4 =	sshll.u32 s28, $0x1;
	[dreg:$0x2] =	wrdreg s2  }
0xa9: {  	[dreg:$0x3] =	wrdreg s4  }
0xaa: {  	[dreg:$0x4] =	wrdreg $0xC0  }
0xab: {  	_ =	task [dreg:s6], $0x5FFFF  }
0xac: {  	[dreg:$0x1] =	wrdreg $0xFFFFFFFF  }
0xad: {  	[dreg:$0x0] =	wrdreg $0x60  }
0xae: {  	[dreg:$0x2] =	wrdreg s24  }
0xaf: {  	[dreg:$0x3] =	wrdreg $0x11C000  }
0xb0: {  	[dreg:$0x4] =	wrdreg $0x9  }
0xb1: {  	_ =	task.clear_ibuf [dreg:s6], $0x5FFFF;
	_ =	strace $0x90000046  }
0xb2: {  	s29 =	simm.s32 $0x9;
	_ =	strace $0x80000048  }
0xb3: {  	_ =	swait.ge [sflag:s29], $0x1  }
0xb4: {  	[sflag:s29] =	ssyncadd.s32 $0xFFFFFFFF  }
0xb5: {  	_ =	strace $0x90000048  }
0xb6: {  	_ =	sfence  }
0xb7: {  	s30 =	sld [smem:$0x0];
	_ =	sdelay $0x2  }
0xb8: {  	s31 =	sshll.u32 s1, $0xD;
	s1 =	sshrl.u32 s1, $0x2  }
0xb9: {  	s3 =	sand.u32 $0x4000, s31;
	s1 =	sadd.s32 s1, s30  }
0xba: {  	s0 =	sor.u32 s3, s0;
	s1 =	sshll.u32 s1, $0x11  }
0xbb: {  	s0 =	sor.u32 s1, s0  }
0xbc: {  	s0 =	sadd.s32 $0x8F2B, s0  }
0xbd: {  	[sflag:s0] =	ssyncadd.remote.s32 $0x1  }
0xbe: {  	_ =	sfence.sel $0xFFFF  }
0xbf: {  	[dreg:$0x0] =	wrdreg $0xFFFFFFFF;
	(pc) =	sbr.abs _section_cstart, $3  }
0xc0: {  	[dreg:$0x1] =	wrdreg $0xFFFFFFFF  }
0xc1: {  	_ =	task.clear_ibuf [dreg:s6], $0x2FFFF;
	_ =	strace $0x9FFFFFFF  }
0xc2: {  	(tm) =	ssettm $0x7FFFFFFF  }
0xc3: {  	_ =	shalt  }
tec
execute0_lowered:
.L_overlay_start_1:
0x0: {  	(tag) =	ssettag $0x1  }
0x1: {  	s0 =	srdreg.scid  }
0x2: {  	s6 =	stileid.u32;
	s1 =	rddreg [dreg:$0x0]  }
0x3: {  	s2 =	rddreg [dreg:$0x1];
	s5 =	simm.s32 $0x0;
	s10 =	simm.s32 $0x11  }
0x4: {  	s13 =	simm.s32 $0x80;
	s14 =	simm.s32 $0x8C00;
	s17 =	simm.s32 $0xAC00  }
0x5: {  	s19 =	simm.s32 $0xBC00;
	s21 =	simm.s32 $0xCC00;
	s29 =	simm.s32 $0x1  }
0x6: {  	s30 =	simm.s32 $0x3;
	s31 =	simm.s32 $0x4;
	s12 =	simm.s32 $0xB  }
0x7: {  	s15 =	simm.s32 $0xC;
	s18 =	simm.s32 $0xE;
	s20 =	simm.s32 $0xF  }
0x8: {  	s22 =	simm.s32 $0x10;
	s23 =	simm.s32 $0x7;
	s24 =	simm.s32 $0x0  }
0x9: {  	s0 =	sand.u32 $0x1, s0;
	s3 =	sshll.u32 s6, $0x1;
	[smem:$0x7FF] =	sst s5  }
0xa: {  	s25 =	sadd.s32 $0x1A00, s1;
	s5 =	sadd.s32 $0x2400, s1;
	s28 =	sshll.u32 s6, $0x7  }
0xb: {  	s7 =	sshll.u32 s6, $0xC;
	s3 =	sor.u32 s0, s3;
	s0 =	ssub.s32 $0x2, s0  }
0xc: {  	_ =	strace $0x80000047;
	s4 =	smul.u32 $0x8C0, s3;
	s26 =	sshrl.u32 s0, $0x1  }
.Ltmp0:
0xd: {  	[dreg:$0x3] =	wrdreg s25;
	s0 =	ssub.s32 s0, s26;
	(pc) =	sbr.rel .LBB2_1-.Ltmp0, $4  }
0xe: {  	s3 =	sshll.u32 s3, $0x9;
	s4 =	sadd.s32 s4, s1;
	s0 =	smax.u32 s0, $0x1  }
0xf: {  	s1 =	sadd.s32 s3, s1;
	s4 =	sadd.s32 $0x6400, s4;
	[dreg:$0x6] =	wrdreg s0  }
0x10: {  	s7 =	sadd.s32 s7, s2;
	s1 =	sadd.s32 $0x17C00, s1;
	[dreg:$0x4] =	wrdreg s4  }
0x11: {  	v1 =	vimm.f32 $0.0e+00;
	s25 =	simm.s32 $0xEC00;
	v0 =	vmov s28;
	s0 =	simm.s32 $0x5;
	[dreg:$0x5] =	wrdreg s1  }
.LBB2_12:
0x12: {  	_ =	swait.ge [sflag:s31], $0x1000  }
0x13: {  	[sflag:s31] =	ssyncset.done $0x0  }
0x14: {  	s1 =	sadd.s32 $0x4780, s4;
	[sflag:s31] =	ssyncadd.s32 $0xFFFFF000  }
0x15: {  	[spmem:s2] =	stream.indirect.scatter.add.f32 [tilespmem:s19], [sflag:$0xC], $0x20, s1, s13, $0xb8;
	[tilespmem:$0x12C00] =	vst v63  }
.LBB2_10:
0x16: {  	s1 =	simm.s32 $0x9  }
0x17: {  	_ =	swait.ge [sflag:s1], $0x1000  }
0x18: {  	[sflag:s1] =	ssyncset.done $0x0  }
0x19: {  	s11 =	simm.s32 $0xA;
	[sflag:s1] =	ssyncadd.s32 $0xFFFFF000  }
0x1a: {  	_ =	swait.ge [sflag:s11], $0x1000  }
0x1b: {  	[sflag:s11] =	ssyncset.done $0x0  }
0x1c: {  	[sflag:s11] =	ssyncadd.s32 $0xFFFFF000  }
0x1d: {  	_ =	swait.ge [sflag:s12], $0x1000  }
0x1e: {  	[sflag:s12] =	ssyncset.done $0x0  }
0x1f: {  	[sflag:s12] =	ssyncadd.s32 $0xFFFFF000  }
0x20: {  	_ =	swait.ge [sflag:s15], $0x1000  }
0x21: {  	[sflag:s15] =	ssyncset.done $0x0  }
0x22: {  	s16 =	simm.s32 $0xD;
	[sflag:s15] =	ssyncadd.s32 $0xFFFFF000  }
0x23: {  	_ =	swait.ge [sflag:s16], $0x1000  }
0x24: {  	[sflag:s16] =	ssyncset.done $0x0  }
0x25: {  	[sflag:s16] =	ssyncadd.s32 $0xFFFFF000  }
0x26: {  	_ =	swait.ge [sflag:s18], $0x1000  }
0x27: {  	[sflag:s18] =	ssyncset.done $0x0  }
0x28: {  	[sflag:s18] =	ssyncadd.s32 $0xFFFFF000  }
0x29: {  	_ =	swait.ge [sflag:s20], $0x1000  }
0x2a: {  	[sflag:s20] =	ssyncset.done $0x0  }
0x2b: {  	[sflag:s20] =	ssyncadd.s32 $0xFFFFF000  }
0x2c: {  	s26 =	stileid.u32;
	_ =	swait.ge [sflag:s22], $0x1000  }
0x2d: {  	s3 =	sshrl.u32 s7, $0x3;
	s1 =	sshll.u32 s26, $0x6;
	[sflag:s22] =	ssyncset.done $0x0  }
0x2e: {  	s1 =	sor.u32 $0x1C11, s1;
	s4 =	rddreg [dreg:$0x5];
	[sflag:s22] =	ssyncadd.s32 $0xFFFFF000  }
0x2f: {  	[hbm:s4], [sflag:s1] =	dma.local [spmem:s3], $0x200  }
0x30: {  	_ =	swait.ge [sflag:s10], $0x200  }
0x31: {  	s24 =	sadd.s32 $0x1, s24;
	s28 =	rddreg [dreg:$0x6]  }
0x32: {  	p0 =	sne.s32 s24, s28  }
.Ltmp1:
0x33: {  	_ = 	snop;
	(pc) =	sbr.rel @!p0 .LBB2_11-.Ltmp1, $3  }
0x34: {  	_ =	sdelay $0x1  }
0x35: {  	[sflag:s10] =	ssyncset.done $0x0  }
0x36: {  	[sflag:s10] =	ssyncadd.s32 $0xFFFFFE00  }
.LBB2_1:
0x37: {  	s1 =	simm.s32 $0x0;
	s3 =	rddreg [dreg:$0x4]  }
0x38: {  	[tilespmem:s1], [sflag:$0x11] =	stream.linear.gather [hbm4b:s3+s1], $0x4600, $0x38;
	[tilespmem:$0x12C00] =	vst v63  }
0x39: {  	_ =	swait.ge [sflag:s10], $0x4600  }
0x3a: {  	[sflag:s10] =	ssyncset.done $0x0  }
0x3b: {  	s4 =	simm.s32 $0x4600;
	s28 =	rddreg [dreg:$0x3];
	[sflag:s10] =	ssyncadd.s32 $0xFFFFBA00  }
0x3c: {  	[tilespmem:s4], [sflag:$0x11] =	stream.linear.gather [hbm4b:s28+s1], $0x4600, $0x38;
	[tilespmem:$0x12C00] =	vst v63  }
0x3d: {  	_ =	swait.ge [sflag:s10], $0x4600  }
0x3e: {  	[sflag:s10] =	ssyncset.done $0x0  }
0x3f: {  	s3 =	simm.s32 $0x0;
	[sflag:s10] =	ssyncadd.s32 $0xFFFFBA00  }
0x40: {  	v4 =	vld [tilespmem:s3+$0x4600]  }
0x41: {  	v6 =	vld [tilespmem:s3+$0x4610]  }
0x42: {  	v5 =	vld [tilespmem:s3+$0x4620]  }
0x43: {  	v3 =	vld [tilespmem:s3+$0x4630]  }
0x44: {  	v2 =	vld [tilespmem:s3+$0x4640]  }
0x45: {  	v7 =	vadd.s32 v0, v4;
	v4 =	vld [tilespmem:s3+$0x4650]  }
0x46: {  	s4 =	simm.s32 $0x200;
	[tilespmem:s3+$0x4600] =	vst v7;
	v7 =	vadd.s32 v0, v6;
	v6 =	vld [tilespmem:s3+$0x4660]  }
.LBB2_2:
0x47: {  	s26 =	sshra.s32 s4, $0x2;
	p0 =	sne.s32 s4, $0x11600;
	[tilespmem:s3+$0x4610] =	vst v7;
	v5 =	vadd.s32 v0, v5;
	v7 =	vld [tilespmem:s3+$0x4670]  }
0x48: {  	v8 =	vld [tilespmem:s26+$0x4600];
	[tilespmem:s3+$0x4620] =	vst v5;
	v3 =	vadd.s32 v0, v3  }
0x49: {  	v9 =	vld [tilespmem:s26+$0x4610];
	[tilespmem:s3+$0x4630] =	vst v3;
	v2 =	vadd.s32 v0, v2  }
.Ltmp2:
0x4a: {  	v5 =	vld [tilespmem:s26+$0x4620];
	[tilespmem:s3+$0x4640] =	vst v2;
	v2 =	vadd.s32 v0, v4;
	(pc) =	sbr.rel @p0 .LBB2_2-.Ltmp2, $4  }
0x4b: {  	v3 =	vld [tilespmem:s26+$0x4630];
	[tilespmem:s3+$0x4650] =	vst v2;
	v4 =	vadd.s32 v0, v6  }
0x4c: {  	v2 =	vld [tilespmem:s26+$0x4640];
	[tilespmem:s3+$0x4660] =	vst v4;
	v6 =	vadd.s32 v0, v7  }
0x4d: {  	v7 =	vadd.s32 v0, v8;
	v4 =	vld [tilespmem:s26+$0x4650];
	[tilespmem:s3+$0x4670] =	vst v6;
	s3 =	smov.u32 s26  }
0x4e: {  	s4 =	sadd.s32 $0x200, s4;
	[tilespmem:s3+$0x4600] =	vst v7;
	v7 =	vadd.s32 v0, v9;
	v6 =	vld [tilespmem:s3+$0x4660]  }
0x4f: {  	[tilespmem:s3+$0x4610] =	vst v7;
	v5 =	vadd.s32 v0, v5;
	v63 =	vld [tilespmem:s3+$0x4670]  }
0x50: {  	[tilespmem:s3+$0x4620] =	vst v5;
	v3 =	vadd.s32 v0, v3  }
0x51: {  	[tilespmem:s3+$0x4630] =	vst v3;
	v2 =	vadd.s32 v0, v2  }
0x52: {  	[tilespmem:s3+$0x4640] =	vst v2;
	v2 =	vadd.s32 v0, v4  }
0x53: {  	[tilespmem:s3+$0x4650] =	vst v2;
	v2 =	vadd.s32 v0, v6  }
0x54: {  	[tilespmem:s3+$0x4660] =	vst v2;
	v2 =	vadd.s32 v0, v63  }
0x55: {  	s4 =	simm.s32 $0x0;
	[tilespmem:s3+$0x4670] =	vst v2;
	s3 =	simm.s32 $0x80  }
.LBB2_4:
0x56: {  	p0 =	sne.s32 s3, $0x3F80;
	[tilespmem:s4+$0x10C00] =	vst v1;
	s26 =	smov.u32 s3;
	s3 =	sadd.s32 $0x80, s3  }
.Ltmp3:
0x57: {  	[tilespmem:s4+$0x10C10] =	vst v1;
	(pc) =	sbr.rel @p0 .LBB2_4-.Ltmp3, $2  }
0x58: {  	_ =	sdelay $0x2  }
0x59: {  	s4 =	sshra.s32 s26, $0x2  }
0x5a: {  	[tilespmem:s4+$0x10C00] =	vst v1  }
0x5b: {  	[tilespmem:s4+$0x10C10] =	vst v1;
	s1 =	simm.s32 $0x10C00  }
0x5c: {  	[spmem:s7] =	stream.linear.scatter [tilespmem:s1], [sflag:$0x11], $0x1000, $0x38;
	[tilespmem:$0x12C00] =	vst v63  }
0x5d: {  	_ =	swait.ge [sflag:s10], $0x1000  }
0x5e: {  	[sflag:s10] =	ssyncset.done $0x0  }
0x5f: {  	s26 =	simm.s32 $0x0;
	[sflag:s10] =	ssyncadd.s32 $0xFFFFF000  }
0x60: {  	[tilespmem:s14], [sflag:$0x1] =	stream.indirect.gather [hbm4b:s5+s13], $0x20, s26, s13, $0xb8;
	[tilespmem:$0x12C00] =	vst v63  }
0x61: {  	s16 =	simm.s32 $0x9C00  }
0x62: {  	[tilespmem:s16], [sflag:$0x2] =	stream.indirect.gather [hbm4b:s5+s13], $0x20, s13, s13, $0xb8;
	[tilespmem:$0x12C00] =	vst v63  }
0x63: {  	s3 =	simm.s32 $0x100  }
0x64: {  	[tilespmem:s17], [sflag:$0x3] =	stream.indirect.gather [hbm4b:s5+s13], $0x20, s3, s13, $0xb8;
	[tilespmem:$0x12C00] =	vst v63  }
0x65: {  	s4 =	simm.s32 $0x180  }
0x66: {  	[tilespmem:s19], [sflag:$0x4] =	stream.indirect.gather [hbm4b:s5+s13], $0x20, s4, s13, $0xb8;
	[tilespmem:$0x12C00] =	vst v63  }
0x67: {  	s6 =	simm.s32 $0x200  }
0x68: {  	[tilespmem:s21], [sflag:$0x5] =	stream.indirect.gather [hbm4b:s5+s13], $0x20, s6, s13, $0xb8;
	[tilespmem:$0x12C00] =	vst v63  }
0x69: {  	s8 =	simm.s32 $0x280;
	s3 =	simm.s32 $0xDC00  }
0x6a: {  	[tilespmem:s3], [sflag:$0x6] =	stream.indirect.gather [hbm4b:s5+s13], $0x20, s8, s13, $0xb8;
	[tilespmem:$0x12C00] =	vst v63  }
.Ltmp4:
0x6b: {  	_ = 	snop;
	(pc) =	sbr.rel .LBB2_6-.Ltmp4, $4  }
0x6c: {  	s9 =	simm.s32 $0x300;
	s11 =	simm.s32 $0x380  }
0x6d: {  	[tilespmem:s25], [sflag:$0x7] =	stream.indirect.gather [hbm4b:s5+s13], $0x20, s9, s13, $0xb8;
	[tilespmem:$0x12C00] =	vst v63  }
0x6e: {  	s28 =	simm.s32 $0x4;
	s16 =	simm.s32 $0xFC00;
	s3 =	simm.s32 $0x0  }
0x6f: {  	[tilespmem:s16], [sflag:$0x8] =	stream.indirect.gather [hbm4b:s5+s13], $0x20, s11, s13, $0xb8;
	[tilespmem:$0x12C00] =	vst v63  }
.LBB2_9:
0x70: {  	s26 =	sadd.s32 $0x1000, s26  }
0x71: {  	p0 =	sne.s32 s26, $0x12000  }
.Ltmp5:
0x72: {  	_ = 	snop;
	(pc) =	sbr.rel @!p0 .LBB2_10-.Ltmp5, $2  }
0x73: {  	_ =	sdelay $0x2  }
0x74: {  	s3 =	sadd.s32 $0x1, s3;
	s28 =	sadd.s32 $0x8, s28  }
.LBB2_6:
0x75: {  	_ =	swait.ge [sflag:s29], $0x1000  }
0x76: {  	s4 =	sshra.s32 s26, $0x2;
	[sflag:s29] =	ssyncset.done $0x0  }
0x77: {  	p0 =	seq.s32 s26, $0x11000;
	s6 =	sadd.s32 $0x4600, s4;
	[sflag:s29] =	ssyncadd.s32 $0xFFFFF000  }
0x78: {  	[spmem:s2] =	stream.indirect.scatter.add.f32 [tilespmem:s14], [sflag:$0x9], $0x20, s6, s13, $0xb8;
	[tilespmem:$0x12C00] =	vst v63  }
0x79: {  	s6 =	simm.s32 @p0 $0x2  }
0x7a: {  	_ =	swait.ge @p0 [sflag:s6], $0x1000  }
0x7b: {  	[sflag:s6] =	ssyncset.done @p0 $0x0  }
0x7c: {  	[sflag:s6] =	ssyncadd.s32 @p0 $0xFFFFF000;
	s6 =	sshra.s32 @p0 s26, $0x2  }
0x7d: {  	s8 =	simm.s32 @p0 $0x80;
	s9 =	simm.s32 @p0 $0x9C00;
	s6 =	sadd.s32 @p0 $0x4680, s6  }
0x7e: {  	[spmem:s2] =	stream.indirect.scatter.add.f32 @p0 [tilespmem:s9], [sflag:$0xA], $0x20, s6, s8, $0xb8;
	[tilespmem:$0x12C00] =	vst v63  }
0x7f: {  	s6 =	simm.s32 @!p0 $0x9  }
0x80: {  	_ =	swait.ge @!p0 [sflag:s6], $0x1000  }
0x81: {  	[sflag:s6] =	ssyncset.done @!p0 $0x0  }
0x82: {  	[sflag:s6] =	ssyncadd.s32 @!p0 $0xFFFFF000;
	s6 =	sshra.s32 @!p0 s26, $0x2  }
0x83: {  	s1 =	simm.s32 @!p0 $0x8C00;
	s9 =	simm.s32 @!p0 $0x80;
	s8 =	sadd.s32 @!p0 $0x400, s6  }
0x84: {  	[tilespmem:s1], [sflag:$0x1] =	stream.indirect.gather @!p0 [hbm4b:s5+s9], $0x20, s8, s9, $0xb8;
	[tilespmem:$0x12C00] =	vst v63  }
0x85: {  	s1 =	simm.s32 @!p0 $0x2  }
0x86: {  	_ =	swait.ge @!p0 [sflag:s1], $0x1000  }
0x87: {  	[sflag:s1] =	ssyncset.done @!p0 $0x0  }
0x88: {  	s8 =	simm.s32 @!p0 $0x9C00;
	[sflag:s1] =	ssyncadd.s32 @!p0 $0xFFFFF000;
	s1 =	sadd.s32 @!p0 $0x4680, s6  }
0x89: {  	[spmem:s2] =	stream.indirect.scatter.add.f32 @!p0 [tilespmem:s8], [sflag:$0xA], $0x20, s1, s9, $0xb8;
	[tilespmem:$0x12C00] =	vst v63  }
0x8a: {  	s1 =	simm.s32 @!p0 $0xA  }
0x8b: {  	_ =	swait.ge @!p0 [sflag:s1], $0x1000  }
0x8c: {  	[sflag:s1] =	ssyncset.done @!p0 $0x0  }
0x8d: {  	[sflag:s1] =	ssyncadd.s32 @!p0 $0xFFFFF000;
	s1 =	sadd.s32 @!p0 $0x480, s6  }
0x8e: {  	[tilespmem:s8], [sflag:$0x2] =	stream.indirect.gather @!p0 [hbm4b:s5+s9], $0x20, s1, s9, $0xb8;
	[tilespmem:$0x12C00] =	vst v63  }
.Ltmp6:
0x8f: {  	_ = 	snop;
	(pc) =	sbr.rel @p0 .LBB2_12-.Ltmp6, $4  }
0x90: {  	_ =	swait.ge [sflag:s30], $0x1000  }
0x91: {  	[sflag:s30] =	ssyncset.done $0x0  }
0x92: {  	s16 =	sadd.s32 $0x4700, s4;
	[sflag:s30] =	ssyncadd.s32 $0xFFFFF000  }
0x93: {  	[spmem:s2] =	stream.indirect.scatter.add.f32 [tilespmem:s17], [sflag:$0xB], $0x20, s16, s13, $0xb8;
	[tilespmem:$0x12C00] =	vst v63  }
0x94: {  	_ =	swait.ge [sflag:s12], $0x1000  }
0x95: {  	[sflag:s12] =	ssyncset.done $0x0  }
0x96: {  	s1 =	sadd.s32 $0x500, s4;
	[sflag:s12] =	ssyncadd.s32 $0xFFFFF000  }
0x97: {  	[tilespmem:s17], [sflag:$0x3] =	stream.indirect.gather [hbm4b:s5+s13], $0x20, s1, s13, $0xb8;
	[tilespmem:$0x12C00] =	vst v63  }
0x98: {  	_ =	swait.ge [sflag:s31], $0x1000  }
0x99: {  	[sflag:s31] =	ssyncset.done $0x0  }
0x9a: {  	s11 =	sadd.s32 $0x4780, s4;
	p0 =	sgt.u32 s28, $0x8B;
	[sflag:s31] =	ssyncadd.s32 $0xFFFFF000  }
0x9b: {  	[spmem:s2] =	stream.indirect.scatter.add.f32 [tilespmem:s19], [sflag:$0xC], $0x20, s11, s13, $0xb8;
	[tilespmem:$0x12C00] =	vst v63  }
.Ltmp7:
0x9c: {  	_ = 	snop;
	(pc) =	sbr.rel @p0 .LBB2_9-.Ltmp7, $4  }
0x9d: {  	_ =	swait.ge [sflag:s15], $0x1000  }
0x9e: {  	[sflag:s15] =	ssyncset.done $0x0  }
0x9f: {  	s16 =	sadd.s32 $0x580, s4;
	[sflag:s15] =	ssyncadd.s32 $0xFFFFF000  }
0xa0: {  	[tilespmem:s19], [sflag:$0x4] =	stream.indirect.gather [hbm4b:s5+s13], $0x20, s16, s13, $0xb8;
	[tilespmem:$0x12C00] =	vst v63  }
0xa1: {  	_ =	swait.ge [sflag:s0], $0x1000  }
0xa2: {  	[sflag:s0] =	ssyncset.done $0x0  }
0xa3: {  	s1 =	sadd.s32 $0x4800, s4;
	p0 =	sgt.u32 s3, $0xF;
	[sflag:s0] =	ssyncadd.s32 $0xFFFFF000  }
0xa4: {  	[spmem:s2] =	stream.indirect.scatter.add.f32 [tilespmem:s21], [sflag:$0xD], $0x20, s1, s13, $0xb8;
	[tilespmem:$0x12C00] =	vst v63  }
0xa5: {  	s1 =	simm.s32 @p0 $0x6  }
0xa6: {  	_ =	swait.ge @p0 [sflag:s1], $0x1000  }
0xa7: {  	[sflag:s1] =	ssyncset.done @p0 $0x0  }
0xa8: {  	[sflag:s1] =	ssyncadd.s32 @p0 $0xFFFFF000;
	s1 =	sshra.s32 @p0 s26, $0x2  }
0xa9: {  	s8 =	simm.s32 @p0 $0x80;
	s9 =	simm.s32 @p0 $0xDC00;
	s6 =	sadd.s32 @p0 $0x4880, s1  }
0xaa: {  	[spmem:s2] =	stream.indirect.scatter.add.f32 @p0 [tilespmem:s9], [sflag:$0xE], $0x20, s6, s8, $0xb8;
	[tilespmem:$0x12C00] =	vst v63  }
0xab: {  	s6 =	simm.s32 @!p0 $0xD  }
0xac: {  	_ =	swait.ge @!p0 [sflag:s6], $0x1000  }
0xad: {  	[sflag:s6] =	ssyncset.done @!p0 $0x0  }
0xae: {  	[sflag:s6] =	ssyncadd.s32 @!p0 $0xFFFFF000;
	s6 =	sshra.s32 @!p0 s26, $0x2  }
0xaf: {  	s11 =	simm.s32 @!p0 $0x80;
	s16 =	simm.s32 @!p0 $0xCC00;
	s9 =	sadd.s32 @!p0 $0x600, s6  }
0xb0: {  	[tilespmem:s16], [sflag:$0x5] =	stream.indirect.gather @!p0 [hbm4b:s5+s11], $0x20, s9, s11, $0xb8;
	[tilespmem:$0x12C00] =	vst v63  }
0xb1: {  	s9 =	simm.s32 @!p0 $0x6  }
0xb2: {  	_ =	swait.ge @!p0 [sflag:s9], $0x1000  }
0xb3: {  	[sflag:s9] =	ssyncset.done @!p0 $0x0  }
0xb4: {  	s16 =	simm.s32 @!p0 $0xDC00;
	[sflag:s9] =	ssyncadd.s32 @!p0 $0xFFFFF000;
	s9 =	sadd.s32 @!p0 $0x4880, s6  }
0xb5: {  	[spmem:s2] =	stream.indirect.scatter.add.f32 @!p0 [tilespmem:s16], [sflag:$0xE], $0x20, s9, s11, $0xb8;
	[tilespmem:$0x12C00] =	vst v63  }
0xb6: {  	s9 =	simm.s32 @!p0 $0xE  }
0xb7: {  	_ =	swait.ge @!p0 [sflag:s9], $0x1000  }
0xb8: {  	[sflag:s9] =	ssyncset.done @!p0 $0x0  }
0xb9: {  	[sflag:s9] =	ssyncadd.s32 @!p0 $0xFFFFF000;
	s9 =	sadd.s32 @!p0 $0x680, s6  }
0xba: {  	[tilespmem:s16], [sflag:$0x6] =	stream.indirect.gather @!p0 [hbm4b:s5+s11], $0x20, s9, s11, $0xb8;
	[tilespmem:$0x12C00] =	vst v63  }
0xbb: {  	_ =	swait.ge [sflag:s23], $0x1000  }
0xbc: {  	[sflag:s23] =	ssyncset.done $0x0  }
0xbd: {  	s16 =	sadd.s32 $0x4900, s4;
	s4 =	simm.s32 @p0 $0x8;
	[sflag:s23] =	ssyncadd.s32 $0xFFFFF000  }
0xbe: {  	[spmem:s2] =	stream.indirect.scatter.add.f32 [tilespmem:s25], [sflag:$0xF], $0x20, s16, s13, $0xb8;
	[tilespmem:$0x12C00] =	vst v63  }
0xbf: {  	_ =	swait.ge @p0 [sflag:s4], $0x1000  }
0xc0: {  	[sflag:s4] =	ssyncset.done @p0 $0x0  }
0xc1: {  	s1 =	sadd.s32 @p0 $0x4980, s1;
	[sflag:s4] =	ssyncadd.s32 @p0 $0xFFFFF000;
	s4 =	simm.s32 @p0 $0xFC00  }
0xc2: {  	[spmem:s2] =	stream.indirect.scatter.add.f32 @p0 [tilespmem:s4], [sflag:$0x10], $0x20, s1, s8, $0xb8;
	[tilespmem:$0x12C00] =	vst v63  }
0xc3: {  	s1 =	simm.s32 @!p0 $0xF  }
0xc4: {  	_ =	swait.ge @!p0 [sflag:s1], $0x1000  }
0xc5: {  	[sflag:s1] =	ssyncset.done @!p0 $0x0  }
0xc6: {  	s4 =	simm.s32 @!p0 $0xEC00;
	[sflag:s1] =	ssyncadd.s32 @!p0 $0xFFFFF000;
	s1 =	sadd.s32 @!p0 $0x700, s6  }
0xc7: {  	[tilespmem:s4], [sflag:$0x7] =	stream.indirect.gather @!p0 [hbm4b:s5+s11], $0x20, s1, s11, $0xb8;
	[tilespmem:$0x12C00] =	vst v63  }
0xc8: {  	s1 =	simm.s32 @!p0 $0x8  }
0xc9: {  	_ =	swait.ge @!p0 [sflag:s1], $0x1000  }
0xca: {  	[sflag:s1] =	ssyncset.done @!p0 $0x0  }
0xcb: {  	s4 =	simm.s32 @!p0 $0xFC00;
	[sflag:s1] =	ssyncadd.s32 @!p0 $0xFFFFF000;
	s1 =	sadd.s32 @!p0 $0x4980, s6  }
0xcc: {  	[spmem:s2] =	stream.indirect.scatter.add.f32 @!p0 [tilespmem:s4], [sflag:$0x10], $0x20, s1, s11, $0xb8;
	[tilespmem:$0x12C00] =	vst v63  }
.Ltmp8:
0xcd: {  	s1 =	simm.s32 @!p0 $0x10;
	(pc) =	sbr.rel .LBB2_9-.Ltmp8, $4  }
0xce: {  	_ =	swait.ge @!p0 [sflag:s1], $0x1000  }
0xcf: {  	[sflag:s1] =	ssyncset.done @!p0 $0x0  }
0xd0: {  	[sflag:s1] =	ssyncadd.s32 @!p0 $0xFFFFF000;
	s1 =	sadd.s32 @!p0 $0x780, s6  }
0xd1: {  	[tilespmem:s4], [sflag:$0x8] =	stream.indirect.gather @!p0 [hbm4b:s5+s11], $0x20, s1, s11, $0xb8;
	[tilespmem:$0x12C00] =	vst v63  }
.LBB2_11:
0xd2: {  	_ =	sfence.sel $0x180000  }
0xd3: {  	[bflag:$0x0] =	sbarrier.arrive $0xFFFF  }
0xd4: {  	_ =	strace $0x90000047  }
0xd5: {  	s0 =	stileid.u32;
	[bflag:$0x2] =	sbarrier.arrive $0xFFFF  }
0xd6: {  	p0 =	sne.s32 s0, $0x0;
	s0 =	rddreg [dreg:$0x2]  }
0xd7: {  	s0 =	sadd.s32 @!p0 $0x100000, s0  }
0xd8: {  	[sflag:s0] =	ssyncadd.tile.s32 @!p0 $0x1;
	_ =	shalt  }
.Lfunc_end2:
_tile_overlayer_lowered:
.L_overlay_start_2:
0xd9: {  	(tag) =	ssettag $0x2  }
0xda: {  	s0 =	rddreg [dreg:$0x0];
	s2 =	stileid.u32  }
0xdb: {  	s1 =	rddreg [dreg:$0x1];
	p0 =	sne.s32 s2, $0x0  }
0xdc: {  	s3 =	rddreg [dreg:$0x2];
	[bflag:$0x3] =	sbarrier.arrive $0xFFFF;
	s2 =	simm.s32 @!p0 $0x1C11  }
0xdd: {  	[timem:s3], [sflag:s2] =	dma.local @!p0 [hbm:s0], s1  }
0xde: {  	s0 =	simm.s32 @!p0 $0x11  }
0xdf: {  	_ =	swait.ge @!p0 [sflag:s0], s1  }
0xe0: {  	s1 =	ssub.s32 @!p0 $0x0, s1;
	[sflag:s0] =	ssyncset.done @!p0 $0x0  }
0xe1: {  	[sflag:s0] =	ssyncadd.s32 @!p0 s1  }
0xe2: {  	[bflag:$0x3] =	sbarrier.arrive $0xFFFF  }
0xe3: {  	_ =	shalt  }

</sc_bundles>
